<compile_context>
chip_gen: v7x
topology: tpu7x:2x2x1
jax: 0.10.2.dev20260603
libtpu: 0.0.44.dev20260713+nightly
codegen_flags: <defaults>
</compile_context>

<pallas_src>
import functools

import jax
import jax.numpy as jnp
from jax import lax
from jax.experimental import pallas as pl
from jax.experimental.pallas import tpu as pltpu
from jax.experimental.pallas import tpu_sc as plsc

N = 10000
E = 320000
F = 128
G = 64
OUT = 26

NC = 2
NS = 16
NW = NC * NS

N_PAD = 10240
C = 64
EC = E // C
CHUNKS = 160
LAST_W = NW - 1
LAST_CHUNKS = EC - LAST_W * CHUNKS
SEG = 40
ROWS_PER_SUB = N_PAD // NS

BR = 2000
NBLK = N // BR


def _dot(a, b, dims=(((1,), (0,)), ((), ()))):
    return lax.dot_general(a, b, dims, preferred_element_type=jnp.float32)



def _sc_degree(ei3):
    mesh = plsc.VectorSubcoreMesh(core_axis_name="c", subcore_axis_name="s",
                                  num_cores=NC, num_subcores=NS)

    @functools.partial(
        pl.kernel,
        out_type=jax.ShapeDtypeStruct((NC, N_PAD), jnp.float32),
        mesh=mesh,
        scratch_types=[
            pltpu.VMEM((CHUNKS, C), jnp.int32),
            pltpu.VMEM((C,), jnp.float32),
            pltpu.VMEM((ROWS_PER_SUB,), jnp.float32),
            pltpu.VMEM_SHARED((N_PAD,), jnp.float32),
            pltpu.SemaphoreType.DMA,
        ],
    )
    def deg_kernel(ei_h, out_h, idx_v, ones_v, zero_v, acc_sh, sem):
        cid = lax.axis_index("c")
        sid = lax.axis_index("s")
        wid = sid * NC + cid
        nchunks = jnp.where(wid == LAST_W, LAST_CHUNKS, CHUNKS)

        def _init_ones(j, _):
            ones_v[pl.ds(j * 16, 16)] = jnp.ones((16,), jnp.float32)
            return 0
        lax.fori_loop(0, C // 16, _init_ones, 0)

        def _init_zero(j, _):
            zero_v[pl.ds(j * 16, 16)] = jnp.zeros((16,), jnp.float32)
            return 0
        lax.fori_loop(0, ROWS_PER_SUB // 16, _init_zero, 0)

        @pl.when(wid < LAST_W)
        def _():
            pltpu.sync_copy(ei_h.at[1, pl.ds(wid * CHUNKS, CHUNKS)], idx_v)

        @pl.when(wid == LAST_W)
        def _():
            pltpu.sync_copy(ei_h.at[1, pl.ds(LAST_W * CHUNKS, LAST_CHUNKS)],
                            idx_v.at[pl.ds(0, LAST_CHUNKS)])

        pltpu.sync_copy(zero_v,
                        acc_sh.at[pl.ds(sid * ROWS_PER_SUB, ROWS_PER_SUB)])
        plsc.subcore_barrier()

        def chunk(i, _):
            pltpu.async_copy(ones_v, acc_sh.at[idx_v.at[i]], sem, add=True)
            return 0
        lax.fori_loop(0, nchunks, chunk, 0)

        def drain(i, _):
            pltpu.make_async_copy(ones_v, acc_sh.at[idx_v.at[0]], sem).wait()
            return 0
        lax.fori_loop(0, nchunks, drain, 0)

        plsc.subcore_barrier()
        pltpu.sync_copy(acc_sh.at[pl.ds(sid * ROWS_PER_SUB, ROWS_PER_SUB)],
                        out_h.at[cid, pl.ds(sid * ROWS_PER_SUB, ROWS_PER_SUB)])

    return deg_kernel(ei3)



def _sc_edge_scatter(p, ei3):
    mesh = plsc.VectorSubcoreMesh(core_axis_name="c", subcore_axis_name="s",
                                  num_cores=NC, num_subcores=NS)
    hc = CHUNKS // 2

    @functools.partial(
        pl.kernel,
        out_type=jax.ShapeDtypeStruct((NC, N_PAD, F), jnp.float32),
        mesh=mesh,
        scratch_types=[
            pltpu.VMEM((SEG, C), jnp.int32),
            pltpu.VMEM((SEG, C), jnp.int32),
            pltpu.VMEM((C, F), jnp.float32),
            pltpu.VMEM((C, F), jnp.float32),
            pltpu.VMEM((C, F), jnp.float32),
            pltpu.VMEM((C, F), jnp.float32),
            pltpu.VMEM_SHARED((N_PAD, F), jnp.float32),
            pltpu.SemaphoreType.DMA,
            pltpu.SemaphoreType.DMA,
            pltpu.SemaphoreType.DMA,
            pltpu.SemaphoreType.DMA,
            pltpu.SemaphoreType.DMA,
            pltpu.SemaphoreType.DMA,
            pltpu.SemaphoreType.DMA,
            pltpu.SemaphoreType.DMA,
        ],
    )
    def scat_kernel(p_h, ei_h, out_h,
                    src_v, dst_v, r0, r1, r2, r3, acc_sh,
                    g0, g1, g2, g3, s0, s1, s2, s3):
        cid = lax.axis_index("c")
        sid = lax.axis_index("s")
        wid = sid * NC + cid
        rows = (r0, r1, r2, r3)
        gsem = (g0, g1, g2, g3)
        ssem = (s0, s1, s2, s3)

        def _init_zero(i, _):
            r0[i // 8, pl.ds((i % 8) * 16, 16)] = jnp.zeros((16,),
                                                            jnp.float32)
            return 0
        lax.fori_loop(0, C * F // 16, _init_zero, 0)
        for k in range(ROWS_PER_SUB // C):
            pltpu.sync_copy(r0,
                            acc_sh.at[pl.ds(sid * ROWS_PER_SUB + k * C, C)])
        plsc.subcore_barrier()

        def _wait(buf, sem):
            pltpu.make_async_copy(p_h.at[src_v.at[0]], buf, sem).wait()

        def run_seg():
            for b in range(3):
                pltpu.async_copy(p_h.at[src_v.at[b]], rows[b], gsem[b])

            def quad(j, _):
                q = j * 4
                for b in range(4):
                    i = q + b
                    pb = (b + 3) % 4
                    _wait(rows[b], gsem[b])
                    pltpu.async_copy(rows[b], acc_sh.at[dst_v.at[i]],
                                     ssem[b], add=True)
                    if b == 0:
                        @pl.when(i > 0)
                        def _():
                            _wait(rows[pb], ssem[pb])
                    else:
                        _wait(rows[pb], ssem[pb])
                    @pl.when(i + 3 < SEG)
                    def _():
                        pltpu.async_copy(p_h.at[src_v.at[i + 3]], rows[pb],
                                         gsem[pb])
                return 0
            lax.fori_loop(0, SEG // 4, quad, 0)
            _wait(rows[3], ssem[3])

        nseg = jnp.where(wid == LAST_W, LAST_CHUNKS // SEG, CHUNKS // SEG)

        def seg(s, _):
            base = wid * CHUNKS + s * SEG
            pltpu.sync_copy(ei_h.at[0, pl.ds(base, SEG)], src_v)
            pltpu.sync_copy(ei_h.at[1, pl.ds(base, SEG)], dst_v)
            run_seg()
            return 0
        lax.fori_loop(0, nseg, seg, 0)

        plsc.subcore_barrier()

        r = sid * ROWS_PER_SUB
        pltpu.sync_copy(acc_sh.at[pl.ds(r, ROWS_PER_SUB)],
                        out_h.at[cid, pl.ds(r, ROWS_PER_SUB)])

    return scat_kernel(p, ei3)



def _k1_body(x_ref, w_ref, d0_ref, d1_ref, p_ref, dinv_ref):
    deg = d0_ref[0] + d1_ref[0] + 1.0
    dinv = lax.rsqrt(deg)
    p_ref[...] = _dot(x_ref[...], w_ref[...]) * dinv
    dinv_ref[...] = dinv


def _k1(x, W1, deg_parts3):
    return pl.pallas_call(
        _k1_body,
        grid=(NBLK,),
        in_specs=[
            pl.BlockSpec((BR, F), lambda i: (i, 0)),
            pl.BlockSpec((F, F), lambda i: (0, 0)),
            pl.BlockSpec((1, BR, 1), lambda i: (0, i, 0)),
            pl.BlockSpec((1, BR, 1), lambda i: (1, i, 0)),
        ],
        out_specs=[
            pl.BlockSpec((BR, F), lambda i: (i, 0)),
            pl.BlockSpec((BR, 1), lambda i: (i, 0)),
        ],
        out_shape=[
            jax.ShapeDtypeStruct((N, F), jnp.float32),
            jax.ShapeDtypeStruct((N, 1), jnp.float32),
        ],
    )(x, W1, deg_parts3, deg_parts3)


def _kmid_body(t0_ref, t1_ref, p_ref, dinv_ref, b_ref, w_ref, o_ref):
    dinv = dinv_ref[...]
    h = (t0_ref[0] + t1_ref[0] + p_ref[...]) * dinv + b_ref[...]
    h = jnp.maximum(h, 0.0)
    o_ref[...] = _dot(h, w_ref[...]) * dinv


def _kmid(t_parts, p, dinv, b, W):
    return pl.pallas_call(
        _kmid_body,
        grid=(NBLK,),
        in_specs=[
            pl.BlockSpec((1, BR, F), lambda i: (0, i, 0)),
            pl.BlockSpec((1, BR, F), lambda i: (1, i, 0)),
            pl.BlockSpec((BR, F), lambda i: (i, 0)),
            pl.BlockSpec((BR, 1), lambda i: (i, 0)),
            pl.BlockSpec((1, F), lambda i: (0, 0)),
            pl.BlockSpec((F, F), lambda i: (0, 0)),
        ],
        out_specs=pl.BlockSpec((BR, F), lambda i: (i, 0)),
        out_shape=jax.ShapeDtypeStruct((N, F), jnp.float32),
    )(t_parts, t_parts, p, dinv, b, W)


def _kpool_body(t0_ref, t1_ref, p_ref, dinv_ref, b_ref, batch_ref,
                w3_ref, b3_ref, s_ref, cnt_ref, out_ref):
    i = pl.program_id(0)
    dinv = dinv_ref[...]
    h = (t0_ref[0] + t1_ref[0] + p_ref[...]) * dinv + b_ref[...]
    h = jnp.maximum(h, 0.0)

    oh = (lax.broadcasted_iota(jnp.int32, (BR, G), 1)
          == batch_ref[...]).astype(jnp.float32)
    tdims = (((0,), (0,)), ((), ()))
    s_par = _dot(oh, h, tdims)
    cnt_par = _dot(oh, jnp.ones((BR, 1), jnp.float32), tdims)

    @pl.when(i == 0)
    def _():
        s_ref[...] = s_par
        cnt_ref[...] = cnt_par

    @pl.when(i > 0)
    def _():
        s_ref[...] = s_ref[...] + s_par
        cnt_ref[...] = cnt_ref[...] + cnt_par

    @pl.when(i == NBLK - 1)
    def _():
        pooled = s_ref[...] / jnp.maximum(cnt_ref[...], 1.0)
        logits = _dot(pooled, w3_ref[...]) + b3_ref[...]
        m = jnp.max(logits, axis=-1, keepdims=True)
        ex = jnp.exp(logits - m)
        out_ref[...] = ex / jnp.sum(ex, axis=-1, keepdims=True)


def _kpool(t_parts, p, dinv, b, batch_col, W3, b3):
    outs = pl.pallas_call(
        _kpool_body,
        grid=(NBLK,),
        in_specs=[
            pl.BlockSpec((1, BR, F), lambda i: (0, i, 0)),
            pl.BlockSpec((1, BR, F), lambda i: (1, i, 0)),
            pl.BlockSpec((BR, F), lambda i: (i, 0)),
            pl.BlockSpec((BR, 1), lambda i: (i, 0)),
            pl.BlockSpec((1, F), lambda i: (0, 0)),
            pl.BlockSpec((BR, 1), lambda i: (i, 0)),
            pl.BlockSpec((F, OUT), lambda i: (0, 0)),
            pl.BlockSpec((1, OUT), lambda i: (0, 0)),
        ],
        out_specs=[
            pl.BlockSpec((G, F), lambda i: (0, 0)),
            pl.BlockSpec((G, 1), lambda i: (0, 0)),
            pl.BlockSpec((G, OUT), lambda i: (0, 0)),
        ],
        out_shape=[
            jax.ShapeDtypeStruct((G, F), jnp.float32),
            jax.ShapeDtypeStruct((G, 1), jnp.float32),
            jax.ShapeDtypeStruct((G, OUT), jnp.float32),
        ],
    )(t_parts, t_parts, p, dinv, b, batch_col, W3, b3)
    return outs[2]



def kernel(x, edge_index, batch, W1, b1, W2, b2, W3, b3):
    ei3 = edge_index.reshape(2, EC, C)

    deg_parts = _sc_degree(ei3).reshape(NC, N_PAD, 1)

    p1, dinv = _k1(x, W1, deg_parts)

    t1 = _sc_edge_scatter(p1, ei3)
    p2 = _kmid(t1, p1, dinv, b1.reshape(1, F), W2)

    t2 = _sc_edge_scatter(p2, ei3)
    return _kpool(t2, p2, dinv, b2.reshape(1, F),
                  batch.reshape(N, 1), W3, b3.reshape(1, OUT))

# --- scband reference (transcript-rebuilt; emitter-appended) ---
"""Pipeline reference for scband-gnnmodel-14216341749830 (READ-ONLY COPY).

The authoritative reference and input builder live on the scoring server;
editing this copy changes nothing except your own understanding.
"""

import jax, jax.numpy as jnp
import numpy as np

N = 10000
E = 320000
F_IN = 128
H = 128
OUT = 26
G = 64


def setup_inputs(seed: int = 0) -> dict:
    key = jax.random.key(seed)
    ks = jax.random.split(key, 9)
    x = jax.random.normal(ks[0], (N, F_IN), dtype=jnp.float32)
    edge_index = jax.random.randint(ks[1], (2, E), 0, N, dtype=jnp.int32)
    batch = jnp.sort(jax.random.randint(ks[2], (N,), 0, G, dtype=jnp.int32))
    W1 = jax.random.normal(ks[3], (F_IN, H), dtype=jnp.float32) * 0.05
    b1 = jnp.zeros((H,), dtype=jnp.float32)
    W2 = jax.random.normal(ks[4], (H, H), dtype=jnp.float32) * 0.05
    b2 = jnp.zeros((H,), dtype=jnp.float32)
    W3 = jax.random.normal(ks[5], (H, OUT), dtype=jnp.float32) * 0.05
    b3 = jnp.zeros((OUT,), dtype=jnp.float32)
    return {"x": x, "edge_index": edge_index, "batch": batch,
            "W1": W1, "b1": b1, "W2": W2, "b2": b2, "W3": W3, "b3": b3}


def _gcn_layer(x, edge_index, W, b):
    n = x.shape[0]
    loop = jnp.arange(n, dtype=edge_index.dtype)
    src = jnp.concatenate([edge_index[0], loop])
    dst = jnp.concatenate([edge_index[1], loop])
    h = x @ W
    deg = jax.ops.segment_sum(jnp.ones_like(dst, dtype=h.dtype), dst, num_segments=n)
    dinv = jnp.where(deg > 0, jax.lax.rsqrt(jnp.maximum(deg, 1e-12)), 0.0)
    norm = dinv[src] * dinv[dst]
    msg = h[src] * norm[:, None]
    out = jax.ops.segment_sum(msg, dst, num_segments=n)
    return out + b


def reference(x, edge_index, batch, W1, b1, W2, b2, W3, b3):
    h = jax.nn.relu(_gcn_layer(x, edge_index, W1, b1))
    h = jax.nn.relu(_gcn_layer(h, edge_index, W2, b2))
    s = jax.ops.segment_sum(h, batch, num_segments=G)
    cnt = jax.ops.segment_sum(jnp.ones((h.shape[0],), dtype=h.dtype), batch, num_segments=G)
    pooled = s / jnp.maximum(cnt, 1.0)[:, None]
    logits = pooled @ W3 + b3
    return jax.nn.softmax(logits, axis=-1)

if __name__ == "__main__":
    import jax
    _d = setup_inputs()
    print(jax.jit(kernel)(*tuple(_d.values())))

</pallas_src>

<mosaic_0001>
#map = affine_map<(d0, d1) -> (0, 0, 0)>
#map1 = affine_map<(d0, d1) -> (0, 0)>
module attributes {stable_mosaic.version = 14 : i64} {
  func.func @deg_kernel(%arg0: i32, %arg1: i32, %arg2: memref<2x5000x64xi32, #tpu.memory_space<hbm>>, %arg3: memref<2x10240xf32, #tpu.memory_space<hbm>>, %arg4: memref<160x64xi32, #tpu.memory_space<vmem>>, %arg5: memref<64xf32, #tpu.memory_space<vmem>>, %arg6: memref<640xf32, #tpu.memory_space<vmem>>, %arg7: memref<10240xf32, #tpu.memory_space<vmem_shared>>, %arg8: memref<!tpu.dma_semaphore, #tpu.memory_space<semaphore_mem>>) attributes {dimension_semantics = [#tpu.dimension_semantics<core_parallel>, #tpu.dimension_semantics<subcore_parallel>], iteration_bounds = array<i64: 2, 16>, scalar_prefetch = 0 : i64, scratch_operands = 5 : i64, tpu.core_type = #tpu.core_type<sc_vector_subcore>, window_params = [{transform_indices = #map}, {transform_indices = #map1}]} {
    %mul3A = arith.constant 2 : i32
    %mul3A_0 = arith.muli %arg1, %mul3A : i32
    %add3A = arith.addi %mul3A_0, %arg0 : i32
    %eq3A = arith.constant 31 : i32
    %eq3A_1 = arith.cmpi eq, %add3A, %eq3A : i32
    %jit3A = arith.constant 40 : i32
    %jit3A_2 = arith.constant 160 : i32
    %select_n3A = arith.select %eq3A_1, %jit3A, %jit3A_2 : i32
    %scan3A = arith.constant 0 : i32
    %scan3A_3 = arith.constant 0 : i32
    %scan3A_4 = arith.constant 4 : i32
    %scan3A_5 = arith.addi %scan3A_3, %scan3A_4 : i32
    %scan3A_6 = arith.constant 1 : i32
    %scan3A_7 = scf.for %scan3A_53 = %scan3A_3 to %scan3A_5 step %scan3A_6 iter_args(%scan3A_54 = %scan3A) -> (i32)  : i32 {
      %broadcast_in_dim3A = arith.constant 1.000000e+00 : f32
      %broadcast_in_dim3A_55 = vector.broadcast %broadcast_in_dim3A : f32 to vector<16xf32>
      %mul3A_56 = arith.constant 16 : i32
      %mul3A_57 = arith.muli %scan3A_53, %mul3A_56 : i32
      %swap3A = arith.index_cast %mul3A_57 : i32 to index
      %swap3A_58 = tpu.vector_load %arg5[%swap3A] {strides = array<i32>} : memref<64xf32, #tpu.memory_space<vmem>>, vector<16xf32>,
      %swap3A_59 = vector.shape_cast %swap3A_58 : vector<16xf32> to vector<16xf32>
      %swap3A_60 = vector.shape_cast %broadcast_in_dim3A_55 : vector<16xf32> to vector<16xf32>
      tpu.vector_store %arg5[%swap3A], %swap3A_60 {strides = array<i32>} : memref<64xf32, #tpu.memory_space<vmem>>, vector<16xf32>,
      %scan3A_61 = arith.constant 0 : i32
      scf.yield %scan3A_61 : i32
    }
    %scan3A_8 = arith.constant 4 : i32
    %scan3A_9 = arith.constant 0 : i32
    %scan3A_10 = arith.constant 0 : i32
    %scan3A_11 = arith.constant 40 : i32
    %scan3A_12 = arith.addi %scan3A_10, %scan3A_11 : i32
    %scan3A_13 = arith.constant 1 : i32
    %scan3A_14 = scf.for %scan3A_53 = %scan3A_10 to %scan3A_12 step %scan3A_13 iter_args(%scan3A_54 = %scan3A_9) -> (i32)  : i32 {
      %broadcast_in_dim3A = arith.constant 0.000000e+00 : f32
      %broadcast_in_dim3A_55 = vector.broadcast %broadcast_in_dim3A : f32 to vector<16xf32>
      %mul3A_56 = arith.constant 16 : i32
      %mul3A_57 = arith.muli %scan3A_53, %mul3A_56 : i32
      %swap3A = arith.index_cast %mul3A_57 : i32 to index
      %swap3A_58 = tpu.vector_load %arg6[%swap3A] {strides = array<i32>} : memref<640xf32, #tpu.memory_space<vmem>>, vector<16xf32>,
      %swap3A_59 = vector.shape_cast %swap3A_58 : vector<16xf32> to vector<16xf32>
      %swap3A_60 = vector.shape_cast %broadcast_in_dim3A_55 : vector<16xf32> to vector<16xf32>
      tpu.vector_store %arg6[%swap3A], %swap3A_60 {strides = array<i32>} : memref<640xf32, #tpu.memory_space<vmem>>, vector<16xf32>,
      %scan3A_61 = arith.constant 0 : i32
      scf.yield %scan3A_61 : i32
    }
    %scan3A_15 = arith.constant 40 : i32
    %lt3A = arith.constant 31 : i32
    %lt3A_16 = arith.cmpi slt, %add3A, %lt3A : i32
    %convert_element_type3A = arith.extui %lt3A_16 : i1 to i32
    %cond3A = arith.constant 0 : i32
    %cond3A_17 = arith.cmpi ne, %convert_element_type3A, %cond3A : i32
    scf.if %cond3A_17 {
      %mul3A_53 = arith.constant 160 : i32
      %mul3A_54 = arith.muli %add3A, %mul3A_53 : i32
      %run_scoped3A = arith.constant 1 : i32
      "tpu.region"() ({
        %run_scoped3A_55 = tpu.sem_alloc : memref<!tpu.dma_semaphore, #tpu.memory_space<semaphore_mem>>
        %dma_start3A = arith.constant 0 : i32
        %dma_start3A_56 = tpu.memref_slice %arg2[%run_scoped3A, %mul3A_54, %dma_start3A] : memref<2x5000x64xi32, #tpu.memory_space<hbm>> -> memref<1x160x64xi32, #tpu.memory_space<hbm>>
        %dma_start3A_57 = tpu.memref_squeeze %dma_start3A_56 : memref<1x160x64xi32, #tpu.memory_space<hbm>> -> memref<160x64xi32, #tpu.memory_space<hbm>>
        %dma_start3A_58 = arith.constant 0 : i32
        %dma_start3A_59 = tpu.memref_slice %arg2[%run_scoped3A, %mul3A_54, %dma_start3A_58] : memref<2x5000x64xi32, #tpu.memory_space<hbm>> -> memref<1x160x64xi32, #tpu.memory_space<hbm>>
        %dma_start3A_60 = tpu.memref_squeeze %dma_start3A_59 : memref<1x160x64xi32, #tpu.memory_space<hbm>> -> memref<160x64xi32, #tpu.memory_space<hbm>>
        tpu.enqueue_dma source(%dma_start3A_60 : memref<160x64xi32, #tpu.memory_space<hbm>>) target(%arg4 : memref<160x64xi32, #tpu.memory_space<vmem>>) target_semaphore(%run_scoped3A_55 : memref<!tpu.dma_semaphore, #tpu.memory_space<semaphore_mem>>)
        %dma_wait3A = arith.constant 0 : i32
        %dma_wait3A_61 = tpu.memref_slice %arg2[%run_scoped3A, %mul3A_54, %dma_wait3A] : memref<2x5000x64xi32, #tpu.memory_space<hbm>> -> memref<1x160x64xi32, #tpu.memory_space<hbm>>
        %dma_wait3A_62 = tpu.memref_squeeze %dma_wait3A_61 : memref<1x160x64xi32, #tpu.memory_space<hbm>> -> memref<160x64xi32, #tpu.memory_space<hbm>>
        %dma_wait3A_63 = arith.constant 0 : i32
        %dma_wait3A_64 = tpu.memref_slice %arg2[%run_scoped3A, %mul3A_54, %dma_wait3A_63] : memref<2x5000x64xi32, #tpu.memory_space<hbm>> -> memref<1x160x64xi32, #tpu.memory_space<hbm>>
        %dma_wait3A_65 = tpu.memref_squeeze %dma_wait3A_64 : memref<1x160x64xi32, #tpu.memory_space<hbm>> -> memref<160x64xi32, #tpu.memory_space<hbm>>
        tpu.wait_dma2 semaphore(%run_scoped3A_55 : memref<!tpu.dma_semaphore, #tpu.memory_space<semaphore_mem>>) src(%dma_wait3A_65 : memref<160x64xi32, #tpu.memory_space<hbm>>) dst(%arg4 : memref<160x64xi32, #tpu.memory_space<vmem>>)
        tpu.yield
      }) : () -> ()
    } else {
    }
    %eq3A_18 = arith.constant 31 : i32
    %eq3A_19 = arith.cmpi eq, %add3A, %eq3A_18 : i32
    %convert_element_type3A_20 = arith.extui %eq3A_19 : i1 to i32
    %cond3A_21 = arith.constant 0 : i32
    %cond3A_22 = arith.cmpi ne, %convert_element_type3A_20, %cond3A_21 : i32
    scf.if %cond3A_22 {
      %run_scoped3A = arith.constant 1 : i32
      "tpu.region"() ({
        %run_scoped3A_53 = tpu.sem_alloc : memref<!tpu.dma_semaphore, #tpu.memory_space<semaphore_mem>>
        %dma_start3A = arith.constant 0 : i32
        %dma_start3A_54 = arith.constant 0 : i32
        %dma_start3A_55 = tpu.memref_slice %arg4[%dma_start3A, %dma_start3A_54] : memref<160x64xi32, #tpu.memory_space<vmem>> -> memref<40x64xi32, #tpu.memory_space<vmem>>
        %dma_start3A_56 = arith.constant 4960 : i32
        %dma_start3A_57 = arith.constant 0 : i32
        %dma_start3A_58 = tpu.memref_slice %arg2[%run_scoped3A, %dma_start3A_56, %dma_start3A_57] : memref<2x5000x64xi32, #tpu.memory_space<hbm>> -> memref<1x40x64xi32, #tpu.memory_space<hbm>>
        %dma_start3A_59 = tpu.memref_squeeze %dma_start3A_58 : memref<1x40x64xi32, #tpu.memory_space<hbm>> -> memref<40x64xi32, #tpu.memory_space<hbm>>
        %dma_start3A_60 = arith.constant 0 : i32
        %dma_start3A_61 = arith.constant 0 : i32
        %dma_start3A_62 = tpu.memref_slice %arg4[%dma_start3A_60, %dma_start3A_61] : memref<160x64xi32, #tpu.memory_space<vmem>> -> memref<40x64xi32, #tpu.memory_space<vmem>>
        %dma_start3A_63 = arith.constant 4960 : i32
        %dma_start3A_64 = arith.constant 0 : i32
        %dma_start3A_65 = tpu.memref_slice %arg2[%run_scoped3A, %dma_start3A_63, %dma_start3A_64] : memref<2x5000x64xi32, #tpu.memory_space<hbm>> -> memref<1x40x64xi32, #tpu.memory_space<hbm>>
        %dma_start3A_66 = tpu.memref_squeeze %dma_start3A_65 : memref<1x40x64xi32, #tpu.memory_space<hbm>> -> memref<40x64xi32, #tpu.memory_space<hbm>>
        tpu.enqueue_dma source(%dma_start3A_66 : memref<40x64xi32, #tpu.memory_space<hbm>>) target(%dma_start3A_62 : memref<40x64xi32, #tpu.memory_space<vmem>>) target_semaphore(%run_scoped3A_53 : memref<!tpu.dma_semaphore, #tpu.memory_space<semaphore_mem>>)
        %dma_wait3A = arith.constant 0 : i32
        %dma_wait3A_67 = arith.constant 0 : i32
        %dma_wait3A_68 = tpu.memref_slice %arg4[%dma_wait3A, %dma_wait3A_67] : memref<160x64xi32, #tpu.memory_space<vmem>> -> memref<40x64xi32, #tpu.memory_space<vmem>>
        %dma_wait3A_69 = arith.constant 4960 : i32
        %dma_wait3A_70 = arith.constant 0 : i32
        %dma_wait3A_71 = tpu.memref_slice %arg2[%run_scoped3A, %dma_wait3A_69, %dma_wait3A_70] : memref<2x5000x64xi32, #tpu.memory_space<hbm>> -> memref<1x40x64xi32, #tpu.memory_space<hbm>>
        %dma_wait3A_72 = tpu.memref_squeeze %dma_wait3A_71 : memref<1x40x64xi32, #tpu.memory_space<hbm>> -> memref<40x64xi32, #tpu.memory_space<hbm>>
        %dma_wait3A_73 = arith.constant 0 : i32
        %dma_wait3A_74 = arith.constant 0 : i32
        %dma_wait3A_75 = tpu.memref_slice %arg4[%dma_wait3A_73, %dma_wait3A_74] : memref<160x64xi32, #tpu.memory_space<vmem>> -> memref<40x64xi32, #tpu.memory_space<vmem>>
        %dma_wait3A_76 = arith.constant 4960 : i32
        %dma_wait3A_77 = arith.constant 0 : i32
        %dma_wait3A_78 = tpu.memref_slice %arg2[%run_scoped3A, %dma_wait3A_76, %dma_wait3A_77] : memref<2x5000x64xi32, #tpu.memory_space<hbm>> -> memref<1x40x64xi32, #tpu.memory_space<hbm>>
        %dma_wait3A_79 = tpu.memref_squeeze %dma_wait3A_78 : memref<1x40x64xi32, #tpu.memory_space<hbm>> -> memref<40x64xi32, #tpu.memory_space<hbm>>
        tpu.wait_dma2 semaphore(%run_scoped3A_53 : memref<!tpu.dma_semaphore, #tpu.memory_space<semaphore_mem>>) src(%dma_wait3A_79 : memref<40x64xi32, #tpu.memory_space<hbm>>) dst(%dma_wait3A_75 : memref<40x64xi32, #tpu.memory_space<vmem>>)
        tpu.yield
      }) : () -> ()
    } else {
    }
    %mul3A_23 = arith.constant 640 : i32
    %mul3A_24 = arith.muli %arg1, %mul3A_23 : i32
    "tpu.region"() ({
      %run_scoped3A = tpu.sem_alloc : memref<!tpu.dma_semaphore, #tpu.memory_space<semaphore_mem>>
      %dma_start3A = tpu.memref_slice %arg7[%mul3A_24] : memref<10240xf32, #tpu.memory_space<vmem_shared>> -> memref<640xf32, #tpu.memory_space<vmem_shared>>
      %dma_start3A_53 = tpu.memref_slice %arg7[%mul3A_24] : memref<10240xf32, #tpu.memory_space<vmem_shared>> -> memref<640xf32, #tpu.memory_space<vmem_shared>>
      tpu.enqueue_dma source(%arg6 : memref<640xf32, #tpu.memory_space<vmem>>) target(%dma_start3A_53 : memref<640xf32, #tpu.memory_space<vmem_shared>>) target_semaphore(%run_scoped3A : memref<!tpu.dma_semaphore, #tpu.memory_space<semaphore_mem>>)
      %dma_wait3A = tpu.memref_slice %arg7[%mul3A_24] : memref<10240xf32, #tpu.memory_space<vmem_shared>> -> memref<640xf32, #tpu.memory_space<vmem_shared>>
      %dma_wait3A_54 = tpu.memref_slice %arg7[%mul3A_24] : memref<10240xf32, #tpu.memory_space<vmem_shared>> -> memref<640xf32, #tpu.memory_space<vmem_shared>>
      tpu.wait_dma2 semaphore(%run_scoped3A : memref<!tpu.dma_semaphore, #tpu.memory_space<semaphore_mem>>) src(%arg6 : memref<640xf32, #tpu.memory_space<vmem>>) dst(%dma_wait3A_54 : memref<640xf32, #tpu.memory_space<vmem_shared>>)
      tpu.yield
    }) : () -> ()
    %barrier3A = arith.constant 0 : index
    tpu.barrier barrier_id(%barrier3A)
    %while3A = arith.constant 0 : i32
    %while3A_25 = arith.constant 0 : i32
    %while3A_26 = arith.subi %select_n3A, %while3A : i32
    %while3A_27 = arith.addi %while3A, %while3A_26 : i32
    %while3A_28 = arith.constant 1 : i32
    %while3A_29 = arith.divsi %while3A_26, %while3A_28 : i32
    %while3A_30 = arith.muli %while3A_29, %while3A_28 : i32
    %while3A_31 = arith.addi %while3A, %while3A_30 : i32
    %while3A_32 = arith.constant 1 : i32
    %while3A_33 = scf.for %while3A_53 = %while3A to %while3A_31 step %while3A_32 iter_args(%while3A_54 = %while3A_25) -> (i32)  : i32 {
      %dma_start3A = arith.constant 0 : i32
      %dma_start3A_55 = tpu.memref_slice %arg4[%while3A_53, %dma_start3A] : memref<160x64xi32, #tpu.memory_space<vmem>> -> memref<1x64xi32, #tpu.memory_space<vmem>>
      %dma_start3A_56 = tpu.memref_squeeze %dma_start3A_55 : memref<1x64xi32, #tpu.memory_space<vmem>> -> memref<64xi32, #tpu.memory_space<vmem>>
      %dma_start3A_57 = arith.constant 0 : i32
      %dma_start3A_58 = tpu.memref_slice %arg7[%dma_start3A_57] : memref<10240xf32, #tpu.memory_space<vmem_shared>> -> memref<10240xf32, #tpu.memory_space<vmem_shared>>
      tpu.enqueue_indirect_dma source(%arg5 : memref<64xf32, #tpu.memory_space<vmem>>) target(%dma_start3A_58 : memref<10240xf32, #tpu.memory_space<vmem_shared>>) offsets(%dma_start3A_56 : memref<64xi32, #tpu.memory_space<vmem>>) semaphore(%arg8 : memref<!tpu.dma_semaphore, #tpu.memory_space<semaphore_mem>>) {add = true}
      %while3A_59 = arith.constant 0 : i32
      scf.yield %while3A_59 : i32
    }
    %while3A_34 = arith.constant 1 : i32
    %while3A_35 = scf.for %while3A_53 = %while3A_31 to %while3A_27 step %while3A_34 iter_args(%while3A_54 = %while3A_33) -> (i32)  : i32 {
      %dma_start3A = arith.constant 0 : i32
      %dma_start3A_55 = tpu.memref_slice %arg4[%while3A_53, %dma_start3A] : memref<160x64xi32, #tpu.memory_space<vmem>> -> memref<1x64xi32, #tpu.memory_space<vmem>>
      %dma_start3A_56 = tpu.memref_squeeze %dma_start3A_55 : memref<1x64xi32, #tpu.memory_space<vmem>> -> memref<64xi32, #tpu.memory_space<vmem>>
      %dma_start3A_57 = arith.constant 0 : i32
      %dma_start3A_58 = tpu.memref_slice %arg7[%dma_start3A_57] : memref<10240xf32, #tpu.memory_space<vmem_shared>> -> memref<10240xf32, #tpu.memory_space<vmem_shared>>
      tpu.enqueue_indirect_dma source(%arg5 : memref<64xf32, #tpu.memory_space<vmem>>) target(%dma_start3A_58 : memref<10240xf32, #tpu.memory_space<vmem_shared>>) offsets(%dma_start3A_56 : memref<64xi32, #tpu.memory_space<vmem>>) semaphore(%arg8 : memref<!tpu.dma_semaphore, #tpu.memory_space<semaphore_mem>>) {add = true}
      %while3A_59 = arith.constant 0 : i32
      scf.yield %while3A_59 : i32
    }
    %while3A_36 = arith.constant 0 : i32
    %while3A_37 = arith.constant 0 : i32
    %while3A_38 = arith.subi %select_n3A, %while3A_36 : i32
    %while3A_39 = arith.addi %while3A_36, %while3A_38 : i32
    %while3A_40 = arith.constant 1 : i32
    %while3A_41 = arith.divsi %while3A_38, %while3A_40 : i32
    %while3A_42 = arith.muli %while3A_41, %while3A_40 : i32
    %while3A_43 = arith.addi %while3A_36, %while3A_42 : i32
    %while3A_44 = arith.constant 1 : i32
    %while3A_45 = scf.for %while3A_53 = %while3A_36 to %while3A_43 step %while3A_44 iter_args(%while3A_54 = %while3A_37) -> (i32)  : i32 {
      %dma_wait3A = arith.constant 0 : i32
      %dma_wait3A_55 = arith.constant 0 : i32
      %dma_wait3A_56 = tpu.memref_slice %arg4[%dma_wait3A, %dma_wait3A_55] : memref<160x64xi32, #tpu.memory_space<vmem>> -> memref<1x64xi32, #tpu.memory_space<vmem>>
      %dma_wait3A_57 = tpu.memref_squeeze %dma_wait3A_56 : memref<1x64xi32, #tpu.memory_space<vmem>> -> memref<64xi32, #tpu.memory_space<vmem>>
      %dma_wait3A_58 = arith.constant 0 : i32
      %dma_wait3A_59 = tpu.memref_slice %arg7[%dma_wait3A_58] : memref<10240xf32, #tpu.memory_space<vmem_shared>> -> memref<10240xf32, #tpu.memory_space<vmem_shared>>
      tpu.wait_indirect_dma semaphore(%arg8 : memref<!tpu.dma_semaphore, #tpu.memory_space<semaphore_mem>>) src(%arg5 : memref<64xf32, #tpu.memory_space<vmem>>) dst(%dma_wait3A_59 : memref<10240xf32, #tpu.memory_space<vmem_shared>>)
      %while3A_60 = arith.constant 0 : i32
      scf.yield %while3A_60 : i32
    }
    %while3A_46 = arith.constant 1 : i32
    %while3A_47 = scf.for %while3A_53 = %while3A_43 to %while3A_39 step %while3A_46 iter_args(%while3A_54 = %while3A_45) -> (i32)  : i32 {
      %dma_wait3A = arith.constant 0 : i32
      %dma_wait3A_55 = arith.constant 0 : i32
      %dma_wait3A_56 = tpu.memref_slice %arg4[%dma_wait3A, %dma_wait3A_55] : memref<160x64xi32, #tpu.memory_space<vmem>> -> memref<1x64xi32, #tpu.memory_space<vmem>>
      %dma_wait3A_57 = tpu.memref_squeeze %dma_wait3A_56 : memref<1x64xi32, #tpu.memory_space<vmem>> -> memref<64xi32, #tpu.memory_space<vmem>>
      %dma_wait3A_58 = arith.constant 0 : i32
      %dma_wait3A_59 = tpu.memref_slice %arg7[%dma_wait3A_58] : memref<10240xf32, #tpu.memory_space<vmem_shared>> -> memref<10240xf32, #tpu.memory_space<vmem_shared>>
      tpu.wait_indirect_dma semaphore(%arg8 : memref<!tpu.dma_semaphore, #tpu.memory_space<semaphore_mem>>) src(%arg5 : memref<64xf32, #tpu.memory_space<vmem>>) dst(%dma_wait3A_59 : memref<10240xf32, #tpu.memory_space<vmem_shared>>)
      %while3A_60 = arith.constant 0 : i32
      scf.yield %while3A_60 : i32
    }
    %barrier3A_48 = arith.constant 0 : index
    tpu.barrier barrier_id(%barrier3A_48)
    %mul3A_49 = arith.constant 640 : i32
    %mul3A_50 = arith.muli %arg1, %mul3A_49 : i32
    %mul3A_51 = arith.constant 640 : i32
    %mul3A_52 = arith.muli %arg1, %mul3A_51 : i32
    "tpu.region"() ({
      %run_scoped3A = tpu.sem_alloc : memref<!tpu.dma_semaphore, #tpu.memory_space<semaphore_mem>>
      %dma_start3A = tpu.memref_slice %arg3[%arg0, %mul3A_52] : memref<2x10240xf32, #tpu.memory_space<hbm>> -> memref<1x640xf32, #tpu.memory_space<hbm>>
      %dma_start3A_53 = tpu.memref_squeeze %dma_start3A : memref<1x640xf32, #tpu.memory_space<hbm>> -> memref<640xf32, #tpu.memory_space<hbm>>
      %dma_start3A_54 = tpu.memref_slice %arg7[%mul3A_50] : memref<10240xf32, #tpu.memory_space<vmem_shared>> -> memref<640xf32, #tpu.memory_space<vmem_shared>>
      tpu.enqueue_dma source(%dma_start3A_54 : memref<640xf32, #tpu.memory_space<vmem_shared>>) target(%dma_start3A_53 : memref<640xf32, #tpu.memory_space<hbm>>) target_semaphore(%run_scoped3A : memref<!tpu.dma_semaphore, #tpu.memory_space<semaphore_mem>>)
      %dma_wait3A = tpu.memref_slice %arg3[%arg0, %mul3A_52] : memref<2x10240xf32, #tpu.memory_space<hbm>> -> memref<1x640xf32, #tpu.memory_space<hbm>>
      %dma_wait3A_55 = tpu.memref_squeeze %dma_wait3A : memref<1x640xf32, #tpu.memory_space<hbm>> -> memref<640xf32, #tpu.memory_space<hbm>>
      %dma_wait3A_56 = tpu.memref_slice %arg7[%mul3A_50] : memref<10240xf32, #tpu.memory_space<vmem_shared>> -> memref<640xf32, #tpu.memory_space<vmem_shared>>
      tpu.wait_dma2 semaphore(%run_scoped3A : memref<!tpu.dma_semaphore, #tpu.memory_space<semaphore_mem>>) src(%dma_wait3A_56 : memref<640xf32, #tpu.memory_space<vmem_shared>>) dst(%dma_wait3A_55 : memref<640xf32, #tpu.memory_space<hbm>>)
      tpu.yield
    }) : () -> ()
    return
  }
}

#map = affine_map<(d0, d1) -> (0, 0)>
#map1 = affine_map<(d0, d1) -> (0, 0, 0)>
module attributes {stable_mosaic.version = 14 : i64} {
  func.func @scat_kernel(%arg0: i32, %arg1: i32, %arg2: memref<10000x128xf32, #tpu.memory_space<hbm>>, %arg3: memref<2x5000x64xi32, #tpu.memory_space<hbm>>, %arg4: memref<2x10240x128xf32, #tpu.memory_space<hbm>>, %arg5: memref<40x64xi32, #tpu.memory_space<vmem>>, %arg6: memref<40x64xi32, #tpu.memory_space<vmem>>, %arg7: memref<64x128xf32, #tpu.memory_space<vmem>>, %arg8: memref<64x128xf32, #tpu.memory_space<vmem>>, %arg9: memref<64x128xf32, #tpu.memory_space<vmem>>, %arg10: memref<64x128xf32, #tpu.memory_space<vmem>>, %arg11: memref<10240x128xf32, #tpu.memory_space<vmem_shared>>, %arg12: memref<!tpu.dma_semaphore, #tpu.memory_space<semaphore_mem>>, %arg13: memref<!tpu.dma_semaphore, #tpu.memory_space<semaphore_mem>>, %arg14: memref<!tpu.dma_semaphore, #tpu.memory_space<semaphore_mem>>, %arg15: memref<!tpu.dma_semaphore, #tpu.memory_space<semaphore_mem>>, %arg16: memref<!tpu.dma_semaphore, #tpu.memory_space<semaphore_mem>>, %arg17: memref<!tpu.dma_semaphore, #tpu.memory_space<semaphore_mem>>, %arg18: memref<!tpu.dma_semaphore, #tpu.memory_space<semaphore_mem>>, %arg19: memref<!tpu.dma_semaphore, #tpu.memory_space<semaphore_mem>>) attributes {dimension_semantics = [#tpu.dimension_semantics<core_parallel>, #tpu.dimension_semantics<subcore_parallel>], iteration_bounds = array<i64: 2, 16>, scalar_prefetch = 0 : i64, scratch_operands = 15 : i64, tpu.core_type = #tpu.core_type<sc_vector_subcore>, window_params = [{transform_indices = #map}, {transform_indices = #map1}, {transform_indices = #map1}]} {
    %mul3A = arith.constant 2 : i32
    %mul3A_0 = arith.muli %arg1, %mul3A : i32
    %add3A = arith.addi %mul3A_0, %arg0 : i32
    %scan3A = arith.constant 0 : i32
    %scan3A_1 = arith.constant 0 : i32
    %scan3A_2 = arith.constant 512 : i32
    %scan3A_3 = arith.addi %scan3A_1, %scan3A_2 : i32
    %scan3A_4 = arith.constant 1 : i32
    %scan3A_5 = scf.for %scan3A_63 = %scan3A_1 to %scan3A_3 step %scan3A_4 iter_args(%scan3A_64 = %scan3A) -> (i32)  : i32 {
      %broadcast_in_dim3A = arith.constant 0.000000e+00 : f32
      %broadcast_in_dim3A_65 = vector.broadcast %broadcast_in_dim3A : f32 to vector<16xf32>
      %jit3A_66 = arith.constant 8 : i32
      %div3A = arith.divsi %scan3A_63, %jit3A_66 : i32
      %sign3A = arith.constant 0 : i32
      %sign3A_67 = arith.cmpi sgt, %scan3A_63, %sign3A : i32
      %sign3A_68 = arith.extui %sign3A_67 : i1 to i32
      %sign3A_69 = arith.constant 0 : i32
      %sign3A_70 = arith.cmpi slt, %scan3A_63, %sign3A_69 : i32
      %sign3A_71 = arith.extui %sign3A_70 : i1 to i32
      %sign3A_72 = arith.subi %sign3A_68, %sign3A_71 : i32
      %sign3A_73 = arith.constant 0 : i32
      %sign3A_74 = arith.cmpi sgt, %jit3A_66, %sign3A_73 : i32
      %sign3A_75 = arith.extui %sign3A_74 : i1 to i32
      %sign3A_76 = arith.constant 0 : i32
      %sign3A_77 = arith.cmpi slt, %jit3A_66, %sign3A_76 : i32
      %sign3A_78 = arith.extui %sign3A_77 : i1 to i32
      %sign3A_79 = arith.subi %sign3A_75, %sign3A_78 : i32
      %ne3A = arith.cmpi ne, %sign3A_72, %sign3A_79 : i32
      %rem3A = arith.remsi %scan3A_63, %jit3A_66 : i32
      %ne3A_80 = arith.constant 0 : i32
      %ne3A_81 = arith.cmpi ne, %rem3A, %ne3A_80 : i32
      %and3A = arith.andi %ne3A, %ne3A_81 : i1
      %sub3A = arith.constant 1 : i32
      %sub3A_82 = arith.subi %div3A, %sub3A : i32
      %select_n3A_83 = arith.select %and3A, %sub3A_82, %div3A : i32
      %jit3A_84 = arith.constant 8 : i32
      %eq3A_85 = arith.constant 0 : i32
      %eq3A_86 = arith.cmpi eq, %jit3A_84, %eq3A_85 : i32
      %jit3A_87 = arith.constant 1 : i32
      %select_n3A_88 = arith.select %eq3A_86, %jit3A_87, %jit3A_84 : i32
      %rem3A_89 = arith.remsi %scan3A_63, %select_n3A_88 : i32
      %ne3A_90 = arith.constant 0 : i32
      %ne3A_91 = arith.cmpi ne, %rem3A_89, %ne3A_90 : i32
      %lt3A = arith.constant 0 : i32
      %lt3A_92 = arith.cmpi slt, %rem3A_89, %lt3A : i32
      %lt3A_93 = arith.constant 0 : i32
      %lt3A_94 = arith.cmpi slt, %select_n3A_88, %lt3A_93 : i32
      %ne3A_95 = arith.xori %lt3A_92, %lt3A_94 : i1
      %and3A_96 = arith.andi %ne3A_95, %ne3A_91 : i1
      %add3A_97 = arith.addi %rem3A_89, %select_n3A_88 : i32
      %select_n3A_98 = arith.select %and3A_96, %add3A_97, %rem3A_89 : i32
      %mul3A_99 = arith.constant 16 : i32
      %mul3A_100 = arith.muli %select_n3A_98, %mul3A_99 : i32
      %swap3A = arith.index_cast %select_n3A_83 : i32 to index
      %swap3A_101 = arith.index_cast %mul3A_100 : i32 to index
      %swap3A_102 = tpu.vector_load %arg7[%swap3A, %swap3A_101] {strides = array<i32>} : memref<64x128xf32, #tpu.memory_space<vmem>>, vector<1x16xf32>,
      %swap3A_103 = vector.shape_cast %swap3A_102 : vector<1x16xf32> to vector<16xf32>
      %swap3A_104 = vector.shape_cast %broadcast_in_dim3A_65 : vector<16xf32> to vector<1x16xf32>
      tpu.vector_store %arg7[%swap3A, %swap3A_101], %swap3A_104 {strides = array<i32>} : memref<64x128xf32, #tpu.memory_space<vmem>>, vector<1x16xf32>,
      %scan3A_105 = arith.constant 0 : i32
      scf.yield %scan3A_105 : i32
    }
    %scan3A_6 = arith.constant 512 : i32
    %mul3A_7 = arith.constant 640 : i32
    %mul3A_8 = arith.muli %arg1, %mul3A_7 : i32
    %add3A_9 = arith.constant 0 : i32
    %add3A_10 = arith.addi %mul3A_8, %add3A_9 : i32
    "tpu.region"() ({
      %run_scoped3A = tpu.sem_alloc : memref<!tpu.dma_semaphore, #tpu.memory_space<semaphore_mem>>
      %dma_start3A = arith.constant 0 : i32
      %dma_start3A_63 = tpu.memref_slice %arg11[%add3A_10, %dma_start3A] : memref<10240x128xf32, #tpu.memory_space<vmem_shared>> -> memref<64x128xf32, #tpu.memory_space<vmem_shared>>
      %dma_start3A_64 = arith.constant 0 : i32
      %dma_start3A_65 = tpu.memref_slice %arg11[%add3A_10, %dma_start3A_64] : memref<10240x128xf32, #tpu.memory_space<vmem_shared>> -> memref<64x128xf32, #tpu.memory_space<vmem_shared>>
      tpu.enqueue_dma source(%arg7 : memref<64x128xf32, #tpu.memory_space<vmem>>) target(%dma_start3A_65 : memref<64x128xf32, #tpu.memory_space<vmem_shared>>) target_semaphore(%run_scoped3A : memref<!tpu.dma_semaphore, #tpu.memory_space<semaphore_mem>>)
      %dma_wait3A = arith.constant 0 : i32
      %dma_wait3A_66 = tpu.memref_slice %arg11[%add3A_10, %dma_wait3A] : memref<10240x128xf32, #tpu.memory_space<vmem_shared>> -> memref<64x128xf32, #tpu.memory_space<vmem_shared>>
      %dma_wait3A_67 = arith.constant 0 : i32
      %dma_wait3A_68 = tpu.memref_slice %arg11[%add3A_10, %dma_wait3A_67] : memref<10240x128xf32, #tpu.memory_space<vmem_shared>> -> memref<64x128xf32, #tpu.memory_space<vmem_shared>>
      tpu.wait_dma2 semaphore(%run_scoped3A : memref<!tpu.dma_semaphore, #tpu.memory_space<semaphore_mem>>) src(%arg7 : memref<64x128xf32, #tpu.memory_space<vmem>>) dst(%dma_wait3A_68 : memref<64x128xf32, #tpu.memory_space<vmem_shared>>)
      tpu.yield
    }) : () -> ()
    %mul3A_11 = arith.constant 640 : i32
    %mul3A_12 = arith.muli %arg1, %mul3A_11 : i32
    %add3A_13 = arith.constant 64 : i32
    %add3A_14 = arith.addi %mul3A_12, %add3A_13 : i32
    "tpu.region"() ({
      %run_scoped3A = tpu.sem_alloc : memref<!tpu.dma_semaphore, #tpu.memory_space<semaphore_mem>>
      %dma_start3A = arith.constant 0 : i32
      %dma_start3A_63 = tpu.memref_slice %arg11[%add3A_14, %dma_start3A] : memref<10240x128xf32, #tpu.memory_space<vmem_shared>> -> memref<64x128xf32, #tpu.memory_space<vmem_shared>>
      %dma_start3A_64 = arith.constant 0 : i32
      %dma_start3A_65 = tpu.memref_slice %arg11[%add3A_14, %dma_start3A_64] : memref<10240x128xf32, #tpu.memory_space<vmem_shared>> -> memref<64x128xf32, #tpu.memory_space<vmem_shared>>
      tpu.enqueue_dma source(%arg7 : memref<64x128xf32, #tpu.memory_space<vmem>>) target(%dma_start3A_65 : memref<64x128xf32, #tpu.memory_space<vmem_shared>>) target_semaphore(%run_scoped3A : memref<!tpu.dma_semaphore, #tpu.memory_space<semaphore_mem>>)
      %dma_wait3A = arith.constant 0 : i32
      %dma_wait3A_66 = tpu.memref_slice %arg11[%add3A_14, %dma_wait3A] : memref<10240x128xf32, #tpu.memory_space<vmem_shared>> -> memref<64x128xf32, #tpu.memory_space<vmem_shared>>
      %dma_wait3A_67 = arith.constant 0 : i32
      %dma_wait3A_68 = tpu.memref_slice %arg11[%add3A_14, %dma_wait3A_67] : memref<10240x128xf32, #tpu.memory_space<vmem_shared>> -> memref<64x128xf32, #tpu.memory_space<vmem_shared>>
      tpu.wait_dma2 semaphore(%run_scoped3A : memref<!tpu.dma_semaphore, #tpu.memory_space<semaphore_mem>>) src(%arg7 : memref<64x128xf32, #tpu.memory_space<vmem>>) dst(%dma_wait3A_68 : memref<64x128xf32, #tpu.memory_space<vmem_shared>>)
      tpu.yield
    }) : () -> ()
    %mul3A_15 = arith.constant 640 : i32
    %mul3A_16 = arith.muli %arg1, %mul3A_15 : i32
    %add3A_17 = arith.constant 128 : i32
    %add3A_18 = arith.addi %mul3A_16, %add3A_17 : i32
    "tpu.region"() ({
      %run_scoped3A = tpu.sem_alloc : memref<!tpu.dma_semaphore, #tpu.memory_space<semaphore_mem>>
      %dma_start3A = arith.constant 0 : i32
      %dma_start3A_63 = tpu.memref_slice %arg11[%add3A_18, %dma_start3A] : memref<10240x128xf32, #tpu.memory_space<vmem_shared>> -> memref<64x128xf32, #tpu.memory_space<vmem_shared>>
      %dma_start3A_64 = arith.constant 0 : i32
      %dma_start3A_65 = tpu.memref_slice %arg11[%add3A_18, %dma_start3A_64] : memref<10240x128xf32, #tpu.memory_space<vmem_shared>> -> memref<64x128xf32, #tpu.memory_space<vmem_shared>>
      tpu.enqueue_dma source(%arg7 : memref<64x128xf32, #tpu.memory_space<vmem>>) target(%dma_start3A_65 : memref<64x128xf32, #tpu.memory_space<vmem_shared>>) target_semaphore(%run_scoped3A : memref<!tpu.dma_semaphore, #tpu.memory_space<semaphore_mem>>)
      %dma_wait3A = arith.constant 0 : i32
      %dma_wait3A_66 = tpu.memref_slice %arg11[%add3A_18, %dma_wait3A] : memref<10240x128xf32, #tpu.memory_space<vmem_shared>> -> memref<64x128xf32, #tpu.memory_space<vmem_shared>>
      %dma_wait3A_67 = arith.constant 0 : i32
      %dma_wait3A_68 = tpu.memref_slice %arg11[%add3A_18, %dma_wait3A_67] : memref<10240x128xf32, #tpu.memory_space<vmem_shared>> -> memref<64x128xf32, #tpu.memory_space<vmem_shared>>
      tpu.wait_dma2 semaphore(%run_scoped3A : memref<!tpu.dma_semaphore, #tpu.memory_space<semaphore_mem>>) src(%arg7 : memref<64x128xf32, #tpu.memory_space<vmem>>) dst(%dma_wait3A_68 : memref<64x128xf32, #tpu.memory_space<vmem_shared>>)
      tpu.yield
    }) : () -> ()
    %mul3A_19 = arith.constant 640 : i32
    %mul3A_20 = arith.muli %arg1, %mul3A_19 : i32
    %add3A_21 = arith.constant 192 : i32
    %add3A_22 = arith.addi %mul3A_20, %add3A_21 : i32
    "tpu.region"() ({
      %run_scoped3A = tpu.sem_alloc : memref<!tpu.dma_semaphore, #tpu.memory_space<semaphore_mem>>
      %dma_start3A = arith.constant 0 : i32
      %dma_start3A_63 = tpu.memref_slice %arg11[%add3A_22, %dma_start3A] : memref<10240x128xf32, #tpu.memory_space<vmem_shared>> -> memref<64x128xf32, #tpu.memory_space<vmem_shared>>
      %dma_start3A_64 = arith.constant 0 : i32
      %dma_start3A_65 = tpu.memref_slice %arg11[%add3A_22, %dma_start3A_64] : memref<10240x128xf32, #tpu.memory_space<vmem_shared>> -> memref<64x128xf32, #tpu.memory_space<vmem_shared>>
      tpu.enqueue_dma source(%arg7 : memref<64x128xf32, #tpu.memory_space<vmem>>) target(%dma_start3A_65 : memref<64x128xf32, #tpu.memory_space<vmem_shared>>) target_semaphore(%run_scoped3A : memref<!tpu.dma_semaphore, #tpu.memory_space<semaphore_mem>>)
      %dma_wait3A = arith.constant 0 : i32
      %dma_wait3A_66 = tpu.memref_slice %arg11[%add3A_22, %dma_wait3A] : memref<10240x128xf32, #tpu.memory_space<vmem_shared>> -> memref<64x128xf32, #tpu.memory_space<vmem_shared>>
      %dma_wait3A_67 = arith.constant 0 : i32
      %dma_wait3A_68 = tpu.memref_slice %arg11[%add3A_22, %dma_wait3A_67] : memref<10240x128xf32, #tpu.memory_space<vmem_shared>> -> memref<64x128xf32, #tpu.memory_space<vmem_shared>>
      tpu.wait_dma2 semaphore(%run_scoped3A : memref<!tpu.dma_semaphore, #tpu.memory_space<semaphore_mem>>) src(%arg7 : memref<64x128xf32, #tpu.memory_space<vmem>>) dst(%dma_wait3A_68 : memref<64x128xf32, #tpu.memory_space<vmem_shared>>)
      tpu.yield
    }) : () -> ()
    %mul3A_23 = arith.constant 640 : i32
    %mul3A_24 = arith.muli %arg1, %mul3A_23 : i32
    %add3A_25 = arith.constant 256 : i32
    %add3A_26 = arith.addi %mul3A_24, %add3A_25 : i32
    "tpu.region"() ({
      %run_scoped3A = tpu.sem_alloc : memref<!tpu.dma_semaphore, #tpu.memory_space<semaphore_mem>>
      %dma_start3A = arith.constant 0 : i32
      %dma_start3A_63 = tpu.memref_slice %arg11[%add3A_26, %dma_start3A] : memref<10240x128xf32, #tpu.memory_space<vmem_shared>> -> memref<64x128xf32, #tpu.memory_space<vmem_shared>>
      %dma_start3A_64 = arith.constant 0 : i32
      %dma_start3A_65 = tpu.memref_slice %arg11[%add3A_26, %dma_start3A_64] : memref<10240x128xf32, #tpu.memory_space<vmem_shared>> -> memref<64x128xf32, #tpu.memory_space<vmem_shared>>
      tpu.enqueue_dma source(%arg7 : memref<64x128xf32, #tpu.memory_space<vmem>>) target(%dma_start3A_65 : memref<64x128xf32, #tpu.memory_space<vmem_shared>>) target_semaphore(%run_scoped3A : memref<!tpu.dma_semaphore, #tpu.memory_space<semaphore_mem>>)
      %dma_wait3A = arith.constant 0 : i32
      %dma_wait3A_66 = tpu.memref_slice %arg11[%add3A_26, %dma_wait3A] : memref<10240x128xf32, #tpu.memory_space<vmem_shared>> -> memref<64x128xf32, #tpu.memory_space<vmem_shared>>
      %dma_wait3A_67 = arith.constant 0 : i32
      %dma_wait3A_68 = tpu.memref_slice %arg11[%add3A_26, %dma_wait3A_67] : memref<10240x128xf32, #tpu.memory_space<vmem_shared>> -> memref<64x128xf32, #tpu.memory_space<vmem_shared>>
      tpu.wait_dma2 semaphore(%run_scoped3A : memref<!tpu.dma_semaphore, #tpu.memory_space<semaphore_mem>>) src(%arg7 : memref<64x128xf32, #tpu.memory_space<vmem>>) dst(%dma_wait3A_68 : memref<64x128xf32, #tpu.memory_space<vmem_shared>>)
      tpu.yield
    }) : () -> ()
    %mul3A_27 = arith.constant 640 : i32
    %mul3A_28 = arith.muli %arg1, %mul3A_27 : i32
    %add3A_29 = arith.constant 320 : i32
    %add3A_30 = arith.addi %mul3A_28, %add3A_29 : i32
    "tpu.region"() ({
      %run_scoped3A = tpu.sem_alloc : memref<!tpu.dma_semaphore, #tpu.memory_space<semaphore_mem>>
      %dma_start3A = arith.constant 0 : i32
      %dma_start3A_63 = tpu.memref_slice %arg11[%add3A_30, %dma_start3A] : memref<10240x128xf32, #tpu.memory_space<vmem_shared>> -> memref<64x128xf32, #tpu.memory_space<vmem_shared>>
      %dma_start3A_64 = arith.constant 0 : i32
      %dma_start3A_65 = tpu.memref_slice %arg11[%add3A_30, %dma_start3A_64] : memref<10240x128xf32, #tpu.memory_space<vmem_shared>> -> memref<64x128xf32, #tpu.memory_space<vmem_shared>>
      tpu.enqueue_dma source(%arg7 : memref<64x128xf32, #tpu.memory_space<vmem>>) target(%dma_start3A_65 : memref<64x128xf32, #tpu.memory_space<vmem_shared>>) target_semaphore(%run_scoped3A : memref<!tpu.dma_semaphore, #tpu.memory_space<semaphore_mem>>)
      %dma_wait3A = arith.constant 0 : i32
      %dma_wait3A_66 = tpu.memref_slice %arg11[%add3A_30, %dma_wait3A] : memref<10240x128xf32, #tpu.memory_space<vmem_shared>> -> memref<64x128xf32, #tpu.memory_space<vmem_shared>>
      %dma_wait3A_67 = arith.constant 0 : i32
      %dma_wait3A_68 = tpu.memref_slice %arg11[%add3A_30, %dma_wait3A_67] : memref<10240x128xf32, #tpu.memory_space<vmem_shared>> -> memref<64x128xf32, #tpu.memory_space<vmem_shared>>
      tpu.wait_dma2 semaphore(%run_scoped3A : memref<!tpu.dma_semaphore, #tpu.memory_space<semaphore_mem>>) src(%arg7 : memref<64x128xf32, #tpu.memory_space<vmem>>) dst(%dma_wait3A_68 : memref<64x128xf32, #tpu.memory_space<vmem_shared>>)
      tpu.yield
    }) : () -> ()
    %mul3A_31 = arith.constant 640 : i32
    %mul3A_32 = arith.muli %arg1, %mul3A_31 : i32
    %add3A_33 = arith.constant 384 : i32
    %add3A_34 = arith.addi %mul3A_32, %add3A_33 : i32
    "tpu.region"() ({
      %run_scoped3A = tpu.sem_alloc : memref<!tpu.dma_semaphore, #tpu.memory_space<semaphore_mem>>
      %dma_start3A = arith.constant 0 : i32
      %dma_start3A_63 = tpu.memref_slice %arg11[%add3A_34, %dma_start3A] : memref<10240x128xf32, #tpu.memory_space<vmem_shared>> -> memref<64x128xf32, #tpu.memory_space<vmem_shared>>
      %dma_start3A_64 = arith.constant 0 : i32
      %dma_start3A_65 = tpu.memref_slice %arg11[%add3A_34, %dma_start3A_64] : memref<10240x128xf32, #tpu.memory_space<vmem_shared>> -> memref<64x128xf32, #tpu.memory_space<vmem_shared>>
      tpu.enqueue_dma source(%arg7 : memref<64x128xf32, #tpu.memory_space<vmem>>) target(%dma_start3A_65 : memref<64x128xf32, #tpu.memory_space<vmem_shared>>) target_semaphore(%run_scoped3A : memref<!tpu.dma_semaphore, #tpu.memory_space<semaphore_mem>>)
      %dma_wait3A = arith.constant 0 : i32
      %dma_wait3A_66 = tpu.memref_slice %arg11[%add3A_34, %dma_wait3A] : memref<10240x128xf32, #tpu.memory_space<vmem_shared>> -> memref<64x128xf32, #tpu.memory_space<vmem_shared>>
      %dma_wait3A_67 = arith.constant 0 : i32
      %dma_wait3A_68 = tpu.memref_slice %arg11[%add3A_34, %dma_wait3A_67] : memref<10240x128xf32, #tpu.memory_space<vmem_shared>> -> memref<64x128xf32, #tpu.memory_space<vmem_shared>>
      tpu.wait_dma2 semaphore(%run_scoped3A : memref<!tpu.dma_semaphore, #tpu.memory_space<semaphore_mem>>) src(%arg7 : memref<64x128xf32, #tpu.memory_space<vmem>>) dst(%dma_wait3A_68 : memref<64x128xf32, #tpu.memory_space<vmem_shared>>)
      tpu.yield
    }) : () -> ()
    %mul3A_35 = arith.constant 640 : i32
    %mul3A_36 = arith.muli %arg1, %mul3A_35 : i32
    %add3A_37 = arith.constant 448 : i32
    %add3A_38 = arith.addi %mul3A_36, %add3A_37 : i32
    "tpu.region"() ({
      %run_scoped3A = tpu.sem_alloc : memref<!tpu.dma_semaphore, #tpu.memory_space<semaphore_mem>>
      %dma_start3A = arith.constant 0 : i32
      %dma_start3A_63 = tpu.memref_slice %arg11[%add3A_38, %dma_start3A] : memref<10240x128xf32, #tpu.memory_space<vmem_shared>> -> memref<64x128xf32, #tpu.memory_space<vmem_shared>>
      %dma_start3A_64 = arith.constant 0 : i32
      %dma_start3A_65 = tpu.memref_slice %arg11[%add3A_38, %dma_start3A_64] : memref<10240x128xf32, #tpu.memory_space<vmem_shared>> -> memref<64x128xf32, #tpu.memory_space<vmem_shared>>
      tpu.enqueue_dma source(%arg7 : memref<64x128xf32, #tpu.memory_space<vmem>>) target(%dma_start3A_65 : memref<64x128xf32, #tpu.memory_space<vmem_shared>>) target_semaphore(%run_scoped3A : memref<!tpu.dma_semaphore, #tpu.memory_space<semaphore_mem>>)
      %dma_wait3A = arith.constant 0 : i32
      %dma_wait3A_66 = tpu.memref_slice %arg11[%add3A_38, %dma_wait3A] : memref<10240x128xf32, #tpu.memory_space<vmem_shared>> -> memref<64x128xf32, #tpu.memory_space<vmem_shared>>
      %dma_wait3A_67 = arith.constant 0 : i32
      %dma_wait3A_68 = tpu.memref_slice %arg11[%add3A_38, %dma_wait3A_67] : memref<10240x128xf32, #tpu.memory_space<vmem_shared>> -> memref<64x128xf32, #tpu.memory_space<vmem_shared>>
      tpu.wait_dma2 semaphore(%run_scoped3A : memref<!tpu.dma_semaphore, #tpu.memory_space<semaphore_mem>>) src(%arg7 : memref<64x128xf32, #tpu.memory_space<vmem>>) dst(%dma_wait3A_68 : memref<64x128xf32, #tpu.memory_space<vmem_shared>>)
      tpu.yield
    }) : () -> ()
    %mul3A_39 = arith.constant 640 : i32
    %mul3A_40 = arith.muli %arg1, %mul3A_39 : i32
    %add3A_41 = arith.constant 512 : i32
    %add3A_42 = arith.addi %mul3A_40, %add3A_41 : i32
    "tpu.region"() ({
      %run_scoped3A = tpu.sem_alloc : memref<!tpu.dma_semaphore, #tpu.memory_space<semaphore_mem>>
      %dma_start3A = arith.constant 0 : i32
      %dma_start3A_63 = tpu.memref_slice %arg11[%add3A_42, %dma_start3A] : memref<10240x128xf32, #tpu.memory_space<vmem_shared>> -> memref<64x128xf32, #tpu.memory_space<vmem_shared>>
      %dma_start3A_64 = arith.constant 0 : i32
      %dma_start3A_65 = tpu.memref_slice %arg11[%add3A_42, %dma_start3A_64] : memref<10240x128xf32, #tpu.memory_space<vmem_shared>> -> memref<64x128xf32, #tpu.memory_space<vmem_shared>>
      tpu.enqueue_dma source(%arg7 : memref<64x128xf32, #tpu.memory_space<vmem>>) target(%dma_start3A_65 : memref<64x128xf32, #tpu.memory_space<vmem_shared>>) target_semaphore(%run_scoped3A : memref<!tpu.dma_semaphore, #tpu.memory_space<semaphore_mem>>)
      %dma_wait3A = arith.constant 0 : i32
      %dma_wait3A_66 = tpu.memref_slice %arg11[%add3A_42, %dma_wait3A] : memref<10240x128xf32, #tpu.memory_space<vmem_shared>> -> memref<64x128xf32, #tpu.memory_space<vmem_shared>>
      %dma_wait3A_67 = arith.constant 0 : i32
      %dma_wait3A_68 = tpu.memref_slice %arg11[%add3A_42, %dma_wait3A_67] : memref<10240x128xf32, #tpu.memory_space<vmem_shared>> -> memref<64x128xf32, #tpu.memory_space<vmem_shared>>
      tpu.wait_dma2 semaphore(%run_scoped3A : memref<!tpu.dma_semaphore, #tpu.memory_space<semaphore_mem>>) src(%arg7 : memref<64x128xf32, #tpu.memory_space<vmem>>) dst(%dma_wait3A_68 : memref<64x128xf32, #tpu.memory_space<vmem_shared>>)
      tpu.yield
    }) : () -> ()
    %mul3A_43 = arith.constant 640 : i32
    %mul3A_44 = arith.muli %arg1, %mul3A_43 : i32
    %add3A_45 = arith.constant 576 : i32
    %add3A_46 = arith.addi %mul3A_44, %add3A_45 : i32
    "tpu.region"() ({
      %run_scoped3A = tpu.sem_alloc : memref<!tpu.dma_semaphore, #tpu.memory_space<semaphore_mem>>
      %dma_start3A = arith.constant 0 : i32
      %dma_start3A_63 = tpu.memref_slice %arg11[%add3A_46, %dma_start3A] : memref<10240x128xf32, #tpu.memory_space<vmem_shared>> -> memref<64x128xf32, #tpu.memory_space<vmem_shared>>
      %dma_start3A_64 = arith.constant 0 : i32
      %dma_start3A_65 = tpu.memref_slice %arg11[%add3A_46, %dma_start3A_64] : memref<10240x128xf32, #tpu.memory_space<vmem_shared>> -> memref<64x128xf32, #tpu.memory_space<vmem_shared>>
      tpu.enqueue_dma source(%arg7 : memref<64x128xf32, #tpu.memory_space<vmem>>) target(%dma_start3A_65 : memref<64x128xf32, #tpu.memory_space<vmem_shared>>) target_semaphore(%run_scoped3A : memref<!tpu.dma_semaphore, #tpu.memory_space<semaphore_mem>>)
      %dma_wait3A = arith.constant 0 : i32
      %dma_wait3A_66 = tpu.memref_slice %arg11[%add3A_46, %dma_wait3A] : memref<10240x128xf32, #tpu.memory_space<vmem_shared>> -> memref<64x128xf32, #tpu.memory_space<vmem_shared>>
      %dma_wait3A_67 = arith.constant 0 : i32
      %dma_wait3A_68 = tpu.memref_slice %arg11[%add3A_46, %dma_wait3A_67] : memref<10240x128xf32, #tpu.memory_space<vmem_shared>> -> memref<64x128xf32, #tpu.memory_space<vmem_shared>>
      tpu.wait_dma2 semaphore(%run_scoped3A : memref<!tpu.dma_semaphore, #tpu.memory_space<semaphore_mem>>) src(%arg7 : memref<64x128xf32, #tpu.memory_space<vmem>>) dst(%dma_wait3A_68 : memref<64x128xf32, #tpu.memory_space<vmem_shared>>)
      tpu.yield
    }) : () -> ()
    %barrier3A = arith.constant 0 : index
    tpu.barrier barrier_id(%barrier3A)
    %eq3A = arith.constant 31 : i32
    %eq3A_47 = arith.cmpi eq, %add3A, %eq3A : i32
    %jit3A = arith.constant 1 : i32
    %jit3A_48 = arith.constant 4 : i32
    %select_n3A = arith.select %eq3A_47, %jit3A, %jit3A_48 : i32
    %while3A = arith.constant 0 : i32
    %while3A_49 = arith.constant 0 : i32
    %while3A_50 = arith.subi %select_n3A, %while3A : i32
    %while3A_51 = arith.addi %while3A, %while3A_50 : i32
    %while3A_52 = arith.constant 1 : i32
    %while3A_53 = arith.divsi %while3A_50, %while3A_52 : i32
    %while3A_54 = arith.muli %while3A_53, %while3A_52 : i32
    %while3A_55 = arith.addi %while3A, %while3A_54 : i32
    %while3A_56 = arith.constant 1 : i32
    %while3A_57 = scf.for %while3A_63 = %while3A to %while3A_55 step %while3A_56 iter_args(%while3A_64 = %while3A_49) -> (i32)  : i32 {
      %mul3A_65 = arith.constant 160 : i32
      %mul3A_66 = arith.muli %add3A, %mul3A_65 : i32
      %mul3A_67 = arith.constant 40 : i32
      %mul3A_68 = arith.muli %while3A_63, %mul3A_67 : i32
      %add3A_69 = arith.addi %mul3A_66, %mul3A_68 : i32
      %run_scoped3A = arith.constant 0 : i32
      "tpu.region"() ({
        %run_scoped3A_105 = tpu.sem_alloc : memref<!tpu.dma_semaphore, #tpu.memory_space<semaphore_mem>>
        %dma_start3A_106 = arith.constant 0 : i32
        %dma_start3A_107 = tpu.memref_slice %arg3[%run_scoped3A, %add3A_69, %dma_start3A_106] : memref<2x5000x64xi32, #tpu.memory_space<hbm>> -> memref<1x40x64xi32, #tpu.memory_space<hbm>>
        %dma_start3A_108 = tpu.memref_squeeze %dma_start3A_107 : memref<1x40x64xi32, #tpu.memory_space<hbm>> -> memref<40x64xi32, #tpu.memory_space<hbm>>
        %dma_start3A_109 = arith.constant 0 : i32
        %dma_start3A_110 = tpu.memref_slice %arg3[%run_scoped3A, %add3A_69, %dma_start3A_109] : memref<2x5000x64xi32, #tpu.memory_space<hbm>> -> memref<1x40x64xi32, #tpu.memory_space<hbm>>
        %dma_start3A_111 = tpu.memref_squeeze %dma_start3A_110 : memref<1x40x64xi32, #tpu.memory_space<hbm>> -> memref<40x64xi32, #tpu.memory_space<hbm>>
        tpu.enqueue_dma source(%dma_start3A_111 : memref<40x64xi32, #tpu.memory_space<hbm>>) target(%arg5 : memref<40x64xi32, #tpu.memory_space<vmem>>) target_semaphore(%run_scoped3A_105 : memref<!tpu.dma_semaphore, #tpu.memory_space<semaphore_mem>>)
        %dma_wait3A_112 = arith.constant 0 : i32
        %dma_wait3A_113 = tpu.memref_slice %arg3[%run_scoped3A, %add3A_69, %dma_wait3A_112] : memref<2x5000x64xi32, #tpu.memory_space<hbm>> -> memref<1x40x64xi32, #tpu.memory_space<hbm>>
        %dma_wait3A_114 = tpu.memref_squeeze %dma_wait3A_113 : memref<1x40x64xi32, #tpu.memory_space<hbm>> -> memref<40x64xi32, #tpu.memory_space<hbm>>
        %dma_wait3A_115 = arith.constant 0 : i32
        %dma_wait3A_116 = tpu.memref_slice %arg3[%run_scoped3A, %add3A_69, %dma_wait3A_115] : memref<2x5000x64xi32, #tpu.memory_space<hbm>> -> memref<1x40x64xi32, #tpu.memory_space<hbm>>
        %dma_wait3A_117 = tpu.memref_squeeze %dma_wait3A_116 : memref<1x40x64xi32, #tpu.memory_space<hbm>> -> memref<40x64xi32, #tpu.memory_space<hbm>>
        tpu.wait_dma2 semaphore(%run_scoped3A_105 : memref<!tpu.dma_semaphore, #tpu.memory_space<semaphore_mem>>) src(%dma_wait3A_117 : memref<40x64xi32, #tpu.memory_space<hbm>>) dst(%arg5 : memref<40x64xi32, #tpu.memory_space<vmem>>)
        tpu.yield
      }) : () -> ()
      %run_scoped3A_70 = arith.constant 1 : i32
      "tpu.region"() ({
        %run_scoped3A_105 = tpu.sem_alloc : memref<!tpu.dma_semaphore, #tpu.memory_space<semaphore_mem>>
        %dma_start3A_106 = arith.constant 0 : i32
        %dma_start3A_107 = tpu.memref_slice %arg3[%run_scoped3A_70, %add3A_69, %dma_start3A_106] : memref<2x5000x64xi32, #tpu.memory_space<hbm>> -> memref<1x40x64xi32, #tpu.memory_space<hbm>>
        %dma_start3A_108 = tpu.memref_squeeze %dma_start3A_107 : memref<1x40x64xi32, #tpu.memory_space<hbm>> -> memref<40x64xi32, #tpu.memory_space<hbm>>
        %dma_start3A_109 = arith.constant 0 : i32
        %dma_start3A_110 = tpu.memref_slice %arg3[%run_scoped3A_70, %add3A_69, %dma_start3A_109] : memref<2x5000x64xi32, #tpu.memory_space<hbm>> -> memref<1x40x64xi32, #tpu.memory_space<hbm>>
        %dma_start3A_111 = tpu.memref_squeeze %dma_start3A_110 : memref<1x40x64xi32, #tpu.memory_space<hbm>> -> memref<40x64xi32, #tpu.memory_space<hbm>>
        tpu.enqueue_dma source(%dma_start3A_111 : memref<40x64xi32, #tpu.memory_space<hbm>>) target(%arg6 : memref<40x64xi32, #tpu.memory_space<vmem>>) target_semaphore(%run_scoped3A_105 : memref<!tpu.dma_semaphore, #tpu.memory_space<semaphore_mem>>)
        %dma_wait3A_112 = arith.constant 0 : i32
        %dma_wait3A_113 = tpu.memref_slice %arg3[%run_scoped3A_70, %add3A_69, %dma_wait3A_112] : memref<2x5000x64xi32, #tpu.memory_space<hbm>> -> memref<1x40x64xi32, #tpu.memory_space<hbm>>
        %dma_wait3A_114 = tpu.memref_squeeze %dma_wait3A_113 : memref<1x40x64xi32, #tpu.memory_space<hbm>> -> memref<40x64xi32, #tpu.memory_space<hbm>>
        %dma_wait3A_115 = arith.constant 0 : i32
        %dma_wait3A_116 = tpu.memref_slice %arg3[%run_scoped3A_70, %add3A_69, %dma_wait3A_115] : memref<2x5000x64xi32, #tpu.memory_space<hbm>> -> memref<1x40x64xi32, #tpu.memory_space<hbm>>
        %dma_wait3A_117 = tpu.memref_squeeze %dma_wait3A_116 : memref<1x40x64xi32, #tpu.memory_space<hbm>> -> memref<40x64xi32, #tpu.memory_space<hbm>>
        tpu.wait_dma2 semaphore(%run_scoped3A_105 : memref<!tpu.dma_semaphore, #tpu.memory_space<semaphore_mem>>) src(%dma_wait3A_117 : memref<40x64xi32, #tpu.memory_space<hbm>>) dst(%arg6 : memref<40x64xi32, #tpu.memory_space<vmem>>)
        tpu.yield
      }) : () -> ()
      %dma_start3A = arith.constant 0 : i32
      %dma_start3A_71 = arith.constant 0 : i32
      %dma_start3A_72 = tpu.memref_slice %arg5[%dma_start3A, %dma_start3A_71] : memref<40x64xi32, #tpu.memory_space<vmem>> -> memref<1x64xi32, #tpu.memory_space<vmem>>
      %dma_start3A_73 = tpu.memref_squeeze %dma_start3A_72 : memref<1x64xi32, #tpu.memory_space<vmem>> -> memref<64xi32, #tpu.memory_space<vmem>>
      %dma_start3A_74 = arith.constant 0 : i32
      %dma_start3A_75 = arith.constant 0 : i32
      %dma_start3A_76 = tpu.memref_slice %arg2[%dma_start3A_74, %dma_start3A_75] : memref<10000x128xf32, #tpu.memory_space<hbm>> -> memref<10000x128xf32, #tpu.memory_space<hbm>>
      tpu.enqueue_indirect_dma source(%dma_start3A_76 : memref<10000x128xf32, #tpu.memory_space<hbm>>) target(%arg7 : memref<64x128xf32, #tpu.memory_space<vmem>>) offsets(%dma_start3A_73 : memref<64xi32, #tpu.memory_space<vmem>>) semaphore(%arg12 : memref<!tpu.dma_semaphore, #tpu.memory_space<semaphore_mem>>)
      %dma_start3A_77 = arith.constant 1 : i32
      %dma_start3A_78 = arith.constant 0 : i32
      %dma_start3A_79 = tpu.memref_slice %arg5[%dma_start3A_77, %dma_start3A_78] : memref<40x64xi32, #tpu.memory_space<vmem>> -> memref<1x64xi32, #tpu.memory_space<vmem>>
      %dma_start3A_80 = tpu.memref_squeeze %dma_start3A_79 : memref<1x64xi32, #tpu.memory_space<vmem>> -> memref<64xi32, #tpu.memory_space<vmem>>
      %dma_start3A_81 = arith.constant 0 : i32
      %dma_start3A_82 = arith.constant 0 : i32
      %dma_start3A_83 = tpu.memref_slice %arg2[%dma_start3A_81, %dma_start3A_82] : memref<10000x128xf32, #tpu.memory_space<hbm>> -> memref<10000x128xf32, #tpu.memory_space<hbm>>
      tpu.enqueue_indirect_dma source(%dma_start3A_83 : memref<10000x128xf32, #tpu.memory_space<hbm>>) target(%arg8 : memref<64x128xf32, #tpu.memory_space<vmem>>) offsets(%dma_start3A_80 : memref<64xi32, #tpu.memory_space<vmem>>) semaphore(%arg13 : memref<!tpu.dma_semaphore, #tpu.memory_space<semaphore_mem>>)
      %dma_start3A_84 = arith.constant 2 : i32
      %dma_start3A_85 = arith.constant 0 : i32
      %dma_start3A_86 = tpu.memref_slice %arg5[%dma_start3A_84, %dma_start3A_85] : memref<40x64xi32, #tpu.memory_space<vmem>> -> memref<1x64xi32, #tpu.memory_space<vmem>>
      %dma_start3A_87 = tpu.memref_squeeze %dma_start3A_86 : memref<1x64xi32, #tpu.memory_space<vmem>> -> memref<64xi32, #tpu.memory_space<vmem>>
      %dma_start3A_88 = arith.constant 0 : i32
      %dma_start3A_89 = arith.constant 0 : i32
      %dma_start3A_90 = tpu.memref_slice %arg2[%dma_start3A_88, %dma_start3A_89] : memref<10000x128xf32, #tpu.memory_space<hbm>> -> memref<10000x128xf32, #tpu.memory_space<hbm>>
      tpu.enqueue_indirect_dma source(%dma_start3A_90 : memref<10000x128xf32, #tpu.memory_space<hbm>>) target(%arg9 : memref<64x128xf32, #tpu.memory_space<vmem>>) offsets(%dma_start3A_87 : memref<64xi32, #tpu.memory_space<vmem>>) semaphore(%arg14 : memref<!tpu.dma_semaphore, #tpu.memory_space<semaphore_mem>>)
      %scan3A_91 = arith.constant 0 : i32
      %scan3A_92 = arith.constant 0 : i32
      %scan3A_93 = arith.constant 10 : i32
      %scan3A_94 = arith.addi %scan3A_92, %scan3A_93 : i32
      %scan3A_95 = arith.constant 1 : i32
      %scan3A_96 = scf.for %scan3A_105 = %scan3A_92 to %scan3A_94 step %scan3A_95 iter_args(%scan3A_106 = %scan3A_91) -> (i32)  : i32 {
        %mul3A_107 = arith.constant 4 : i32
        %mul3A_108 = arith.muli %scan3A_105, %mul3A_107 : i32
        %add3A_109 = arith.constant 0 : i32
        %add3A_110 = arith.addi %mul3A_108, %add3A_109 : i32
        %dma_wait3A_111 = arith.constant 0 : i32
        %dma_wait3A_112 = arith.constant 0 : i32
        %dma_wait3A_113 = tpu.memref_slice %arg5[%dma_wait3A_111, %dma_wait3A_112] : memref<40x64xi32, #tpu.memory_space<vmem>> -> memref<1x64xi32, #tpu.memory_space<vmem>>
        %dma_wait3A_114 = tpu.memref_squeeze %dma_wait3A_113 : memref<1x64xi32, #tpu.memory_space<vmem>> -> memref<64xi32, #tpu.memory_space<vmem>>
        %dma_wait3A_115 = arith.constant 0 : i32
        %dma_wait3A_116 = arith.constant 0 : i32
        %dma_wait3A_117 = tpu.memref_slice %arg2[%dma_wait3A_115, %dma_wait3A_116] : memref<10000x128xf32, #tpu.memory_space<hbm>> -> memref<10000x128xf32, #tpu.memory_space<hbm>>
        tpu.wait_indirect_dma semaphore(%arg12 : memref<!tpu.dma_semaphore, #tpu.memory_space<semaphore_mem>>) src(%dma_wait3A_117 : memref<10000x128xf32, #tpu.memory_space<hbm>>) dst(%arg7 : memref<64x128xf32, #tpu.memory_space<vmem>>)
        %dma_start3A_118 = arith.constant 0 : i32
        %dma_start3A_119 = tpu.memref_slice %arg6[%add3A_110, %dma_start3A_118] : memref<40x64xi32, #tpu.memory_space<vmem>> -> memref<1x64xi32, #tpu.memory_space<vmem>>
        %dma_start3A_120 = tpu.memref_squeeze %dma_start3A_119 : memref<1x64xi32, #tpu.memory_space<vmem>> -> memref<64xi32, #tpu.memory_space<vmem>>
        %dma_start3A_121 = arith.constant 0 : i32
        %dma_start3A_122 = arith.constant 0 : i32
        %dma_start3A_123 = tpu.memref_slice %arg11[%dma_start3A_121, %dma_start3A_122] : memref<10240x128xf32, #tpu.memory_space<vmem_shared>> -> memref<10240x128xf32, #tpu.memory_space<vmem_shared>>
        tpu.enqueue_indirect_dma source(%arg7 : memref<64x128xf32, #tpu.memory_space<vmem>>) target(%dma_start3A_123 : memref<10240x128xf32, #tpu.memory_space<vmem_shared>>) offsets(%dma_start3A_120 : memref<64xi32, #tpu.memory_space<vmem>>) semaphore(%arg16 : memref<!tpu.dma_semaphore, #tpu.memory_space<semaphore_mem>>) {add = true}
        %gt3A = arith.constant 0 : i32
        %gt3A_124 = arith.cmpi sgt, %add3A_110, %gt3A : i32
        %convert_element_type3A = arith.extui %gt3A_124 : i1 to i32
        %cond3A = arith.constant 0 : i32
        %cond3A_125 = arith.cmpi ne, %convert_element_type3A, %cond3A : i32
        scf.if %cond3A_125 {
          %dma_wait3A_220 = arith.constant 0 : i32
          %dma_wait3A_221 = arith.constant 0 : i32
          %dma_wait3A_222 = tpu.memref_slice %arg5[%dma_wait3A_220, %dma_wait3A_221] : memref<40x64xi32, #tpu.memory_space<vmem>> -> memref<1x64xi32, #tpu.memory_space<vmem>>
          %dma_wait3A_223 = tpu.memref_squeeze %dma_wait3A_222 : memref<1x64xi32, #tpu.memory_space<vmem>> -> memref<64xi32, #tpu.memory_space<vmem>>
          %dma_wait3A_224 = arith.constant 0 : i32
          %dma_wait3A_225 = arith.constant 0 : i32
          %dma_wait3A_226 = tpu.memref_slice %arg2[%dma_wait3A_224, %dma_wait3A_225] : memref<10000x128xf32, #tpu.memory_space<hbm>> -> memref<10000x128xf32, #tpu.memory_space<hbm>>
          tpu.wait_indirect_dma semaphore(%arg19 : memref<!tpu.dma_semaphore, #tpu.memory_space<semaphore_mem>>) src(%dma_wait3A_226 : memref<10000x128xf32, #tpu.memory_space<hbm>>) dst(%arg10 : memref<64x128xf32, #tpu.memory_space<vmem>>)
        } else {
        }
        %add3A_126 = arith.constant 3 : i32
        %add3A_127 = arith.addi %add3A_110, %add3A_126 : i32
        %lt3A = arith.constant 40 : i32
        %lt3A_128 = arith.cmpi slt, %add3A_127, %lt3A : i32
        %convert_element_type3A_129 = arith.extui %lt3A_128 : i1 to i32
        %cond3A_130 = arith.constant 0 : i32
        %cond3A_131 = arith.cmpi ne, %convert_element_type3A_129, %cond3A_130 : i32
        scf.if %cond3A_131 {
          %add3A_220 = arith.constant 3 : i32
          %add3A_221 = arith.addi %add3A_110, %add3A_220 : i32
          %dma_start3A_222 = arith.constant 0 : i32
          %dma_start3A_223 = tpu.memref_slice %arg5[%add3A_221, %dma_start3A_222] : memref<40x64xi32, #tpu.memory_space<vmem>> -> memref<1x64xi32, #tpu.memory_space<vmem>>
          %dma_start3A_224 = tpu.memref_squeeze %dma_start3A_223 : memref<1x64xi32, #tpu.memory_space<vmem>> -> memref<64xi32, #tpu.memory_space<vmem>>
          %dma_start3A_225 = arith.constant 0 : i32
          %dma_start3A_226 = arith.constant 0 : i32
          %dma_start3A_227 = tpu.memref_slice %arg2[%dma_start3A_225, %dma_start3A_226] : memref<10000x128xf32, #tpu.memory_space<hbm>> -> memref<10000x128xf32, #tpu.memory_space<hbm>>
          tpu.enqueue_indirect_dma source(%dma_start3A_227 : memref<10000x128xf32, #tpu.memory_space<hbm>>) target(%arg10 : memref<64x128xf32, #tpu.memory_space<vmem>>) offsets(%dma_start3A_224 : memref<64xi32, #tpu.memory_space<vmem>>) semaphore(%arg15 : memref<!tpu.dma_semaphore, #tpu.memory_space<semaphore_mem>>)
        } else {
        }
        %add3A_132 = arith.constant 1 : i32
        %add3A_133 = arith.addi %mul3A_108, %add3A_132 : i32
        %dma_wait3A_134 = arith.constant 0 : i32
        %dma_wait3A_135 = arith.constant 0 : i32
        %dma_wait3A_136 = tpu.memref_slice %arg5[%dma_wait3A_134, %dma_wait3A_135] : memref<40x64xi32, #tpu.memory_space<vmem>> -> memref<1x64xi32, #tpu.memory_space<vmem>>
        %dma_wait3A_137 = tpu.memref_squeeze %dma_wait3A_136 : memref<1x64xi32, #tpu.memory_space<vmem>> -> memref<64xi32, #tpu.memory_space<vmem>>
        %dma_wait3A_138 = arith.constant 0 : i32
        %dma_wait3A_139 = arith.constant 0 : i32
        %dma_wait3A_140 = tpu.memref_slice %arg2[%dma_wait3A_138, %dma_wait3A_139] : memref<10000x128xf32, #tpu.memory_space<hbm>> -> memref<10000x128xf32, #tpu.memory_space<hbm>>
        tpu.wait_indirect_dma semaphore(%arg13 : memref<!tpu.dma_semaphore, #tpu.memory_space<semaphore_mem>>) src(%dma_wait3A_140 : memref<10000x128xf32, #tpu.memory_space<hbm>>) dst(%arg8 : memref<64x128xf32, #tpu.memory_space<vmem>>)
        %dma_start3A_141 = arith.constant 0 : i32
        %dma_start3A_142 = tpu.memref_slice %arg6[%add3A_133, %dma_start3A_141] : memref<40x64xi32, #tpu.memory_space<vmem>> -> memref<1x64xi32, #tpu.memory_space<vmem>>
        %dma_start3A_143 = tpu.memref_squeeze %dma_start3A_142 : memref<1x64xi32, #tpu.memory_space<vmem>> -> memref<64xi32, #tpu.memory_space<vmem>>
        %dma_start3A_144 = arith.constant 0 : i32
        %dma_start3A_145 = arith.constant 0 : i32
        %dma_start3A_146 = tpu.memref_slice %arg11[%dma_start3A_144, %dma_start3A_145] : memref<10240x128xf32, #tpu.memory_space<vmem_shared>> -> memref<10240x128xf32, #tpu.memory_space<vmem_shared>>
        tpu.enqueue_indirect_dma source(%arg8 : memref<64x128xf32, #tpu.memory_space<vmem>>) target(%dma_start3A_146 : memref<10240x128xf32, #tpu.memory_space<vmem_shared>>) offsets(%dma_start3A_143 : memref<64xi32, #tpu.memory_space<vmem>>) semaphore(%arg17 : memref<!tpu.dma_semaphore, #tpu.memory_space<semaphore_mem>>) {add = true}
        %dma_wait3A_147 = arith.constant 0 : i32
        %dma_wait3A_148 = arith.constant 0 : i32
        %dma_wait3A_149 = tpu.memref_slice %arg5[%dma_wait3A_147, %dma_wait3A_148] : memref<40x64xi32, #tpu.memory_space<vmem>> -> memref<1x64xi32, #tpu.memory_space<vmem>>
        %dma_wait3A_150 = tpu.memref_squeeze %dma_wait3A_149 : memref<1x64xi32, #tpu.memory_space<vmem>> -> memref<64xi32, #tpu.memory_space<vmem>>
        %dma_wait3A_151 = arith.constant 0 : i32
        %dma_wait3A_152 = arith.constant 0 : i32
        %dma_wait3A_153 = tpu.memref_slice %arg2[%dma_wait3A_151, %dma_wait3A_152] : memref<10000x128xf32, #tpu.memory_space<hbm>> -> memref<10000x128xf32, #tpu.memory_space<hbm>>
        tpu.wait_indirect_dma semaphore(%arg16 : memref<!tpu.dma_semaphore, #tpu.memory_space<semaphore_mem>>) src(%dma_wait3A_153 : memref<10000x128xf32, #tpu.memory_space<hbm>>) dst(%arg7 : memref<64x128xf32, #tpu.memory_space<vmem>>)
        %add3A_154 = arith.constant 3 : i32
        %add3A_155 = arith.addi %add3A_133, %add3A_154 : i32
        %lt3A_156 = arith.constant 40 : i32
        %lt3A_157 = arith.cmpi slt, %add3A_155, %lt3A_156 : i32
        %convert_element_type3A_158 = arith.extui %lt3A_157 : i1 to i32
        %cond3A_159 = arith.constant 0 : i32
        %cond3A_160 = arith.cmpi ne, %convert_element_type3A_158, %cond3A_159 : i32
        scf.if %cond3A_160 {
          %add3A_220 = arith.constant 3 : i32
          %add3A_221 = arith.addi %add3A_133, %add3A_220 : i32
          %dma_start3A_222 = arith.constant 0 : i32
          %dma_start3A_223 = tpu.memref_slice %arg5[%add3A_221, %dma_start3A_222] : memref<40x64xi32, #tpu.memory_space<vmem>> -> memref<1x64xi32, #tpu.memory_space<vmem>>
          %dma_start3A_224 = tpu.memref_squeeze %dma_start3A_223 : memref<1x64xi32, #tpu.memory_space<vmem>> -> memref<64xi32, #tpu.memory_space<vmem>>
          %dma_start3A_225 = arith.constant 0 : i32
          %dma_start3A_226 = arith.constant 0 : i32
          %dma_start3A_227 = tpu.memref_slice %arg2[%dma_start3A_225, %dma_start3A_226] : memref<10000x128xf32, #tpu.memory_space<hbm>> -> memref<10000x128xf32, #tpu.memory_space<hbm>>
          tpu.enqueue_indirect_dma source(%dma_start3A_227 : memref<10000x128xf32, #tpu.memory_space<hbm>>) target(%arg7 : memref<64x128xf32, #tpu.memory_space<vmem>>) offsets(%dma_start3A_224 : memref<64xi32, #tpu.memory_space<vmem>>) semaphore(%arg12 : memref<!tpu.dma_semaphore, #tpu.memory_space<semaphore_mem>>)
        } else {
        }
        %add3A_161 = arith.constant 2 : i32
        %add3A_162 = arith.addi %mul3A_108, %add3A_161 : i32
        %dma_wait3A_163 = arith.constant 0 : i32
        %dma_wait3A_164 = arith.constant 0 : i32
        %dma_wait3A_165 = tpu.memref_slice %arg5[%dma_wait3A_163, %dma_wait3A_164] : memref<40x64xi32, #tpu.memory_space<vmem>> -> memref<1x64xi32, #tpu.memory_space<vmem>>
        %dma_wait3A_166 = tpu.memref_squeeze %dma_wait3A_165 : memref<1x64xi32, #tpu.memory_space<vmem>> -> memref<64xi32, #tpu.memory_space<vmem>>
        %dma_wait3A_167 = arith.constant 0 : i32
        %dma_wait3A_168 = arith.constant 0 : i32
        %dma_wait3A_169 = tpu.memref_slice %arg2[%dma_wait3A_167, %dma_wait3A_168] : memref<10000x128xf32, #tpu.memory_space<hbm>> -> memref<10000x128xf32, #tpu.memory_space<hbm>>
        tpu.wait_indirect_dma semaphore(%arg14 : memref<!tpu.dma_semaphore, #tpu.memory_space<semaphore_mem>>) src(%dma_wait3A_169 : memref<10000x128xf32, #tpu.memory_space<hbm>>) dst(%arg9 : memref<64x128xf32, #tpu.memory_space<vmem>>)
        %dma_start3A_170 = arith.constant 0 : i32
        %dma_start3A_171 = tpu.memref_slice %arg6[%add3A_162, %dma_start3A_170] : memref<40x64xi32, #tpu.memory_space<vmem>> -> memref<1x64xi32, #tpu.memory_space<vmem>>
        %dma_start3A_172 = tpu.memref_squeeze %dma_start3A_171 : memref<1x64xi32, #tpu.memory_space<vmem>> -> memref<64xi32, #tpu.memory_space<vmem>>
        %dma_start3A_173 = arith.constant 0 : i32
        %dma_start3A_174 = arith.constant 0 : i32
        %dma_start3A_175 = tpu.memref_slice %arg11[%dma_start3A_173, %dma_start3A_174] : memref<10240x128xf32, #tpu.memory_space<vmem_shared>> -> memref<10240x128xf32, #tpu.memory_space<vmem_shared>>
        tpu.enqueue_indirect_dma source(%arg9 : memref<64x128xf32, #tpu.memory_space<vmem>>) target(%dma_start3A_175 : memref<10240x128xf32, #tpu.memory_space<vmem_shared>>) offsets(%dma_start3A_172 : memref<64xi32, #tpu.memory_space<vmem>>) semaphore(%arg18 : memref<!tpu.dma_semaphore, #tpu.memory_space<semaphore_mem>>) {add = true}
        %dma_wait3A_176 = arith.constant 0 : i32
        %dma_wait3A_177 = arith.constant 0 : i32
        %dma_wait3A_178 = tpu.memref_slice %arg5[%dma_wait3A_176, %dma_wait3A_177] : memref<40x64xi32, #tpu.memory_space<vmem>> -> memref<1x64xi32, #tpu.memory_space<vmem>>
        %dma_wait3A_179 = tpu.memref_squeeze %dma_wait3A_178 : memref<1x64xi32, #tpu.memory_space<vmem>> -> memref<64xi32, #tpu.memory_space<vmem>>
        %dma_wait3A_180 = arith.constant 0 : i32
        %dma_wait3A_181 = arith.constant 0 : i32
        %dma_wait3A_182 = tpu.memref_slice %arg2[%dma_wait3A_180, %dma_wait3A_181] : memref<10000x128xf32, #tpu.memory_space<hbm>> -> memref<10000x128xf32, #tpu.memory_space<hbm>>
        tpu.wait_indirect_dma semaphore(%arg17 : memref<!tpu.dma_semaphore, #tpu.memory_space<semaphore_mem>>) src(%dma_wait3A_182 : memref<10000x128xf32, #tpu.memory_space<hbm>>) dst(%arg8 : memref<64x128xf32, #tpu.memory_space<vmem>>)
        %add3A_183 = arith.constant 3 : i32
        %add3A_184 = arith.addi %add3A_162, %add3A_183 : i32
        %lt3A_185 = arith.constant 40 : i32
        %lt3A_186 = arith.cmpi slt, %add3A_184, %lt3A_185 : i32
        %convert_element_type3A_187 = arith.extui %lt3A_186 : i1 to i32
        %cond3A_188 = arith.constant 0 : i32
        %cond3A_189 = arith.cmpi ne, %convert_element_type3A_187, %cond3A_188 : i32
        scf.if %cond3A_189 {
          %add3A_220 = arith.constant 3 : i32
          %add3A_221 = arith.addi %add3A_162, %add3A_220 : i32
          %dma_start3A_222 = arith.constant 0 : i32
          %dma_start3A_223 = tpu.memref_slice %arg5[%add3A_221, %dma_start3A_222] : memref<40x64xi32, #tpu.memory_space<vmem>> -> memref<1x64xi32, #tpu.memory_space<vmem>>
          %dma_start3A_224 = tpu.memref_squeeze %dma_start3A_223 : memref<1x64xi32, #tpu.memory_space<vmem>> -> memref<64xi32, #tpu.memory_space<vmem>>
          %dma_start3A_225 = arith.constant 0 : i32
          %dma_start3A_226 = arith.constant 0 : i32
          %dma_start3A_227 = tpu.memref_slice %arg2[%dma_start3A_225, %dma_start3A_226] : memref<10000x128xf32, #tpu.memory_space<hbm>> -> memref<10000x128xf32, #tpu.memory_space<hbm>>
          tpu.enqueue_indirect_dma source(%dma_start3A_227 : memref<10000x128xf32, #tpu.memory_space<hbm>>) target(%arg8 : memref<64x128xf32, #tpu.memory_space<vmem>>) offsets(%dma_start3A_224 : memref<64xi32, #tpu.memory_space<vmem>>) semaphore(%arg13 : memref<!tpu.dma_semaphore, #tpu.memory_space<semaphore_mem>>)
        } else {
        }
        %add3A_190 = arith.constant 3 : i32
        %add3A_191 = arith.addi %mul3A_108, %add3A_190 : i32
        %dma_wait3A_192 = arith.constant 0 : i32
        %dma_wait3A_193 = arith.constant 0 : i32
        %dma_wait3A_194 = tpu.memref_slice %arg5[%dma_wait3A_192, %dma_wait3A_193] : memref<40x64xi32, #tpu.memory_space<vmem>> -> memref<1x64xi32, #tpu.memory_space<vmem>>
        %dma_wait3A_195 = tpu.memref_squeeze %dma_wait3A_194 : memref<1x64xi32, #tpu.memory_space<vmem>> -> memref<64xi32, #tpu.memory_space<vmem>>
        %dma_wait3A_196 = arith.constant 0 : i32
        %dma_wait3A_197 = arith.constant 0 : i32
        %dma_wait3A_198 = tpu.memref_slice %arg2[%dma_wait3A_196, %dma_wait3A_197] : memref<10000x128xf32, #tpu.memory_space<hbm>> -> memref<10000x128xf32, #tpu.memory_space<hbm>>
        tpu.wait_indirect_dma semaphore(%arg15 : memref<!tpu.dma_semaphore, #tpu.memory_space<semaphore_mem>>) src(%dma_wait3A_198 : memref<10000x128xf32, #tpu.memory_space<hbm>>) dst(%arg10 : memref<64x128xf32, #tpu.memory_space<vmem>>)
        %dma_start3A_199 = arith.constant 0 : i32
        %dma_start3A_200 = tpu.memref_slice %arg6[%add3A_191, %dma_start3A_199] : memref<40x64xi32, #tpu.memory_space<vmem>> -> memref<1x64xi32, #tpu.memory_space<vmem>>
        %dma_start3A_201 = tpu.memref_squeeze %dma_start3A_200 : memref<1x64xi32, #tpu.memory_space<vmem>> -> memref<64xi32, #tpu.memory_space<vmem>>
        %dma_start3A_202 = arith.constant 0 : i32
        %dma_start3A_203 = arith.constant 0 : i32
        %dma_start3A_204 = tpu.memref_slice %arg11[%dma_start3A_202, %dma_start3A_203] : memref<10240x128xf32, #tpu.memory_space<vmem_shared>> -> memref<10240x128xf32, #tpu.memory_space<vmem_shared>>
        tpu.enqueue_indirect_dma source(%arg10 : memref<64x128xf32, #tpu.memory_space<vmem>>) target(%dma_start3A_204 : memref<10240x128xf32, #tpu.memory_space<vmem_shared>>) offsets(%dma_start3A_201 : memref<64xi32, #tpu.memory_space<vmem>>) semaphore(%arg19 : memref<!tpu.dma_semaphore, #tpu.memory_space<semaphore_mem>>) {add = true}
        %dma_wait3A_205 = arith.constant 0 : i32
        %dma_wait3A_206 = arith.constant 0 : i32
        %dma_wait3A_207 = tpu.memref_slice %arg5[%dma_wait3A_205, %dma_wait3A_206] : memref<40x64xi32, #tpu.memory_space<vmem>> -> memref<1x64xi32, #tpu.memory_space<vmem>>
        %dma_wait3A_208 = tpu.memref_squeeze %dma_wait3A_207 : memref<1x64xi32, #tpu.memory_space<vmem>> -> memref<64xi32, #tpu.memory_space<vmem>>
        %dma_wait3A_209 = arith.constant 0 : i32
        %dma_wait3A_210 = arith.constant 0 : i32
        %dma_wait3A_211 = tpu.memref_slice %arg2[%dma_wait3A_209, %dma_wait3A_210] : memref<10000x128xf32, #tpu.memory_space<hbm>> -> memref<10000x128xf32, #tpu.memory_space<hbm>>
        tpu.wait_indirect_dma semaphore(%arg18 : memref<!tpu.dma_semaphore, #tpu.memory_space<semaphore_mem>>) src(%dma_wait3A_211 : memref<10000x128xf32, #tpu.memory_space<hbm>>) dst(%arg9 : memref<64x128xf32, #tpu.memory_space<vmem>>)
        %add3A_212 = arith.constant 3 : i32
        %add3A_213 = arith.addi %add3A_191, %add3A_212 : i32
        %lt3A_214 = arith.constant 40 : i32
        %lt3A_215 = arith.cmpi slt, %add3A_213, %lt3A_214 : i32
        %convert_element_type3A_216 = arith.extui %lt3A_215 : i1 to i32
        %cond3A_217 = arith.constant 0 : i32
        %cond3A_218 = arith.cmpi ne, %convert_element_type3A_216, %cond3A_217 : i32
        scf.if %cond3A_218 {
          %add3A_220 = arith.constant 3 : i32
          %add3A_221 = arith.addi %add3A_191, %add3A_220 : i32
          %dma_start3A_222 = arith.constant 0 : i32
          %dma_start3A_223 = tpu.memref_slice %arg5[%add3A_221, %dma_start3A_222] : memref<40x64xi32, #tpu.memory_space<vmem>> -> memref<1x64xi32, #tpu.memory_space<vmem>>
          %dma_start3A_224 = tpu.memref_squeeze %dma_start3A_223 : memref<1x64xi32, #tpu.memory_space<vmem>> -> memref<64xi32, #tpu.memory_space<vmem>>
          %dma_start3A_225 = arith.constant 0 : i32
          %dma_start3A_226 = arith.constant 0 : i32
          %dma_start3A_227 = tpu.memref_slice %arg2[%dma_start3A_225, %dma_start3A_226] : memref<10000x128xf32, #tpu.memory_space<hbm>> -> memref<10000x128xf32, #tpu.memory_space<hbm>>
          tpu.enqueue_indirect_dma source(%dma_start3A_227 : memref<10000x128xf32, #tpu.memory_space<hbm>>) target(%arg9 : memref<64x128xf32, #tpu.memory_space<vmem>>) offsets(%dma_start3A_224 : memref<64xi32, #tpu.memory_space<vmem>>) semaphore(%arg14 : memref<!tpu.dma_semaphore, #tpu.memory_space<semaphore_mem>>)
        } else {
        }
        %scan3A_219 = arith.constant 0 : i32
        scf.yield %scan3A_219 : i32
      }
      %scan3A_97 = arith.constant 10 : i32
      %dma_wait3A = arith.constant 0 : i32
      %dma_wait3A_98 = arith.constant 0 : i32
      %dma_wait3A_99 = tpu.memref_slice %arg5[%dma_wait3A, %dma_wait3A_98] : memref<40x64xi32, #tpu.memory_space<vmem>> -> memref<1x64xi32, #tpu.memory_space<vmem>>
      %dma_wait3A_100 = tpu.memref_squeeze %dma_wait3A_99 : memref<1x64xi32, #tpu.memory_space<vmem>> -> memref<64xi32, #tpu.memory_space<vmem>>
      %dma_wait3A_101 = arith.constant 0 : i32
      %dma_wait3A_102 = arith.constant 0 : i32
      %dma_wait3A_103 = tpu.memref_slice %arg2[%dma_wait3A_101, %dma_wait3A_102] : memref<10000x128xf32, #tpu.memory_space<hbm>> -> memref<10000x128xf32, #tpu.memory_space<hbm>>
      tpu.wait_indirect_dma semaphore(%arg19 : memref<!tpu.dma_semaphore, #tpu.memory_space<semaphore_mem>>) src(%dma_wait3A_103 : memref<10000x128xf32, #tpu.memory_space<hbm>>) dst(%arg10 : memref<64x128xf32, #tpu.memory_space<vmem>>)
      %while3A_104 = arith.constant 0 : i32
      scf.yield %while3A_104 : i32
    }
    %while3A_58 = arith.constant 1 : i32
    %while3A_59 = scf.for %while3A_63 = %while3A_55 to %while3A_51 step %while3A_58 iter_args(%while3A_64 = %while3A_57) -> (i32)  : i32 {
      %mul3A_65 = arith.constant 160 : i32
      %mul3A_66 = arith.muli %add3A, %mul3A_65 : i32
      %mul3A_67 = arith.constant 40 : i32
      %mul3A_68 = arith.muli %while3A_63, %mul3A_67 : i32
      %add3A_69 = arith.addi %mul3A_66, %mul3A_68 : i32
      %run_scoped3A = arith.constant 0 : i32
      "tpu.region"() ({
        %run_scoped3A_105 = tpu.sem_alloc : memref<!tpu.dma_semaphore, #tpu.memory_space<semaphore_mem>>
        %dma_start3A_106 = arith.constant 0 : i32
        %dma_start3A_107 = tpu.memref_slice %arg3[%run_scoped3A, %add3A_69, %dma_start3A_106] : memref<2x5000x64xi32, #tpu.memory_space<hbm>> -> memref<1x40x64xi32, #tpu.memory_space<hbm>>
        %dma_start3A_108 = tpu.memref_squeeze %dma_start3A_107 : memref<1x40x64xi32, #tpu.memory_space<hbm>> -> memref<40x64xi32, #tpu.memory_space<hbm>>
        %dma_start3A_109 = arith.constant 0 : i32
        %dma_start3A_110 = tpu.memref_slice %arg3[%run_scoped3A, %add3A_69, %dma_start3A_109] : memref<2x5000x64xi32, #tpu.memory_space<hbm>> -> memref<1x40x64xi32, #tpu.memory_space<hbm>>
        %dma_start3A_111 = tpu.memref_squeeze %dma_start3A_110 : memref<1x40x64xi32, #tpu.memory_space<hbm>> -> memref<40x64xi32, #tpu.memory_space<hbm>>
        tpu.enqueue_dma source(%dma_start3A_111 : memref<40x64xi32, #tpu.memory_space<hbm>>) target(%arg5 : memref<40x64xi32, #tpu.memory_space<vmem>>) target_semaphore(%run_scoped3A_105 : memref<!tpu.dma_semaphore, #tpu.memory_space<semaphore_mem>>)
        %dma_wait3A_112 = arith.constant 0 : i32
        %dma_wait3A_113 = tpu.memref_slice %arg3[%run_scoped3A, %add3A_69, %dma_wait3A_112] : memref<2x5000x64xi32, #tpu.memory_space<hbm>> -> memref<1x40x64xi32, #tpu.memory_space<hbm>>
        %dma_wait3A_114 = tpu.memref_squeeze %dma_wait3A_113 : memref<1x40x64xi32, #tpu.memory_space<hbm>> -> memref<40x64xi32, #tpu.memory_space<hbm>>
        %dma_wait3A_115 = arith.constant 0 : i32
        %dma_wait3A_116 = tpu.memref_slice %arg3[%run_scoped3A, %add3A_69, %dma_wait3A_115] : memref<2x5000x64xi32, #tpu.memory_space<hbm>> -> memref<1x40x64xi32, #tpu.memory_space<hbm>>
        %dma_wait3A_117 = tpu.memref_squeeze %dma_wait3A_116 : memref<1x40x64xi32, #tpu.memory_space<hbm>> -> memref<40x64xi32, #tpu.memory_space<hbm>>
        tpu.wait_dma2 semaphore(%run_scoped3A_105 : memref<!tpu.dma_semaphore, #tpu.memory_space<semaphore_mem>>) src(%dma_wait3A_117 : memref<40x64xi32, #tpu.memory_space<hbm>>) dst(%arg5 : memref<40x64xi32, #tpu.memory_space<vmem>>)
        tpu.yield
      }) : () -> ()
      %run_scoped3A_70 = arith.constant 1 : i32
      "tpu.region"() ({
        %run_scoped3A_105 = tpu.sem_alloc : memref<!tpu.dma_semaphore, #tpu.memory_space<semaphore_mem>>
        %dma_start3A_106 = arith.constant 0 : i32
        %dma_start3A_107 = tpu.memref_slice %arg3[%run_scoped3A_70, %add3A_69, %dma_start3A_106] : memref<2x5000x64xi32, #tpu.memory_space<hbm>> -> memref<1x40x64xi32, #tpu.memory_space<hbm>>
        %dma_start3A_108 = tpu.memref_squeeze %dma_start3A_107 : memref<1x40x64xi32, #tpu.memory_space<hbm>> -> memref<40x64xi32, #tpu.memory_space<hbm>>
        %dma_start3A_109 = arith.constant 0 : i32
        %dma_start3A_110 = tpu.memref_slice %arg3[%run_scoped3A_70, %add3A_69, %dma_start3A_109] : memref<2x5000x64xi32, #tpu.memory_space<hbm>> -> memref<1x40x64xi32, #tpu.memory_space<hbm>>
        %dma_start3A_111 = tpu.memref_squeeze %dma_start3A_110 : memref<1x40x64xi32, #tpu.memory_space<hbm>> -> memref<40x64xi32, #tpu.memory_space<hbm>>
        tpu.enqueue_dma source(%dma_start3A_111 : memref<40x64xi32, #tpu.memory_space<hbm>>) target(%arg6 : memref<40x64xi32, #tpu.memory_space<vmem>>) target_semaphore(%run_scoped3A_105 : memref<!tpu.dma_semaphore, #tpu.memory_space<semaphore_mem>>)
        %dma_wait3A_112 = arith.constant 0 : i32
        %dma_wait3A_113 = tpu.memref_slice %arg3[%run_scoped3A_70, %add3A_69, %dma_wait3A_112] : memref<2x5000x64xi32, #tpu.memory_space<hbm>> -> memref<1x40x64xi32, #tpu.memory_space<hbm>>
        %dma_wait3A_114 = tpu.memref_squeeze %dma_wait3A_113 : memref<1x40x64xi32, #tpu.memory_space<hbm>> -> memref<40x64xi32, #tpu.memory_space<hbm>>
        %dma_wait3A_115 = arith.constant 0 : i32
        %dma_wait3A_116 = tpu.memref_slice %arg3[%run_scoped3A_70, %add3A_69, %dma_wait3A_115] : memref<2x5000x64xi32, #tpu.memory_space<hbm>> -> memref<1x40x64xi32, #tpu.memory_space<hbm>>
        %dma_wait3A_117 = tpu.memref_squeeze %dma_wait3A_116 : memref<1x40x64xi32, #tpu.memory_space<hbm>> -> memref<40x64xi32, #tpu.memory_space<hbm>>
        tpu.wait_dma2 semaphore(%run_scoped3A_105 : memref<!tpu.dma_semaphore, #tpu.memory_space<semaphore_mem>>) src(%dma_wait3A_117 : memref<40x64xi32, #tpu.memory_space<hbm>>) dst(%arg6 : memref<40x64xi32, #tpu.memory_space<vmem>>)
        tpu.yield
      }) : () -> ()
      %dma_start3A = arith.constant 0 : i32
      %dma_start3A_71 = arith.constant 0 : i32
      %dma_start3A_72 = tpu.memref_slice %arg5[%dma_start3A, %dma_start3A_71] : memref<40x64xi32, #tpu.memory_space<vmem>> -> memref<1x64xi32, #tpu.memory_space<vmem>>
      %dma_start3A_73 = tpu.memref_squeeze %dma_start3A_72 : memref<1x64xi32, #tpu.memory_space<vmem>> -> memref<64xi32, #tpu.memory_space<vmem>>
      %dma_start3A_74 = arith.constant 0 : i32
      %dma_start3A_75 = arith.constant 0 : i32
      %dma_start3A_76 = tpu.memref_slice %arg2[%dma_start3A_74, %dma_start3A_75] : memref<10000x128xf32, #tpu.memory_space<hbm>> -> memref<10000x128xf32, #tpu.memory_space<hbm>>
      tpu.enqueue_indirect_dma source(%dma_start3A_76 : memref<10000x128xf32, #tpu.memory_space<hbm>>) target(%arg7 : memref<64x128xf32, #tpu.memory_space<vmem>>) offsets(%dma_start3A_73 : memref<64xi32, #tpu.memory_space<vmem>>) semaphore(%arg12 : memref<!tpu.dma_semaphore, #tpu.memory_space<semaphore_mem>>)
      %dma_start3A_77 = arith.constant 1 : i32
      %dma_start3A_78 = arith.constant 0 : i32
      %dma_start3A_79 = tpu.memref_slice %arg5[%dma_start3A_77, %dma_start3A_78] : memref<40x64xi32, #tpu.memory_space<vmem>> -> memref<1x64xi32, #tpu.memory_space<vmem>>
      %dma_start3A_80 = tpu.memref_squeeze %dma_start3A_79 : memref<1x64xi32, #tpu.memory_space<vmem>> -> memref<64xi32, #tpu.memory_space<vmem>>
      %dma_start3A_81 = arith.constant 0 : i32
      %dma_start3A_82 = arith.constant 0 : i32
      %dma_start3A_83 = tpu.memref_slice %arg2[%dma_start3A_81, %dma_start3A_82] : memref<10000x128xf32, #tpu.memory_space<hbm>> -> memref<10000x128xf32, #tpu.memory_space<hbm>>
      tpu.enqueue_indirect_dma source(%dma_start3A_83 : memref<10000x128xf32, #tpu.memory_space<hbm>>) target(%arg8 : memref<64x128xf32, #tpu.memory_space<vmem>>) offsets(%dma_start3A_80 : memref<64xi32, #tpu.memory_space<vmem>>) semaphore(%arg13 : memref<!tpu.dma_semaphore, #tpu.memory_space<semaphore_mem>>)
      %dma_start3A_84 = arith.constant 2 : i32
      %dma_start3A_85 = arith.constant 0 : i32
      %dma_start3A_86 = tpu.memref_slice %arg5[%dma_start3A_84, %dma_start3A_85] : memref<40x64xi32, #tpu.memory_space<vmem>> -> memref<1x64xi32, #tpu.memory_space<vmem>>
      %dma_start3A_87 = tpu.memref_squeeze %dma_start3A_86 : memref<1x64xi32, #tpu.memory_space<vmem>> -> memref<64xi32, #tpu.memory_space<vmem>>
      %dma_start3A_88 = arith.constant 0 : i32
      %dma_start3A_89 = arith.constant 0 : i32
      %dma_start3A_90 = tpu.memref_slice %arg2[%dma_start3A_88, %dma_start3A_89] : memref<10000x128xf32, #tpu.memory_space<hbm>> -> memref<10000x128xf32, #tpu.memory_space<hbm>>
      tpu.enqueue_indirect_dma source(%dma_start3A_90 : memref<10000x128xf32, #tpu.memory_space<hbm>>) target(%arg9 : memref<64x128xf32, #tpu.memory_space<vmem>>) offsets(%dma_start3A_87 : memref<64xi32, #tpu.memory_space<vmem>>) semaphore(%arg14 : memref<!tpu.dma_semaphore, #tpu.memory_space<semaphore_mem>>)
      %scan3A_91 = arith.constant 0 : i32
      %scan3A_92 = arith.constant 0 : i32
      %scan3A_93 = arith.constant 10 : i32
      %scan3A_94 = arith.addi %scan3A_92, %scan3A_93 : i32
      %scan3A_95 = arith.constant 1 : i32
      %scan3A_96 = scf.for %scan3A_105 = %scan3A_92 to %scan3A_94 step %scan3A_95 iter_args(%scan3A_106 = %scan3A_91) -> (i32)  : i32 {
        %mul3A_107 = arith.constant 4 : i32
        %mul3A_108 = arith.muli %scan3A_105, %mul3A_107 : i32
        %add3A_109 = arith.constant 0 : i32
        %add3A_110 = arith.addi %mul3A_108, %add3A_109 : i32
        %dma_wait3A_111 = arith.constant 0 : i32
        %dma_wait3A_112 = arith.constant 0 : i32
        %dma_wait3A_113 = tpu.memref_slice %arg5[%dma_wait3A_111, %dma_wait3A_112] : memref<40x64xi32, #tpu.memory_space<vmem>> -> memref<1x64xi32, #tpu.memory_space<vmem>>
        %dma_wait3A_114 = tpu.memref_squeeze %dma_wait3A_113 : memref<1x64xi32, #tpu.memory_space<vmem>> -> memref<64xi32, #tpu.memory_space<vmem>>
        %dma_wait3A_115 = arith.constant 0 : i32
        %dma_wait3A_116 = arith.constant 0 : i32
        %dma_wait3A_117 = tpu.memref_slice %arg2[%dma_wait3A_115, %dma_wait3A_116] : memref<10000x128xf32, #tpu.memory_space<hbm>> -> memref<10000x128xf32, #tpu.memory_space<hbm>>
        tpu.wait_indirect_dma semaphore(%arg12 : memref<!tpu.dma_semaphore, #tpu.memory_space<semaphore_mem>>) src(%dma_wait3A_117 : memref<10000x128xf32, #tpu.memory_space<hbm>>) dst(%arg7 : memref<64x128xf32, #tpu.memory_space<vmem>>)
        %dma_start3A_118 = arith.constant 0 : i32
        %dma_start3A_119 = tpu.memref_slice %arg6[%add3A_110, %dma_start3A_118] : memref<40x64xi32, #tpu.memory_space<vmem>> -> memref<1x64xi32, #tpu.memory_space<vmem>>
        %dma_start3A_120 = tpu.memref_squeeze %dma_start3A_119 : memref<1x64xi32, #tpu.memory_space<vmem>> -> memref<64xi32, #tpu.memory_space<vmem>>
        %dma_start3A_121 = arith.constant 0 : i32
        %dma_start3A_122 = arith.constant 0 : i32
        %dma_start3A_123 = tpu.memref_slice %arg11[%dma_start3A_121, %dma_start3A_122] : memref<10240x128xf32, #tpu.memory_space<vmem_shared>> -> memref<10240x128xf32, #tpu.memory_space<vmem_shared>>
        tpu.enqueue_indirect_dma source(%arg7 : memref<64x128xf32, #tpu.memory_space<vmem>>) target(%dma_start3A_123 : memref<10240x128xf32, #tpu.memory_space<vmem_shared>>) offsets(%dma_start3A_120 : memref<64xi32, #tpu.memory_space<vmem>>) semaphore(%arg16 : memref<!tpu.dma_semaphore, #tpu.memory_space<semaphore_mem>>) {add = true}
        %gt3A = arith.constant 0 : i32
        %gt3A_124 = arith.cmpi sgt, %add3A_110, %gt3A : i32
        %convert_element_type3A = arith.extui %gt3A_124 : i1 to i32
        %cond3A = arith.constant 0 : i32
        %cond3A_125 = arith.cmpi ne, %convert_element_type3A, %cond3A : i32
        scf.if %cond3A_125 {
          %dma_wait3A_220 = arith.constant 0 : i32
          %dma_wait3A_221 = arith.constant 0 : i32
          %dma_wait3A_222 = tpu.memref_slice %arg5[%dma_wait3A_220, %dma_wait3A_221] : memref<40x64xi32, #tpu.memory_space<vmem>> -> memref<1x64xi32, #tpu.memory_space<vmem>>
          %dma_wait3A_223 = tpu.memref_squeeze %dma_wait3A_222 : memref<1x64xi32, #tpu.memory_space<vmem>> -> memref<64xi32, #tpu.memory_space<vmem>>
          %dma_wait3A_224 = arith.constant 0 : i32
          %dma_wait3A_225 = arith.constant 0 : i32
          %dma_wait3A_226 = tpu.memref_slice %arg2[%dma_wait3A_224, %dma_wait3A_225] : memref<10000x128xf32, #tpu.memory_space<hbm>> -> memref<10000x128xf32, #tpu.memory_space<hbm>>
          tpu.wait_indirect_dma semaphore(%arg19 : memref<!tpu.dma_semaphore, #tpu.memory_space<semaphore_mem>>) src(%dma_wait3A_226 : memref<10000x128xf32, #tpu.memory_space<hbm>>) dst(%arg10 : memref<64x128xf32, #tpu.memory_space<vmem>>)
        } else {
        }
        %add3A_126 = arith.constant 3 : i32
        %add3A_127 = arith.addi %add3A_110, %add3A_126 : i32
        %lt3A = arith.constant 40 : i32
        %lt3A_128 = arith.cmpi slt, %add3A_127, %lt3A : i32
        %convert_element_type3A_129 = arith.extui %lt3A_128 : i1 to i32
        %cond3A_130 = arith.constant 0 : i32
        %cond3A_131 = arith.cmpi ne, %convert_element_type3A_129, %cond3A_130 : i32
        scf.if %cond3A_131 {
          %add3A_220 = arith.constant 3 : i32
          %add3A_221 = arith.addi %add3A_110, %add3A_220 : i32
          %dma_start3A_222 = arith.constant 0 : i32
          %dma_start3A_223 = tpu.memref_slice %arg5[%add3A_221, %dma_start3A_222] : memref<40x64xi32, #tpu.memory_space<vmem>> -> memref<1x64xi32, #tpu.memory_space<vmem>>
          %dma_start3A_224 = tpu.memref_squeeze %dma_start3A_223 : memref<1x64xi32, #tpu.memory_space<vmem>> -> memref<64xi32, #tpu.memory_space<vmem>>
          %dma_start3A_225 = arith.constant 0 : i32
          %dma_start3A_226 = arith.constant 0 : i32
          %dma_start3A_227 = tpu.memref_slice %arg2[%dma_start3A_225, %dma_start3A_226] : memref<10000x128xf32, #tpu.memory_space<hbm>> -> memref<10000x128xf32, #tpu.memory_space<hbm>>
          tpu.enqueue_indirect_dma source(%dma_start3A_227 : memref<10000x128xf32, #tpu.memory_space<hbm>>) target(%arg10 : memref<64x128xf32, #tpu.memory_space<vmem>>) offsets(%dma_start3A_224 : memref<64xi32, #tpu.memory_space<vmem>>) semaphore(%arg15 : memref<!tpu.dma_semaphore, #tpu.memory_space<semaphore_mem>>)
        } else {
        }
        %add3A_132 = arith.constant 1 : i32
        %add3A_133 = arith.addi %mul3A_108, %add3A_132 : i32
        %dma_wait3A_134 = arith.constant 0 : i32
        %dma_wait3A_135 = arith.constant 0 : i32
        %dma_wait3A_136 = tpu.memref_slice %arg5[%dma_wait3A_134, %dma_wait3A_135] : memref<40x64xi32, #tpu.memory_space<vmem>> -> memref<1x64xi32, #tpu.memory_space<vmem>>
        %dma_wait3A_137 = tpu.memref_squeeze %dma_wait3A_136 : memref<1x64xi32, #tpu.memory_space<vmem>> -> memref<64xi32, #tpu.memory_space<vmem>>
        %dma_wait3A_138 = arith.constant 0 : i32
        %dma_wait3A_139 = arith.constant 0 : i32
        %dma_wait3A_140 = tpu.memref_slice %arg2[%dma_wait3A_138, %dma_wait3A_139] : memref<10000x128xf32, #tpu.memory_space<hbm>> -> memref<10000x128xf32, #tpu.memory_space<hbm>>
        tpu.wait_indirect_dma semaphore(%arg13 : memref<!tpu.dma_semaphore, #tpu.memory_space<semaphore_mem>>) src(%dma_wait3A_140 : memref<10000x128xf32, #tpu.memory_space<hbm>>) dst(%arg8 : memref<64x128xf32, #tpu.memory_space<vmem>>)
        %dma_start3A_141 = arith.constant 0 : i32
        %dma_start3A_142 = tpu.memref_slice %arg6[%add3A_133, %dma_start3A_141] : memref<40x64xi32, #tpu.memory_space<vmem>> -> memref<1x64xi32, #tpu.memory_space<vmem>>
        %dma_start3A_143 = tpu.memref_squeeze %dma_start3A_142 : memref<1x64xi32, #tpu.memory_space<vmem>> -> memref<64xi32, #tpu.memory_space<vmem>>
        %dma_start3A_144 = arith.constant 0 : i32
        %dma_start3A_145 = arith.constant 0 : i32
        %dma_start3A_146 = tpu.memref_slice %arg11[%dma_start3A_144, %dma_start3A_145] : memref<10240x128xf32, #tpu.memory_space<vmem_shared>> -> memref<10240x128xf32, #tpu.memory_space<vmem_shared>>
        tpu.enqueue_indirect_dma source(%arg8 : memref<64x128xf32, #tpu.memory_space<vmem>>) target(%dma_start3A_146 : memref<10240x128xf32, #tpu.memory_space<vmem_shared>>) offsets(%dma_start3A_143 : memref<64xi32, #tpu.memory_space<vmem>>) semaphore(%arg17 : memref<!tpu.dma_semaphore, #tpu.memory_space<semaphore_mem>>) {add = true}
        %dma_wait3A_147 = arith.constant 0 : i32
        %dma_wait3A_148 = arith.constant 0 : i32
        %dma_wait3A_149 = tpu.memref_slice %arg5[%dma_wait3A_147, %dma_wait3A_148] : memref<40x64xi32, #tpu.memory_space<vmem>> -> memref<1x64xi32, #tpu.memory_space<vmem>>
        %dma_wait3A_150 = tpu.memref_squeeze %dma_wait3A_149 : memref<1x64xi32, #tpu.memory_space<vmem>> -> memref<64xi32, #tpu.memory_space<vmem>>
        %dma_wait3A_151 = arith.constant 0 : i32
        %dma_wait3A_152 = arith.constant 0 : i32
        %dma_wait3A_153 = tpu.memref_slice %arg2[%dma_wait3A_151, %dma_wait3A_152] : memref<10000x128xf32, #tpu.memory_space<hbm>> -> memref<10000x128xf32, #tpu.memory_space<hbm>>
        tpu.wait_indirect_dma semaphore(%arg16 : memref<!tpu.dma_semaphore, #tpu.memory_space<semaphore_mem>>) src(%dma_wait3A_153 : memref<10000x128xf32, #tpu.memory_space<hbm>>) dst(%arg7 : memref<64x128xf32, #tpu.memory_space<vmem>>)
        %add3A_154 = arith.constant 3 : i32
        %add3A_155 = arith.addi %add3A_133, %add3A_154 : i32
        %lt3A_156 = arith.constant 40 : i32
        %lt3A_157 = arith.cmpi slt, %add3A_155, %lt3A_156 : i32
        %convert_element_type3A_158 = arith.extui %lt3A_157 : i1 to i32
        %cond3A_159 = arith.constant 0 : i32
        %cond3A_160 = arith.cmpi ne, %convert_element_type3A_158, %cond3A_159 : i32
        scf.if %cond3A_160 {
          %add3A_220 = arith.constant 3 : i32
          %add3A_221 = arith.addi %add3A_133, %add3A_220 : i32
          %dma_start3A_222 = arith.constant 0 : i32
          %dma_start3A_223 = tpu.memref_slice %arg5[%add3A_221, %dma_start3A_222] : memref<40x64xi32, #tpu.memory_space<vmem>> -> memref<1x64xi32, #tpu.memory_space<vmem>>
          %dma_start3A_224 = tpu.memref_squeeze %dma_start3A_223 : memref<1x64xi32, #tpu.memory_space<vmem>> -> memref<64xi32, #tpu.memory_space<vmem>>
          %dma_start3A_225 = arith.constant 0 : i32
          %dma_start3A_226 = arith.constant 0 : i32
          %dma_start3A_227 = tpu.memref_slice %arg2[%dma_start3A_225, %dma_start3A_226] : memref<10000x128xf32, #tpu.memory_space<hbm>> -> memref<10000x128xf32, #tpu.memory_space<hbm>>
          tpu.enqueue_indirect_dma source(%dma_start3A_227 : memref<10000x128xf32, #tpu.memory_space<hbm>>) target(%arg7 : memref<64x128xf32, #tpu.memory_space<vmem>>) offsets(%dma_start3A_224 : memref<64xi32, #tpu.memory_space<vmem>>) semaphore(%arg12 : memref<!tpu.dma_semaphore, #tpu.memory_space<semaphore_mem>>)
        } else {
        }
        %add3A_161 = arith.constant 2 : i32
        %add3A_162 = arith.addi %mul3A_108, %add3A_161 : i32
        %dma_wait3A_163 = arith.constant 0 : i32
        %dma_wait3A_164 = arith.constant 0 : i32
        %dma_wait3A_165 = tpu.memref_slice %arg5[%dma_wait3A_163, %dma_wait3A_164] : memref<40x64xi32, #tpu.memory_space<vmem>> -> memref<1x64xi32, #tpu.memory_space<vmem>>
        %dma_wait3A_166 = tpu.memref_squeeze %dma_wait3A_165 : memref<1x64xi32, #tpu.memory_space<vmem>> -> memref<64xi32, #tpu.memory_space<vmem>>
        %dma_wait3A_167 = arith.constant 0 : i32
        %dma_wait3A_168 = arith.constant 0 : i32
        %dma_wait3A_169 = tpu.memref_slice %arg2[%dma_wait3A_167, %dma_wait3A_168] : memref<10000x128xf32, #tpu.memory_space<hbm>> -> memref<10000x128xf32, #tpu.memory_space<hbm>>
        tpu.wait_indirect_dma semaphore(%arg14 : memref<!tpu.dma_semaphore, #tpu.memory_space<semaphore_mem>>) src(%dma_wait3A_169 : memref<10000x128xf32, #tpu.memory_space<hbm>>) dst(%arg9 : memref<64x128xf32, #tpu.memory_space<vmem>>)
        %dma_start3A_170 = arith.constant 0 : i32
        %dma_start3A_171 = tpu.memref_slice %arg6[%add3A_162, %dma_start3A_170] : memref<40x64xi32, #tpu.memory_space<vmem>> -> memref<1x64xi32, #tpu.memory_space<vmem>>
        %dma_start3A_172 = tpu.memref_squeeze %dma_start3A_171 : memref<1x64xi32, #tpu.memory_space<vmem>> -> memref<64xi32, #tpu.memory_space<vmem>>
        %dma_start3A_173 = arith.constant 0 : i32
        %dma_start3A_174 = arith.constant 0 : i32
        %dma_start3A_175 = tpu.memref_slice %arg11[%dma_start3A_173, %dma_start3A_174] : memref<10240x128xf32, #tpu.memory_space<vmem_shared>> -> memref<10240x128xf32, #tpu.memory_space<vmem_shared>>
        tpu.enqueue_indirect_dma source(%arg9 : memref<64x128xf32, #tpu.memory_space<vmem>>) target(%dma_start3A_175 : memref<10240x128xf32, #tpu.memory_space<vmem_shared>>) offsets(%dma_start3A_172 : memref<64xi32, #tpu.memory_space<vmem>>) semaphore(%arg18 : memref<!tpu.dma_semaphore, #tpu.memory_space<semaphore_mem>>) {add = true}
        %dma_wait3A_176 = arith.constant 0 : i32
        %dma_wait3A_177 = arith.constant 0 : i32
        %dma_wait3A_178 = tpu.memref_slice %arg5[%dma_wait3A_176, %dma_wait3A_177] : memref<40x64xi32, #tpu.memory_space<vmem>> -> memref<1x64xi32, #tpu.memory_space<vmem>>
        %dma_wait3A_179 = tpu.memref_squeeze %dma_wait3A_178 : memref<1x64xi32, #tpu.memory_space<vmem>> -> memref<64xi32, #tpu.memory_space<vmem>>
        %dma_wait3A_180 = arith.constant 0 : i32
        %dma_wait3A_181 = arith.constant 0 : i32
        %dma_wait3A_182 = tpu.memref_slice %arg2[%dma_wait3A_180, %dma_wait3A_181] : memref<10000x128xf32, #tpu.memory_space<hbm>> -> memref<10000x128xf32, #tpu.memory_space<hbm>>
        tpu.wait_indirect_dma semaphore(%arg17 : memref<!tpu.dma_semaphore, #tpu.memory_space<semaphore_mem>>) src(%dma_wait3A_182 : memref<10000x128xf32, #tpu.memory_space<hbm>>) dst(%arg8 : memref<64x128xf32, #tpu.memory_space<vmem>>)
        %add3A_183 = arith.constant 3 : i32
        %add3A_184 = arith.addi %add3A_162, %add3A_183 : i32
        %lt3A_185 = arith.constant 40 : i32
        %lt3A_186 = arith.cmpi slt, %add3A_184, %lt3A_185 : i32
        %convert_element_type3A_187 = arith.extui %lt3A_186 : i1 to i32
        %cond3A_188 = arith.constant 0 : i32
        %cond3A_189 = arith.cmpi ne, %convert_element_type3A_187, %cond3A_188 : i32
        scf.if %cond3A_189 {
          %add3A_220 = arith.constant 3 : i32
          %add3A_221 = arith.addi %add3A_162, %add3A_220 : i32
          %dma_start3A_222 = arith.constant 0 : i32
          %dma_start3A_223 = tpu.memref_slice %arg5[%add3A_221, %dma_start3A_222] : memref<40x64xi32, #tpu.memory_space<vmem>> -> memref<1x64xi32, #tpu.memory_space<vmem>>
          %dma_start3A_224 = tpu.memref_squeeze %dma_start3A_223 : memref<1x64xi32, #tpu.memory_space<vmem>> -> memref<64xi32, #tpu.memory_space<vmem>>
          %dma_start3A_225 = arith.constant 0 : i32
          %dma_start3A_226 = arith.constant 0 : i32
          %dma_start3A_227 = tpu.memref_slice %arg2[%dma_start3A_225, %dma_start3A_226] : memref<10000x128xf32, #tpu.memory_space<hbm>> -> memref<10000x128xf32, #tpu.memory_space<hbm>>
          tpu.enqueue_indirect_dma source(%dma_start3A_227 : memref<10000x128xf32, #tpu.memory_space<hbm>>) target(%arg8 : memref<64x128xf32, #tpu.memory_space<vmem>>) offsets(%dma_start3A_224 : memref<64xi32, #tpu.memory_space<vmem>>) semaphore(%arg13 : memref<!tpu.dma_semaphore, #tpu.memory_space<semaphore_mem>>)
        } else {
        }
        %add3A_190 = arith.constant 3 : i32
        %add3A_191 = arith.addi %mul3A_108, %add3A_190 : i32
        %dma_wait3A_192 = arith.constant 0 : i32
        %dma_wait3A_193 = arith.constant 0 : i32
        %dma_wait3A_194 = tpu.memref_slice %arg5[%dma_wait3A_192, %dma_wait3A_193] : memref<40x64xi32, #tpu.memory_space<vmem>> -> memref<1x64xi32, #tpu.memory_space<vmem>>
        %dma_wait3A_195 = tpu.memref_squeeze %dma_wait3A_194 : memref<1x64xi32, #tpu.memory_space<vmem>> -> memref<64xi32, #tpu.memory_space<vmem>>
        %dma_wait3A_196 = arith.constant 0 : i32
        %dma_wait3A_197 = arith.constant 0 : i32
        %dma_wait3A_198 = tpu.memref_slice %arg2[%dma_wait3A_196, %dma_wait3A_197] : memref<10000x128xf32, #tpu.memory_space<hbm>> -> memref<10000x128xf32, #tpu.memory_space<hbm>>
        tpu.wait_indirect_dma semaphore(%arg15 : memref<!tpu.dma_semaphore, #tpu.memory_space<semaphore_mem>>) src(%dma_wait3A_198 : memref<10000x128xf32, #tpu.memory_space<hbm>>) dst(%arg10 : memref<64x128xf32, #tpu.memory_space<vmem>>)
        %dma_start3A_199 = arith.constant 0 : i32
        %dma_start3A_200 = tpu.memref_slice %arg6[%add3A_191, %dma_start3A_199] : memref<40x64xi32, #tpu.memory_space<vmem>> -> memref<1x64xi32, #tpu.memory_space<vmem>>
        %dma_start3A_201 = tpu.memref_squeeze %dma_start3A_200 : memref<1x64xi32, #tpu.memory_space<vmem>> -> memref<64xi32, #tpu.memory_space<vmem>>
        %dma_start3A_202 = arith.constant 0 : i32
        %dma_start3A_203 = arith.constant 0 : i32
        %dma_start3A_204 = tpu.memref_slice %arg11[%dma_start3A_202, %dma_start3A_203] : memref<10240x128xf32, #tpu.memory_space<vmem_shared>> -> memref<10240x128xf32, #tpu.memory_space<vmem_shared>>
        tpu.enqueue_indirect_dma source(%arg10 : memref<64x128xf32, #tpu.memory_space<vmem>>) target(%dma_start3A_204 : memref<10240x128xf32, #tpu.memory_space<vmem_shared>>) offsets(%dma_start3A_201 : memref<64xi32, #tpu.memory_space<vmem>>) semaphore(%arg19 : memref<!tpu.dma_semaphore, #tpu.memory_space<semaphore_mem>>) {add = true}
        %dma_wait3A_205 = arith.constant 0 : i32
        %dma_wait3A_206 = arith.constant 0 : i32
        %dma_wait3A_207 = tpu.memref_slice %arg5[%dma_wait3A_205, %dma_wait3A_206] : memref<40x64xi32, #tpu.memory_space<vmem>> -> memref<1x64xi32, #tpu.memory_space<vmem>>
        %dma_wait3A_208 = tpu.memref_squeeze %dma_wait3A_207 : memref<1x64xi32, #tpu.memory_space<vmem>> -> memref<64xi32, #tpu.memory_space<vmem>>
        %dma_wait3A_209 = arith.constant 0 : i32
        %dma_wait3A_210 = arith.constant 0 : i32
        %dma_wait3A_211 = tpu.memref_slice %arg2[%dma_wait3A_209, %dma_wait3A_210] : memref<10000x128xf32, #tpu.memory_space<hbm>> -> memref<10000x128xf32, #tpu.memory_space<hbm>>
        tpu.wait_indirect_dma semaphore(%arg18 : memref<!tpu.dma_semaphore, #tpu.memory_space<semaphore_mem>>) src(%dma_wait3A_211 : memref<10000x128xf32, #tpu.memory_space<hbm>>) dst(%arg9 : memref<64x128xf32, #tpu.memory_space<vmem>>)
        %add3A_212 = arith.constant 3 : i32
        %add3A_213 = arith.addi %add3A_191, %add3A_212 : i32
        %lt3A_214 = arith.constant 40 : i32
        %lt3A_215 = arith.cmpi slt, %add3A_213, %lt3A_214 : i32
        %convert_element_type3A_216 = arith.extui %lt3A_215 : i1 to i32
        %cond3A_217 = arith.constant 0 : i32
        %cond3A_218 = arith.cmpi ne, %convert_element_type3A_216, %cond3A_217 : i32
        scf.if %cond3A_218 {
          %add3A_220 = arith.constant 3 : i32
          %add3A_221 = arith.addi %add3A_191, %add3A_220 : i32
          %dma_start3A_222 = arith.constant 0 : i32
          %dma_start3A_223 = tpu.memref_slice %arg5[%add3A_221, %dma_start3A_222] : memref<40x64xi32, #tpu.memory_space<vmem>> -> memref<1x64xi32, #tpu.memory_space<vmem>>
          %dma_start3A_224 = tpu.memref_squeeze %dma_start3A_223 : memref<1x64xi32, #tpu.memory_space<vmem>> -> memref<64xi32, #tpu.memory_space<vmem>>
          %dma_start3A_225 = arith.constant 0 : i32
          %dma_start3A_226 = arith.constant 0 : i32
          %dma_start3A_227 = tpu.memref_slice %arg2[%dma_start3A_225, %dma_start3A_226] : memref<10000x128xf32, #tpu.memory_space<hbm>> -> memref<10000x128xf32, #tpu.memory_space<hbm>>
          tpu.enqueue_indirect_dma source(%dma_start3A_227 : memref<10000x128xf32, #tpu.memory_space<hbm>>) target(%arg9 : memref<64x128xf32, #tpu.memory_space<vmem>>) offsets(%dma_start3A_224 : memref<64xi32, #tpu.memory_space<vmem>>) semaphore(%arg14 : memref<!tpu.dma_semaphore, #tpu.memory_space<semaphore_mem>>)
        } else {
        }
        %scan3A_219 = arith.constant 0 : i32
        scf.yield %scan3A_219 : i32
      }
      %scan3A_97 = arith.constant 10 : i32
      %dma_wait3A = arith.constant 0 : i32
      %dma_wait3A_98 = arith.constant 0 : i32
      %dma_wait3A_99 = tpu.memref_slice %arg5[%dma_wait3A, %dma_wait3A_98] : memref<40x64xi32, #tpu.memory_space<vmem>> -> memref<1x64xi32, #tpu.memory_space<vmem>>
      %dma_wait3A_100 = tpu.memref_squeeze %dma_wait3A_99 : memref<1x64xi32, #tpu.memory_space<vmem>> -> memref<64xi32, #tpu.memory_space<vmem>>
      %dma_wait3A_101 = arith.constant 0 : i32
      %dma_wait3A_102 = arith.constant 0 : i32
      %dma_wait3A_103 = tpu.memref_slice %arg2[%dma_wait3A_101, %dma_wait3A_102] : memref<10000x128xf32, #tpu.memory_space<hbm>> -> memref<10000x128xf32, #tpu.memory_space<hbm>>
      tpu.wait_indirect_dma semaphore(%arg19 : memref<!tpu.dma_semaphore, #tpu.memory_space<semaphore_mem>>) src(%dma_wait3A_103 : memref<10000x128xf32, #tpu.memory_space<hbm>>) dst(%arg10 : memref<64x128xf32, #tpu.memory_space<vmem>>)
      %while3A_104 = arith.constant 0 : i32
      scf.yield %while3A_104 : i32
    }
    %barrier3A_60 = arith.constant 0 : index
    tpu.barrier barrier_id(%barrier3A_60)
    %mul3A_61 = arith.constant 640 : i32
    %mul3A_62 = arith.muli %arg1, %mul3A_61 : i32
    "tpu.region"() ({
      %run_scoped3A = tpu.sem_alloc : memref<!tpu.dma_semaphore, #tpu.memory_space<semaphore_mem>>
      %dma_start3A = arith.constant 0 : i32
      %dma_start3A_63 = tpu.memref_slice %arg4[%arg0, %mul3A_62, %dma_start3A] : memref<2x10240x128xf32, #tpu.memory_space<hbm>> -> memref<1x640x128xf32, #tpu.memory_space<hbm>>
      %dma_start3A_64 = tpu.memref_squeeze %dma_start3A_63 : memref<1x640x128xf32, #tpu.memory_space<hbm>> -> memref<640x128xf32, #tpu.memory_space<hbm>>
      %dma_start3A_65 = arith.constant 0 : i32
      %dma_start3A_66 = tpu.memref_slice %arg11[%mul3A_62, %dma_start3A_65] : memref<10240x128xf32, #tpu.memory_space<vmem_shared>> -> memref<640x128xf32, #tpu.memory_space<vmem_shared>>
      tpu.enqueue_dma source(%dma_start3A_66 : memref<640x128xf32, #tpu.memory_space<vmem_shared>>) target(%dma_start3A_64 : memref<640x128xf32, #tpu.memory_space<hbm>>) target_semaphore(%run_scoped3A : memref<!tpu.dma_semaphore, #tpu.memory_space<semaphore_mem>>)
      %dma_wait3A = arith.constant 0 : i32
      %dma_wait3A_67 = tpu.memref_slice %arg4[%arg0, %mul3A_62, %dma_wait3A] : memref<2x10240x128xf32, #tpu.memory_space<hbm>> -> memref<1x640x128xf32, #tpu.memory_space<hbm>>
      %dma_wait3A_68 = tpu.memref_squeeze %dma_wait3A_67 : memref<1x640x128xf32, #tpu.memory_space<hbm>> -> memref<640x128xf32, #tpu.memory_space<hbm>>
      %dma_wait3A_69 = arith.constant 0 : i32
      %dma_wait3A_70 = tpu.memref_slice %arg11[%mul3A_62, %dma_wait3A_69] : memref<10240x128xf32, #tpu.memory_space<vmem_shared>> -> memref<640x128xf32, #tpu.memory_space<vmem_shared>>
      tpu.wait_dma2 semaphore(%run_scoped3A : memref<!tpu.dma_semaphore, #tpu.memory_space<semaphore_mem>>) src(%dma_wait3A_70 : memref<640x128xf32, #tpu.memory_space<vmem_shared>>) dst(%dma_wait3A_68 : memref<640x128xf32, #tpu.memory_space<hbm>>)
      tpu.yield
    }) : () -> ()
    return
  }
}

#map = affine_map<(d0, d1) -> (0, 0)>
#map1 = affine_map<(d0, d1) -> (0, 0, 0)>
module attributes {stable_mosaic.version = 14 : i64} {
  func.func @scat_kernel(%arg0: i32, %arg1: i32, %arg2: memref<10000x128xf32, #tpu.memory_space<hbm>>, %arg3: memref<2x5000x64xi32, #tpu.memory_space<hbm>>, %arg4: memref<2x10240x128xf32, #tpu.memory_space<hbm>>, %arg5: memref<40x64xi32, #tpu.memory_space<vmem>>, %arg6: memref<40x64xi32, #tpu.memory_space<vmem>>, %arg7: memref<64x128xf32, #tpu.memory_space<vmem>>, %arg8: memref<64x128xf32, #tpu.memory_space<vmem>>, %arg9: memref<64x128xf32, #tpu.memory_space<vmem>>, %arg10: memref<64x128xf32, #tpu.memory_space<vmem>>, %arg11: memref<10240x128xf32, #tpu.memory_space<vmem_shared>>, %arg12: memref<!tpu.dma_semaphore, #tpu.memory_space<semaphore_mem>>, %arg13: memref<!tpu.dma_semaphore, #tpu.memory_space<semaphore_mem>>, %arg14: memref<!tpu.dma_semaphore, #tpu.memory_space<semaphore_mem>>, %arg15: memref<!tpu.dma_semaphore, #tpu.memory_space<semaphore_mem>>, %arg16: memref<!tpu.dma_semaphore, #tpu.memory_space<semaphore_mem>>, %arg17: memref<!tpu.dma_semaphore, #tpu.memory_space<semaphore_mem>>, %arg18: memref<!tpu.dma_semaphore, #tpu.memory_space<semaphore_mem>>, %arg19: memref<!tpu.dma_semaphore, #tpu.memory_space<semaphore_mem>>) attributes {dimension_semantics = [#tpu.dimension_semantics<core_parallel>, #tpu.dimension_semantics<subcore_parallel>], iteration_bounds = array<i64: 2, 16>, scalar_prefetch = 0 : i64, scratch_operands = 15 : i64, tpu.core_type = #tpu.core_type<sc_vector_subcore>, window_params = [{transform_indices = #map}, {transform_indices = #map1}, {transform_indices = #map1}]} {
    %mul3A = arith.constant 2 : i32
    %mul3A_0 = arith.muli %arg1, %mul3A : i32
    %add3A = arith.addi %mul3A_0, %arg0 : i32
    %scan3A = arith.constant 0 : i32
    %scan3A_1 = arith.constant 0 : i32
    %scan3A_2 = arith.constant 512 : i32
    %scan3A_3 = arith.addi %scan3A_1, %scan3A_2 : i32
    %scan3A_4 = arith.constant 1 : i32
    %scan3A_5 = scf.for %scan3A_63 = %scan3A_1 to %scan3A_3 step %scan3A_4 iter_args(%scan3A_64 = %scan3A) -> (i32)  : i32 {
      %broadcast_in_dim3A = arith.constant 0.000000e+00 : f32
      %broadcast_in_dim3A_65 = vector.broadcast %broadcast_in_dim3A : f32 to vector<16xf32>
      %jit3A_66 = arith.constant 8 : i32
      %div3A = arith.divsi %scan3A_63, %jit3A_66 : i32
      %sign3A = arith.constant 0 : i32
      %sign3A_67 = arith.cmpi sgt, %scan3A_63, %sign3A : i32
      %sign3A_68 = arith.extui %sign3A_67 : i1 to i32
      %sign3A_69 = arith.constant 0 : i32
      %sign3A_70 = arith.cmpi slt, %scan3A_63, %sign3A_69 : i32
      %sign3A_71 = arith.extui %sign3A_70 : i1 to i32
      %sign3A_72 = arith.subi %sign3A_68, %sign3A_71 : i32
      %sign3A_73 = arith.constant 0 : i32
      %sign3A_74 = arith.cmpi sgt, %jit3A_66, %sign3A_73 : i32
      %sign3A_75 = arith.extui %sign3A_74 : i1 to i32
      %sign3A_76 = arith.constant 0 : i32
      %sign3A_77 = arith.cmpi slt, %jit3A_66, %sign3A_76 : i32
      %sign3A_78 = arith.extui %sign3A_77 : i1 to i32
      %sign3A_79 = arith.subi %sign3A_75, %sign3A_78 : i32
      %ne3A = arith.cmpi ne, %sign3A_72, %sign3A_79 : i32
      %rem3A = arith.remsi %scan3A_63, %jit3A_66 : i32
      %ne3A_80 = arith.constant 0 : i32
      %ne3A_81 = arith.cmpi ne, %rem3A, %ne3A_80 : i32
      %and3A = arith.andi %ne3A, %ne3A_81 : i1
      %sub3A = arith.constant 1 : i32
      %sub3A_82 = arith.subi %div3A, %sub3A : i32
      %select_n3A_83 = arith.select %and3A, %sub3A_82, %div3A : i32
      %jit3A_84 = arith.constant 8 : i32
      %eq3A_85 = arith.constant 0 : i32
      %eq3A_86 = arith.cmpi eq, %jit3A_84, %eq3A_85 : i32
      %jit3A_87 = arith.constant 1 : i32
      %select_n3A_88 = arith.select %eq3A_86, %jit3A_87, %jit3A_84 : i32
      %rem3A_89 = arith.remsi %scan3A_63, %select_n3A_88 : i32
      %ne3A_90 = arith.constant 0 : i32
      %ne3A_91 = arith.cmpi ne, %rem3A_89, %ne3A_90 : i32
      %lt3A = arith.constant 0 : i32
      %lt3A_92 = arith.cmpi slt, %rem3A_89, %lt3A : i32
      %lt3A_93 = arith.constant 0 : i32
      %lt3A_94 = arith.cmpi slt, %select_n3A_88, %lt3A_93 : i32
      %ne3A_95 = arith.xori %lt3A_92, %lt3A_94 : i1
      %and3A_96 = arith.andi %ne3A_95, %ne3A_91 : i1
      %add3A_97 = arith.addi %rem3A_89, %select_n3A_88 : i32
      %select_n3A_98 = arith.select %and3A_96, %add3A_97, %rem3A_89 : i32
      %mul3A_99 = arith.constant 16 : i32
      %mul3A_100 = arith.muli %select_n3A_98, %mul3A_99 : i32
      %swap3A = arith.index_cast %select_n3A_83 : i32 to index
      %swap3A_101 = arith.index_cast %mul3A_100 : i32 to index
      %swap3A_102 = tpu.vector_load %arg7[%swap3A, %swap3A_101] {strides = array<i32>} : memref<64x128xf32, #tpu.memory_space<vmem>>, vector<1x16xf32>,
      %swap3A_103 = vector.shape_cast %swap3A_102 : vector<1x16xf32> to vector<16xf32>
      %swap3A_104 = vector.shape_cast %broadcast_in_dim3A_65 : vector<16xf32> to vector<1x16xf32>
      tpu.vector_store %arg7[%swap3A, %swap3A_101], %swap3A_104 {strides = array<i32>} : memref<64x128xf32, #tpu.memory_space<vmem>>, vector<1x16xf32>,
      %scan3A_105 = arith.constant 0 : i32
      scf.yield %scan3A_105 : i32
    }
    %scan3A_6 = arith.constant 512 : i32
    %mul3A_7 = arith.constant 640 : i32
    %mul3A_8 = arith.muli %arg1, %mul3A_7 : i32
    %add3A_9 = arith.constant 0 : i32
    %add3A_10 = arith.addi %mul3A_8, %add3A_9 : i32
    "tpu.region"() ({
      %run_scoped3A = tpu.sem_alloc : memref<!tpu.dma_semaphore, #tpu.memory_space<semaphore_mem>>
      %dma_start3A = arith.constant 0 : i32
      %dma_start3A_63 = tpu.memref_slice %arg11[%add3A_10, %dma_start3A] : memref<10240x128xf32, #tpu.memory_space<vmem_shared>> -> memref<64x128xf32, #tpu.memory_space<vmem_shared>>
      %dma_start3A_64 = arith.constant 0 : i32
      %dma_start3A_65 = tpu.memref_slice %arg11[%add3A_10, %dma_start3A_64] : memref<10240x128xf32, #tpu.memory_space<vmem_shared>> -> memref<64x128xf32, #tpu.memory_space<vmem_shared>>
      tpu.enqueue_dma source(%arg7 : memref<64x128xf32, #tpu.memory_space<vmem>>) target(%dma_start3A_65 : memref<64x128xf32, #tpu.memory_space<vmem_shared>>) target_semaphore(%run_scoped3A : memref<!tpu.dma_semaphore, #tpu.memory_space<semaphore_mem>>)
      %dma_wait3A = arith.constant 0 : i32
      %dma_wait3A_66 = tpu.memref_slice %arg11[%add3A_10, %dma_wait3A] : memref<10240x128xf32, #tpu.memory_space<vmem_shared>> -> memref<64x128xf32, #tpu.memory_space<vmem_shared>>
      %dma_wait3A_67 = arith.constant 0 : i32
      %dma_wait3A_68 = tpu.memref_slice %arg11[%add3A_10, %dma_wait3A_67] : memref<10240x128xf32, #tpu.memory_space<vmem_shared>> -> memref<64x128xf32, #tpu.memory_space<vmem_shared>>
      tpu.wait_dma2 semaphore(%run_scoped3A : memref<!tpu.dma_semaphore, #tpu.memory_space<semaphore_mem>>) src(%arg7 : memref<64x128xf32, #tpu.memory_space<vmem>>) dst(%dma_wait3A_68 : memref<64x128xf32, #tpu.memory_space<vmem_shared>>)
      tpu.yield
    }) : () -> ()
    %mul3A_11 = arith.constant 640 : i32
    %mul3A_12 = arith.muli %arg1, %mul3A_11 : i32
    %add3A_13 = arith.constant 64 : i32
    %add3A_14 = arith.addi %mul3A_12, %add3A_13 : i32
    "tpu.region"() ({
      %run_scoped3A = tpu.sem_alloc : memref<!tpu.dma_semaphore, #tpu.memory_space<semaphore_mem>>
      %dma_start3A = arith.constant 0 : i32
      %dma_start3A_63 = tpu.memref_slice %arg11[%add3A_14, %dma_start3A] : memref<10240x128xf32, #tpu.memory_space<vmem_shared>> -> memref<64x128xf32, #tpu.memory_space<vmem_shared>>
      %dma_start3A_64 = arith.constant 0 : i32
      %dma_start3A_65 = tpu.memref_slice %arg11[%add3A_14, %dma_start3A_64] : memref<10240x128xf32, #tpu.memory_space<vmem_shared>> -> memref<64x128xf32, #tpu.memory_space<vmem_shared>>
      tpu.enqueue_dma source(%arg7 : memref<64x128xf32, #tpu.memory_space<vmem>>) target(%dma_start3A_65 : memref<64x128xf32, #tpu.memory_space<vmem_shared>>) target_semaphore(%run_scoped3A : memref<!tpu.dma_semaphore, #tpu.memory_space<semaphore_mem>>)
      %dma_wait3A = arith.constant 0 : i32
      %dma_wait3A_66 = tpu.memref_slice %arg11[%add3A_14, %dma_wait3A] : memref<10240x128xf32, #tpu.memory_space<vmem_shared>> -> memref<64x128xf32, #tpu.memory_space<vmem_shared>>
      %dma_wait3A_67 = arith.constant 0 : i32
      %dma_wait3A_68 = tpu.memref_slice %arg11[%add3A_14, %dma_wait3A_67] : memref<10240x128xf32, #tpu.memory_space<vmem_shared>> -> memref<64x128xf32, #tpu.memory_space<vmem_shared>>
      tpu.wait_dma2 semaphore(%run_scoped3A : memref<!tpu.dma_semaphore, #tpu.memory_space<semaphore_mem>>) src(%arg7 : memref<64x128xf32, #tpu.memory_space<vmem>>) dst(%dma_wait3A_68 : memref<64x128xf32, #tpu.memory_space<vmem_shared>>)
      tpu.yield
    }) : () -> ()
    %mul3A_15 = arith.constant 640 : i32
    %mul3A_16 = arith.muli %arg1, %mul3A_15 : i32
    %add3A_17 = arith.constant 128 : i32
    %add3A_18 = arith.addi %mul3A_16, %add3A_17 : i32
    "tpu.region"() ({
      %run_scoped3A = tpu.sem_alloc : memref<!tpu.dma_semaphore, #tpu.memory_space<semaphore_mem>>
      %dma_start3A = arith.constant 0 : i32
      %dma_start3A_63 = tpu.memref_slice %arg11[%add3A_18, %dma_start3A] : memref<10240x128xf32, #tpu.memory_space<vmem_shared>> -> memref<64x128xf32, #tpu.memory_space<vmem_shared>>
      %dma_start3A_64 = arith.constant 0 : i32
      %dma_start3A_65 = tpu.memref_slice %arg11[%add3A_18, %dma_start3A_64] : memref<10240x128xf32, #tpu.memory_space<vmem_shared>> -> memref<64x128xf32, #tpu.memory_space<vmem_shared>>
      tpu.enqueue_dma source(%arg7 : memref<64x128xf32, #tpu.memory_space<vmem>>) target(%dma_start3A_65 : memref<64x128xf32, #tpu.memory_space<vmem_shared>>) target_semaphore(%run_scoped3A : memref<!tpu.dma_semaphore, #tpu.memory_space<semaphore_mem>>)
      %dma_wait3A = arith.constant 0 : i32
      %dma_wait3A_66 = tpu.memref_slice %arg11[%add3A_18, %dma_wait3A] : memref<10240x128xf32, #tpu.memory_space<vmem_shared>> -> memref<64x128xf32, #tpu.memory_space<vmem_shared>>
      %dma_wait3A_67 = arith.constant 0 : i32
      %dma_wait3A_68 = tpu.memref_slice %arg11[%add3A_18, %dma_wait3A_67] : memref<10240x128xf32, #tpu.memory_space<vmem_shared>> -> memref<64x128xf32, #tpu.memory_space<vmem_shared>>
      tpu.wait_dma2 semaphore(%run_scoped3A : memref<!tpu.dma_semaphore, #tpu.memory_space<semaphore_mem>>) src(%arg7 : memref<64x128xf32, #tpu.memory_space<vmem>>) dst(%dma_wait3A_68 : memref<64x128xf32, #tpu.memory_space<vmem_shared>>)
      tpu.yield
    }) : () -> ()
    %mul3A_19 = arith.constant 640 : i32
    %mul3A_20 = arith.muli %arg1, %mul3A_19 : i32
    %add3A_21 = arith.constant 192 : i32
    %add3A_22 = arith.addi %mul3A_20, %add3A_21 : i32
    "tpu.region"() ({
      %run_scoped3A = tpu.sem_alloc : memref<!tpu.dma_semaphore, #tpu.memory_space<semaphore_mem>>
      %dma_start3A = arith.constant 0 : i32
      %dma_start3A_63 = tpu.memref_slice %arg11[%add3A_22, %dma_start3A] : memref<10240x128xf32, #tpu.memory_space<vmem_shared>> -> memref<64x128xf32, #tpu.memory_space<vmem_shared>>
      %dma_start3A_64 = arith.constant 0 : i32
      %dma_start3A_65 = tpu.memref_slice %arg11[%add3A_22, %dma_start3A_64] : memref<10240x128xf32, #tpu.memory_space<vmem_shared>> -> memref<64x128xf32, #tpu.memory_space<vmem_shared>>
      tpu.enqueue_dma source(%arg7 : memref<64x128xf32, #tpu.memory_space<vmem>>) target(%dma_start3A_65 : memref<64x128xf32, #tpu.memory_space<vmem_shared>>) target_semaphore(%run_scoped3A : memref<!tpu.dma_semaphore, #tpu.memory_space<semaphore_mem>>)
      %dma_wait3A = arith.constant 0 : i32
      %dma_wait3A_66 = tpu.memref_slice %arg11[%add3A_22, %dma_wait3A] : memref<10240x128xf32, #tpu.memory_space<vmem_shared>> -> memref<64x128xf32, #tpu.memory_space<vmem_shared>>
      %dma_wait3A_67 = arith.constant 0 : i32
      %dma_wait3A_68 = tpu.memref_slice %arg11[%add3A_22, %dma_wait3A_67] : memref<10240x128xf32, #tpu.memory_space<vmem_shared>> -> memref<64x128xf32, #tpu.memory_space<vmem_shared>>
      tpu.wait_dma2 semaphore(%run_scoped3A : memref<!tpu.dma_semaphore, #tpu.memory_space<semaphore_mem>>) src(%arg7 : memref<64x128xf32, #tpu.memory_space<vmem>>) dst(%dma_wait3A_68 : memref<64x128xf32, #tpu.memory_space<vmem_shared>>)
      tpu.yield
    }) : () -> ()
    %mul3A_23 = arith.constant 640 : i32
    %mul3A_24 = arith.muli %arg1, %mul3A_23 : i32
    %add3A_25 = arith.constant 256 : i32
    %add3A_26 = arith.addi %mul3A_24, %add3A_25 : i32
    "tpu.region"() ({
      %run_scoped3A = tpu.sem_alloc : memref<!tpu.dma_semaphore, #tpu.memory_space<semaphore_mem>>
      %dma_start3A = arith.constant 0 : i32
      %dma_start3A_63 = tpu.memref_slice %arg11[%add3A_26, %dma_start3A] : memref<10240x128xf32, #tpu.memory_space<vmem_shared>> -> memref<64x128xf32, #tpu.memory_space<vmem_shared>>
      %dma_start3A_64 = arith.constant 0 : i32
      %dma_start3A_65 = tpu.memref_slice %arg11[%add3A_26, %dma_start3A_64] : memref<10240x128xf32, #tpu.memory_space<vmem_shared>> -> memref<64x128xf32, #tpu.memory_space<vmem_shared>>
      tpu.enqueue_dma source(%arg7 : memref<64x128xf32, #tpu.memory_space<vmem>>) target(%dma_start3A_65 : memref<64x128xf32, #tpu.memory_space<vmem_shared>>) target_semaphore(%run_scoped3A : memref<!tpu.dma_semaphore, #tpu.memory_space<semaphore_mem>>)
      %dma_wait3A = arith.constant 0 : i32
      %dma_wait3A_66 = tpu.memref_slice %arg11[%add3A_26, %dma_wait3A] : memref<10240x128xf32, #tpu.memory_space<vmem_shared>> -> memref<64x128xf32, #tpu.memory_space<vmem_shared>>
      %dma_wait3A_67 = arith.constant 0 : i32
      %dma_wait3A_68 = tpu.memref_slice %arg11[%add3A_26, %dma_wait3A_67] : memref<10240x128xf32, #tpu.memory_space<vmem_shared>> -> memref<64x128xf32, #tpu.memory_space<vmem_shared>>
      tpu.wait_dma2 semaphore(%run_scoped3A : memref<!tpu.dma_semaphore, #tpu.memory_space<semaphore_mem>>) src(%arg7 : memref<64x128xf32, #tpu.memory_space<vmem>>) dst(%dma_wait3A_68 : memref<64x128xf32, #tpu.memory_space<vmem_shared>>)
      tpu.yield
    }) : () -> ()
    %mul3A_27 = arith.constant 640 : i32
    %mul3A_28 = arith.muli %arg1, %mul3A_27 : i32
    %add3A_29 = arith.constant 320 : i32
    %add3A_30 = arith.addi %mul3A_28, %add3A_29 : i32
    "tpu.region"() ({
      %run_scoped3A = tpu.sem_alloc : memref<!tpu.dma_semaphore, #tpu.memory_space<semaphore_mem>>
      %dma_start3A = arith.constant 0 : i32
      %dma_start3A_63 = tpu.memref_slice %arg11[%add3A_30, %dma_start3A] : memref<10240x128xf32, #tpu.memory_space<vmem_shared>> -> memref<64x128xf32, #tpu.memory_space<vmem_shared>>
      %dma_start3A_64 = arith.constant 0 : i32
      %dma_start3A_65 = tpu.memref_slice %arg11[%add3A_30, %dma_start3A_64] : memref<10240x128xf32, #tpu.memory_space<vmem_shared>> -> memref<64x128xf32, #tpu.memory_space<vmem_shared>>
      tpu.enqueue_dma source(%arg7 : memref<64x128xf32, #tpu.memory_space<vmem>>) target(%dma_start3A_65 : memref<64x128xf32, #tpu.memory_space<vmem_shared>>) target_semaphore(%run_scoped3A : memref<!tpu.dma_semaphore, #tpu.memory_space<semaphore_mem>>)
      %dma_wait3A = arith.constant 0 : i32
      %dma_wait3A_66 = tpu.memref_slice %arg11[%add3A_30, %dma_wait3A] : memref<10240x128xf32, #tpu.memory_space<vmem_shared>> -> memref<64x128xf32, #tpu.memory_space<vmem_shared>>
      %dma_wait3A_67 = arith.constant 0 : i32
      %dma_wait3A_68 = tpu.memref_slice %arg11[%add3A_30, %dma_wait3A_67] : memref<10240x128xf32, #tpu.memory_space<vmem_shared>> -> memref<64x128xf32, #tpu.memory_space<vmem_shared>>
      tpu.wait_dma2 semaphore(%run_scoped3A : memref<!tpu.dma_semaphore, #tpu.memory_space<semaphore_mem>>) src(%arg7 : memref<64x128xf32, #tpu.memory_space<vmem>>) dst(%dma_wait3A_68 : memref<64x128xf32, #tpu.memory_space<vmem_shared>>)
      tpu.yield
    }) : () -> ()
    %mul3A_31 = arith.constant 640 : i32
    %mul3A_32 = arith.muli %arg1, %mul3A_31 : i32
    %add3A_33 = arith.constant 384 : i32
    %add3A_34 = arith.addi %mul3A_32, %add3A_33 : i32
    "tpu.region"() ({
      %run_scoped3A = tpu.sem_alloc : memref<!tpu.dma_semaphore, #tpu.memory_space<semaphore_mem>>
      %dma_start3A = arith.constant 0 : i32
      %dma_start3A_63 = tpu.memref_slice %arg11[%add3A_34, %dma_start3A] : memref<10240x128xf32, #tpu.memory_space<vmem_shared>> -> memref<64x128xf32, #tpu.memory_space<vmem_shared>>
      %dma_start3A_64 = arith.constant 0 : i32
      %dma_start3A_65 = tpu.memref_slice %arg11[%add3A_34, %dma_start3A_64] : memref<10240x128xf32, #tpu.memory_space<vmem_shared>> -> memref<64x128xf32, #tpu.memory_space<vmem_shared>>
      tpu.enqueue_dma source(%arg7 : memref<64x128xf32, #tpu.memory_space<vmem>>) target(%dma_start3A_65 : memref<64x128xf32, #tpu.memory_space<vmem_shared>>) target_semaphore(%run_scoped3A : memref<!tpu.dma_semaphore, #tpu.memory_space<semaphore_mem>>)
      %dma_wait3A = arith.constant 0 : i32
      %dma_wait3A_66 = tpu.memref_slice %arg11[%add3A_34, %dma_wait3A] : memref<10240x128xf32, #tpu.memory_space<vmem_shared>> -> memref<64x128xf32, #tpu.memory_space<vmem_shared>>
      %dma_wait3A_67 = arith.constant 0 : i32
      %dma_wait3A_68 = tpu.memref_slice %arg11[%add3A_34, %dma_wait3A_67] : memref<10240x128xf32, #tpu.memory_space<vmem_shared>> -> memref<64x128xf32, #tpu.memory_space<vmem_shared>>
      tpu.wait_dma2 semaphore(%run_scoped3A : memref<!tpu.dma_semaphore, #tpu.memory_space<semaphore_mem>>) src(%arg7 : memref<64x128xf32, #tpu.memory_space<vmem>>) dst(%dma_wait3A_68 : memref<64x128xf32, #tpu.memory_space<vmem_shared>>)
      tpu.yield
    }) : () -> ()
    %mul3A_35 = arith.constant 640 : i32
    %mul3A_36 = arith.muli %arg1, %mul3A_35 : i32
    %add3A_37 = arith.constant 448 : i32
    %add3A_38 = arith.addi %mul3A_36, %add3A_37 : i32
    "tpu.region"() ({
      %run_scoped3A = tpu.sem_alloc : memref<!tpu.dma_semaphore, #tpu.memory_space<semaphore_mem>>
      %dma_start3A = arith.constant 0 : i32
      %dma_start3A_63 = tpu.memref_slice %arg11[%add3A_38, %dma_start3A] : memref<10240x128xf32, #tpu.memory_space<vmem_shared>> -> memref<64x128xf32, #tpu.memory_space<vmem_shared>>
      %dma_start3A_64 = arith.constant 0 : i32
      %dma_start3A_65 = tpu.memref_slice %arg11[%add3A_38, %dma_start3A_64] : memref<10240x128xf32, #tpu.memory_space<vmem_shared>> -> memref<64x128xf32, #tpu.memory_space<vmem_shared>>
      tpu.enqueue_dma source(%arg7 : memref<64x128xf32, #tpu.memory_space<vmem>>) target(%dma_start3A_65 : memref<64x128xf32, #tpu.memory_space<vmem_shared>>) target_semaphore(%run_scoped3A : memref<!tpu.dma_semaphore, #tpu.memory_space<semaphore_mem>>)
      %dma_wait3A = arith.constant 0 : i32
      %dma_wait3A_66 = tpu.memref_slice %arg11[%add3A_38, %dma_wait3A] : memref<10240x128xf32, #tpu.memory_space<vmem_shared>> -> memref<64x128xf32, #tpu.memory_space<vmem_shared>>
      %dma_wait3A_67 = arith.constant 0 : i32
      %dma_wait3A_68 = tpu.memref_slice %arg11[%add3A_38, %dma_wait3A_67] : memref<10240x128xf32, #tpu.memory_space<vmem_shared>> -> memref<64x128xf32, #tpu.memory_space<vmem_shared>>
      tpu.wait_dma2 semaphore(%run_scoped3A : memref<!tpu.dma_semaphore, #tpu.memory_space<semaphore_mem>>) src(%arg7 : memref<64x128xf32, #tpu.memory_space<vmem>>) dst(%dma_wait3A_68 : memref<64x128xf32, #tpu.memory_space<vmem_shared>>)
      tpu.yield
    }) : () -> ()
    %mul3A_39 = arith.constant 640 : i32
    %mul3A_40 = arith.muli %arg1, %mul3A_39 : i32
    %add3A_41 = arith.constant 512 : i32
    %add3A_42 = arith.addi %mul3A_40, %add3A_41 : i32
    "tpu.region"() ({
      %run_scoped3A = tpu.sem_alloc : memref<!tpu.dma_semaphore, #tpu.memory_space<semaphore_mem>>
      %dma_start3A = arith.constant 0 : i32
      %dma_start3A_63 = tpu.memref_slice %arg11[%add3A_42, %dma_start3A] : memref<10240x128xf32, #tpu.memory_space<vmem_shared>> -> memref<64x128xf32, #tpu.memory_space<vmem_shared>>
      %dma_start3A_64 = arith.constant 0 : i32
      %dma_start3A_65 = tpu.memref_slice %arg11[%add3A_42, %dma_start3A_64] : memref<10240x128xf32, #tpu.memory_space<vmem_shared>> -> memref<64x128xf32, #tpu.memory_space<vmem_shared>>
      tpu.enqueue_dma source(%arg7 : memref<64x128xf32, #tpu.memory_space<vmem>>) target(%dma_start3A_65 : memref<64x128xf32, #tpu.memory_space<vmem_shared>>) target_semaphore(%run_scoped3A : memref<!tpu.dma_semaphore, #tpu.memory_space<semaphore_mem>>)
      %dma_wait3A = arith.constant 0 : i32
      %dma_wait3A_66 = tpu.memref_slice %arg11[%add3A_42, %dma_wait3A] : memref<10240x128xf32, #tpu.memory_space<vmem_shared>> -> memref<64x128xf32, #tpu.memory_space<vmem_shared>>
      %dma_wait3A_67 = arith.constant 0 : i32
      %dma_wait3A_68 = tpu.memref_slice %arg11[%add3A_42, %dma_wait3A_67] : memref<10240x128xf32, #tpu.memory_space<vmem_shared>> -> memref<64x128xf32, #tpu.memory_space<vmem_shared>>
      tpu.wait_dma2 semaphore(%run_scoped3A : memref<!tpu.dma_semaphore, #tpu.memory_space<semaphore_mem>>) src(%arg7 : memref<64x128xf32, #tpu.memory_space<vmem>>) dst(%dma_wait3A_68 : memref<64x128xf32, #tpu.memory_space<vmem_shared>>)
      tpu.yield
    }) : () -> ()
    %mul3A_43 = arith.constant 640 : i32
    %mul3A_44 = arith.muli %arg1, %mul3A_43 : i32
    %add3A_45 = arith.constant 576 : i32
    %add3A_46 = arith.addi %mul3A_44, %add3A_45 : i32
    "tpu.region"() ({
      %run_scoped3A = tpu.sem_alloc : memref<!tpu.dma_semaphore, #tpu.memory_space<semaphore_mem>>
      %dma_start3A = arith.constant 0 : i32
      %dma_start3A_63 = tpu.memref_slice %arg11[%add3A_46, %dma_start3A] : memref<10240x128xf32, #tpu.memory_space<vmem_shared>> -> memref<64x128xf32, #tpu.memory_space<vmem_shared>>
      %dma_start3A_64 = arith.constant 0 : i32
      %dma_start3A_65 = tpu.memref_slice %arg11[%add3A_46, %dma_start3A_64] : memref<10240x128xf32, #tpu.memory_space<vmem_shared>> -> memref<64x128xf32, #tpu.memory_space<vmem_shared>>
      tpu.enqueue_dma source(%arg7 : memref<64x128xf32, #tpu.memory_space<vmem>>) target(%dma_start3A_65 : memref<64x128xf32, #tpu.memory_space<vmem_shared>>) target_semaphore(%run_scoped3A : memref<!tpu.dma_semaphore, #tpu.memory_space<semaphore_mem>>)
      %dma_wait3A = arith.constant 0 : i32
      %dma_wait3A_66 = tpu.memref_slice %arg11[%add3A_46, %dma_wait3A] : memref<10240x128xf32, #tpu.memory_space<vmem_shared>> -> memref<64x128xf32, #tpu.memory_space<vmem_shared>>
      %dma_wait3A_67 = arith.constant 0 : i32
      %dma_wait3A_68 = tpu.memref_slice %arg11[%add3A_46, %dma_wait3A_67] : memref<10240x128xf32, #tpu.memory_space<vmem_shared>> -> memref<64x128xf32, #tpu.memory_space<vmem_shared>>
      tpu.wait_dma2 semaphore(%run_scoped3A : memref<!tpu.dma_semaphore, #tpu.memory_space<semaphore_mem>>) src(%arg7 : memref<64x128xf32, #tpu.memory_space<vmem>>) dst(%dma_wait3A_68 : memref<64x128xf32, #tpu.memory_space<vmem_shared>>)
      tpu.yield
    }) : () -> ()
    %barrier3A = arith.constant 0 : index
    tpu.barrier barrier_id(%barrier3A)
    %eq3A = arith.constant 31 : i32
    %eq3A_47 = arith.cmpi eq, %add3A, %eq3A : i32
    %jit3A = arith.constant 1 : i32
    %jit3A_48 = arith.constant 4 : i32
    %select_n3A = arith.select %eq3A_47, %jit3A, %jit3A_48 : i32
    %while3A = arith.constant 0 : i32
    %while3A_49 = arith.constant 0 : i32
    %while3A_50 = arith.subi %select_n3A, %while3A : i32
    %while3A_51 = arith.addi %while3A, %while3A_50 : i32
    %while3A_52 = arith.constant 1 : i32
    %while3A_53 = arith.divsi %while3A_50, %while3A_52 : i32
    %while3A_54 = arith.muli %while3A_53, %while3A_52 : i32
    %while3A_55 = arith.addi %while3A, %while3A_54 : i32
    %while3A_56 = arith.constant 1 : i32
    %while3A_57 = scf.for %while3A_63 = %while3A to %while3A_55 step %while3A_56 iter_args(%while3A_64 = %while3A_49) -> (i32)  : i32 {
      %mul3A_65 = arith.constant 160 : i32
      %mul3A_66 = arith.muli %add3A, %mul3A_65 : i32
      %mul3A_67 = arith.constant 40 : i32
      %mul3A_68 = arith.muli %while3A_63, %mul3A_67 : i32
      %add3A_69 = arith.addi %mul3A_66, %mul3A_68 : i32
      %run_scoped3A = arith.constant 0 : i32
      "tpu.region"() ({
        %run_scoped3A_105 = tpu.sem_alloc : memref<!tpu.dma_semaphore, #tpu.memory_space<semaphore_mem>>
        %dma_start3A_106 = arith.constant 0 : i32
        %dma_start3A_107 = tpu.memref_slice %arg3[%run_scoped3A, %add3A_69, %dma_start3A_106] : memref<2x5000x64xi32, #tpu.memory_space<hbm>> -> memref<1x40x64xi32, #tpu.memory_space<hbm>>
        %dma_start3A_108 = tpu.memref_squeeze %dma_start3A_107 : memref<1x40x64xi32, #tpu.memory_space<hbm>> -> memref<40x64xi32, #tpu.memory_space<hbm>>
        %dma_start3A_109 = arith.constant 0 : i32
        %dma_start3A_110 = tpu.memref_slice %arg3[%run_scoped3A, %add3A_69, %dma_start3A_109] : memref<2x5000x64xi32, #tpu.memory_space<hbm>> -> memref<1x40x64xi32, #tpu.memory_space<hbm>>
        %dma_start3A_111 = tpu.memref_squeeze %dma_start3A_110 : memref<1x40x64xi32, #tpu.memory_space<hbm>> -> memref<40x64xi32, #tpu.memory_space<hbm>>
        tpu.enqueue_dma source(%dma_start3A_111 : memref<40x64xi32, #tpu.memory_space<hbm>>) target(%arg5 : memref<40x64xi32, #tpu.memory_space<vmem>>) target_semaphore(%run_scoped3A_105 : memref<!tpu.dma_semaphore, #tpu.memory_space<semaphore_mem>>)
        %dma_wait3A_112 = arith.constant 0 : i32
        %dma_wait3A_113 = tpu.memref_slice %arg3[%run_scoped3A, %add3A_69, %dma_wait3A_112] : memref<2x5000x64xi32, #tpu.memory_space<hbm>> -> memref<1x40x64xi32, #tpu.memory_space<hbm>>
        %dma_wait3A_114 = tpu.memref_squeeze %dma_wait3A_113 : memref<1x40x64xi32, #tpu.memory_space<hbm>> -> memref<40x64xi32, #tpu.memory_space<hbm>>
        %dma_wait3A_115 = arith.constant 0 : i32
        %dma_wait3A_116 = tpu.memref_slice %arg3[%run_scoped3A, %add3A_69, %dma_wait3A_115] : memref<2x5000x64xi32, #tpu.memory_space<hbm>> -> memref<1x40x64xi32, #tpu.memory_space<hbm>>
        %dma_wait3A_117 = tpu.memref_squeeze %dma_wait3A_116 : memref<1x40x64xi32, #tpu.memory_space<hbm>> -> memref<40x64xi32, #tpu.memory_space<hbm>>
        tpu.wait_dma2 semaphore(%run_scoped3A_105 : memref<!tpu.dma_semaphore, #tpu.memory_space<semaphore_mem>>) src(%dma_wait3A_117 : memref<40x64xi32, #tpu.memory_space<hbm>>) dst(%arg5 : memref<40x64xi32, #tpu.memory_space<vmem>>)
        tpu.yield
      }) : () -> ()
      %run_scoped3A_70 = arith.constant 1 : i32
      "tpu.region"() ({
        %run_scoped3A_105 = tpu.sem_alloc : memref<!tpu.dma_semaphore, #tpu.memory_space<semaphore_mem>>
        %dma_start3A_106 = arith.constant 0 : i32
        %dma_start3A_107 = tpu.memref_slice %arg3[%run_scoped3A_70, %add3A_69, %dma_start3A_106] : memref<2x5000x64xi32, #tpu.memory_space<hbm>> -> memref<1x40x64xi32, #tpu.memory_space<hbm>>
        %dma_start3A_108 = tpu.memref_squeeze %dma_start3A_107 : memref<1x40x64xi32, #tpu.memory_space<hbm>> -> memref<40x64xi32, #tpu.memory_space<hbm>>
        %dma_start3A_109 = arith.constant 0 : i32
        %dma_start3A_110 = tpu.memref_slice %arg3[%run_scoped3A_70, %add3A_69, %dma_start3A_109] : memref<2x5000x64xi32, #tpu.memory_space<hbm>> -> memref<1x40x64xi32, #tpu.memory_space<hbm>>
        %dma_start3A_111 = tpu.memref_squeeze %dma_start3A_110 : memref<1x40x64xi32, #tpu.memory_space<hbm>> -> memref<40x64xi32, #tpu.memory_space<hbm>>
        tpu.enqueue_dma source(%dma_start3A_111 : memref<40x64xi32, #tpu.memory_space<hbm>>) target(%arg6 : memref<40x64xi32, #tpu.memory_space<vmem>>) target_semaphore(%run_scoped3A_105 : memref<!tpu.dma_semaphore, #tpu.memory_space<semaphore_mem>>)
        %dma_wait3A_112 = arith.constant 0 : i32
        %dma_wait3A_113 = tpu.memref_slice %arg3[%run_scoped3A_70, %add3A_69, %dma_wait3A_112] : memref<2x5000x64xi32, #tpu.memory_space<hbm>> -> memref<1x40x64xi32, #tpu.memory_space<hbm>>
        %dma_wait3A_114 = tpu.memref_squeeze %dma_wait3A_113 : memref<1x40x64xi32, #tpu.memory_space<hbm>> -> memref<40x64xi32, #tpu.memory_space<hbm>>
        %dma_wait3A_115 = arith.constant 0 : i32
        %dma_wait3A_116 = tpu.memref_slice %arg3[%run_scoped3A_70, %add3A_69, %dma_wait3A_115] : memref<2x5000x64xi32, #tpu.memory_space<hbm>> -> memref<1x40x64xi32, #tpu.memory_space<hbm>>
        %dma_wait3A_117 = tpu.memref_squeeze %dma_wait3A_116 : memref<1x40x64xi32, #tpu.memory_space<hbm>> -> memref<40x64xi32, #tpu.memory_space<hbm>>
        tpu.wait_dma2 semaphore(%run_scoped3A_105 : memref<!tpu.dma_semaphore, #tpu.memory_space<semaphore_mem>>) src(%dma_wait3A_117 : memref<40x64xi32, #tpu.memory_space<hbm>>) dst(%arg6 : memref<40x64xi32, #tpu.memory_space<vmem>>)
        tpu.yield
      }) : () -> ()
      %dma_start3A = arith.constant 0 : i32
      %dma_start3A_71 = arith.constant 0 : i32
      %dma_start3A_72 = tpu.memref_slice %arg5[%dma_start3A, %dma_start3A_71] : memref<40x64xi32, #tpu.memory_space<vmem>> -> memref<1x64xi32, #tpu.memory_space<vmem>>
      %dma_start3A_73 = tpu.memref_squeeze %dma_start3A_72 : memref<1x64xi32, #tpu.memory_space<vmem>> -> memref<64xi32, #tpu.memory_space<vmem>>
      %dma_start3A_74 = arith.constant 0 : i32
      %dma_start3A_75 = arith.constant 0 : i32
      %dma_start3A_76 = tpu.memref_slice %arg2[%dma_start3A_74, %dma_start3A_75] : memref<10000x128xf32, #tpu.memory_space<hbm>> -> memref<10000x128xf32, #tpu.memory_space<hbm>>
      tpu.enqueue_indirect_dma source(%dma_start3A_76 : memref<10000x128xf32, #tpu.memory_space<hbm>>) target(%arg7 : memref<64x128xf32, #tpu.memory_space<vmem>>) offsets(%dma_start3A_73 : memref<64xi32, #tpu.memory_space<vmem>>) semaphore(%arg12 : memref<!tpu.dma_semaphore, #tpu.memory_space<semaphore_mem>>)
      %dma_start3A_77 = arith.constant 1 : i32
      %dma_start3A_78 = arith.constant 0 : i32
      %dma_start3A_79 = tpu.memref_slice %arg5[%dma_start3A_77, %dma_start3A_78] : memref<40x64xi32, #tpu.memory_space<vmem>> -> memref<1x64xi32, #tpu.memory_space<vmem>>
      %dma_start3A_80 = tpu.memref_squeeze %dma_start3A_79 : memref<1x64xi32, #tpu.memory_space<vmem>> -> memref<64xi32, #tpu.memory_space<vmem>>
      %dma_start3A_81 = arith.constant 0 : i32
      %dma_start3A_82 = arith.constant 0 : i32
      %dma_start3A_83 = tpu.memref_slice %arg2[%dma_start3A_81, %dma_start3A_82] : memref<10000x128xf32, #tpu.memory_space<hbm>> -> memref<10000x128xf32, #tpu.memory_space<hbm>>
      tpu.enqueue_indirect_dma source(%dma_start3A_83 : memref<10000x128xf32, #tpu.memory_space<hbm>>) target(%arg8 : memref<64x128xf32, #tpu.memory_space<vmem>>) offsets(%dma_start3A_80 : memref<64xi32, #tpu.memory_space<vmem>>) semaphore(%arg13 : memref<!tpu.dma_semaphore, #tpu.memory_space<semaphore_mem>>)
      %dma_start3A_84 = arith.constant 2 : i32
      %dma_start3A_85 = arith.constant 0 : i32
      %dma_start3A_86 = tpu.memref_slice %arg5[%dma_start3A_84, %dma_start3A_85] : memref<40x64xi32, #tpu.memory_space<vmem>> -> memref<1x64xi32, #tpu.memory_space<vmem>>
      %dma_start3A_87 = tpu.memref_squeeze %dma_start3A_86 : memref<1x64xi32, #tpu.memory_space<vmem>> -> memref<64xi32, #tpu.memory_space<vmem>>
      %dma_start3A_88 = arith.constant 0 : i32
      %dma_start3A_89 = arith.constant 0 : i32
      %dma_start3A_90 = tpu.memref_slice %arg2[%dma_start3A_88, %dma_start3A_89] : memref<10000x128xf32, #tpu.memory_space<hbm>> -> memref<10000x128xf32, #tpu.memory_space<hbm>>
      tpu.enqueue_indirect_dma source(%dma_start3A_90 : memref<10000x128xf32, #tpu.memory_space<hbm>>) target(%arg9 : memref<64x128xf32, #tpu.memory_space<vmem>>) offsets(%dma_start3A_87 : memref<64xi32, #tpu.memory_space<vmem>>) semaphore(%arg14 : memref<!tpu.dma_semaphore, #tpu.memory_space<semaphore_mem>>)
      %scan3A_91 = arith.constant 0 : i32
      %scan3A_92 = arith.constant 0 : i32
      %scan3A_93 = arith.constant 10 : i32
      %scan3A_94 = arith.addi %scan3A_92, %scan3A_93 : i32
      %scan3A_95 = arith.constant 1 : i32
      %scan3A_96 = scf.for %scan3A_105 = %scan3A_92 to %scan3A_94 step %scan3A_95 iter_args(%scan3A_106 = %scan3A_91) -> (i32)  : i32 {
        %mul3A_107 = arith.constant 4 : i32
        %mul3A_108 = arith.muli %scan3A_105, %mul3A_107 : i32
        %add3A_109 = arith.constant 0 : i32
        %add3A_110 = arith.addi %mul3A_108, %add3A_109 : i32
        %dma_wait3A_111 = arith.constant 0 : i32
        %dma_wait3A_112 = arith.constant 0 : i32
        %dma_wait3A_113 = tpu.memref_slice %arg5[%dma_wait3A_111, %dma_wait3A_112] : memref<40x64xi32, #tpu.memory_space<vmem>> -> memref<1x64xi32, #tpu.memory_space<vmem>>
        %dma_wait3A_114 = tpu.memref_squeeze %dma_wait3A_113 : memref<1x64xi32, #tpu.memory_space<vmem>> -> memref<64xi32, #tpu.memory_space<vmem>>
        %dma_wait3A_115 = arith.constant 0 : i32
        %dma_wait3A_116 = arith.constant 0 : i32
        %dma_wait3A_117 = tpu.memref_slice %arg2[%dma_wait3A_115, %dma_wait3A_116] : memref<10000x128xf32, #tpu.memory_space<hbm>> -> memref<10000x128xf32, #tpu.memory_space<hbm>>
        tpu.wait_indirect_dma semaphore(%arg12 : memref<!tpu.dma_semaphore, #tpu.memory_space<semaphore_mem>>) src(%dma_wait3A_117 : memref<10000x128xf32, #tpu.memory_space<hbm>>) dst(%arg7 : memref<64x128xf32, #tpu.memory_space<vmem>>)
        %dma_start3A_118 = arith.constant 0 : i32
        %dma_start3A_119 = tpu.memref_slice %arg6[%add3A_110, %dma_start3A_118] : memref<40x64xi32, #tpu.memory_space<vmem>> -> memref<1x64xi32, #tpu.memory_space<vmem>>
        %dma_start3A_120 = tpu.memref_squeeze %dma_start3A_119 : memref<1x64xi32, #tpu.memory_space<vmem>> -> memref<64xi32, #tpu.memory_space<vmem>>
        %dma_start3A_121 = arith.constant 0 : i32
        %dma_start3A_122 = arith.constant 0 : i32
        %dma_start3A_123 = tpu.memref_slice %arg11[%dma_start3A_121, %dma_start3A_122] : memref<10240x128xf32, #tpu.memory_space<vmem_shared>> -> memref<10240x128xf32, #tpu.memory_space<vmem_shared>>
        tpu.enqueue_indirect_dma source(%arg7 : memref<64x128xf32, #tpu.memory_space<vmem>>) target(%dma_start3A_123 : memref<10240x128xf32, #tpu.memory_space<vmem_shared>>) offsets(%dma_start3A_120 : memref<64xi32, #tpu.memory_space<vmem>>) semaphore(%arg16 : memref<!tpu.dma_semaphore, #tpu.memory_space<semaphore_mem>>) {add = true}
        %gt3A = arith.constant 0 : i32
        %gt3A_124 = arith.cmpi sgt, %add3A_110, %gt3A : i32
        %convert_element_type3A = arith.extui %gt3A_124 : i1 to i32
        %cond3A = arith.constant 0 : i32
        %cond3A_125 = arith.cmpi ne, %convert_element_type3A, %cond3A : i32
        scf.if %cond3A_125 {
          %dma_wait3A_220 = arith.constant 0 : i32
          %dma_wait3A_221 = arith.constant 0 : i32
          %dma_wait3A_222 = tpu.memref_slice %arg5[%dma_wait3A_220, %dma_wait3A_221] : memref<40x64xi32, #tpu.memory_space<vmem>> -> memref<1x64xi32, #tpu.memory_space<vmem>>
          %dma_wait3A_223 = tpu.memref_squeeze %dma_wait3A_222 : memref<1x64xi32, #tpu.memory_space<vmem>> -> memref<64xi32, #tpu.memory_space<vmem>>
          %dma_wait3A_224 = arith.constant 0 : i32
          %dma_wait3A_225 = arith.constant 0 : i32
          %dma_wait3A_226 = tpu.memref_slice %arg2[%dma_wait3A_224, %dma_wait3A_225] : memref<10000x128xf32, #tpu.memory_space<hbm>> -> memref<10000x128xf32, #tpu.memory_space<hbm>>
          tpu.wait_indirect_dma semaphore(%arg19 : memref<!tpu.dma_semaphore, #tpu.memory_space<semaphore_mem>>) src(%dma_wait3A_226 : memref<10000x128xf32, #tpu.memory_space<hbm>>) dst(%arg10 : memref<64x128xf32, #tpu.memory_space<vmem>>)
        } else {
        }
        %add3A_126 = arith.constant 3 : i32
        %add3A_127 = arith.addi %add3A_110, %add3A_126 : i32
        %lt3A = arith.constant 40 : i32
        %lt3A_128 = arith.cmpi slt, %add3A_127, %lt3A : i32
        %convert_element_type3A_129 = arith.extui %lt3A_128 : i1 to i32
        %cond3A_130 = arith.constant 0 : i32
        %cond3A_131 = arith.cmpi ne, %convert_element_type3A_129, %cond3A_130 : i32
        scf.if %cond3A_131 {
          %add3A_220 = arith.constant 3 : i32
          %add3A_221 = arith.addi %add3A_110, %add3A_220 : i32
          %dma_start3A_222 = arith.constant 0 : i32
          %dma_start3A_223 = tpu.memref_slice %arg5[%add3A_221, %dma_start3A_222] : memref<40x64xi32, #tpu.memory_space<vmem>> -> memref<1x64xi32, #tpu.memory_space<vmem>>
          %dma_start3A_224 = tpu.memref_squeeze %dma_start3A_223 : memref<1x64xi32, #tpu.memory_space<vmem>> -> memref<64xi32, #tpu.memory_space<vmem>>
          %dma_start3A_225 = arith.constant 0 : i32
          %dma_start3A_226 = arith.constant 0 : i32
          %dma_start3A_227 = tpu.memref_slice %arg2[%dma_start3A_225, %dma_start3A_226] : memref<10000x128xf32, #tpu.memory_space<hbm>> -> memref<10000x128xf32, #tpu.memory_space<hbm>>
          tpu.enqueue_indirect_dma source(%dma_start3A_227 : memref<10000x128xf32, #tpu.memory_space<hbm>>) target(%arg10 : memref<64x128xf32, #tpu.memory_space<vmem>>) offsets(%dma_start3A_224 : memref<64xi32, #tpu.memory_space<vmem>>) semaphore(%arg15 : memref<!tpu.dma_semaphore, #tpu.memory_space<semaphore_mem>>)
        } else {
        }
        %add3A_132 = arith.constant 1 : i32
        %add3A_133 = arith.addi %mul3A_108, %add3A_132 : i32
        %dma_wait3A_134 = arith.constant 0 : i32
        %dma_wait3A_135 = arith.constant 0 : i32
        %dma_wait3A_136 = tpu.memref_slice %arg5[%dma_wait3A_134, %dma_wait3A_135] : memref<40x64xi32, #tpu.memory_space<vmem>> -> memref<1x64xi32, #tpu.memory_space<vmem>>
        %dma_wait3A_137 = tpu.memref_squeeze %dma_wait3A_136 : memref<1x64xi32, #tpu.memory_space<vmem>> -> memref<64xi32, #tpu.memory_space<vmem>>
        %dma_wait3A_138 = arith.constant 0 : i32
        %dma_wait3A_139 = arith.constant 0 : i32
        %dma_wait3A_140 = tpu.memref_slice %arg2[%dma_wait3A_138, %dma_wait3A_139] : memref<10000x128xf32, #tpu.memory_space<hbm>> -> memref<10000x128xf32, #tpu.memory_space<hbm>>
        tpu.wait_indirect_dma semaphore(%arg13 : memref<!tpu.dma_semaphore, #tpu.memory_space<semaphore_mem>>) src(%dma_wait3A_140 : memref<10000x128xf32, #tpu.memory_space<hbm>>) dst(%arg8 : memref<64x128xf32, #tpu.memory_space<vmem>>)
        %dma_start3A_141 = arith.constant 0 : i32
        %dma_start3A_142 = tpu.memref_slice %arg6[%add3A_133, %dma_start3A_141] : memref<40x64xi32, #tpu.memory_space<vmem>> -> memref<1x64xi32, #tpu.memory_space<vmem>>
        %dma_start3A_143 = tpu.memref_squeeze %dma_start3A_142 : memref<1x64xi32, #tpu.memory_space<vmem>> -> memref<64xi32, #tpu.memory_space<vmem>>
        %dma_start3A_144 = arith.constant 0 : i32
        %dma_start3A_145 = arith.constant 0 : i32
        %dma_start3A_146 = tpu.memref_slice %arg11[%dma_start3A_144, %dma_start3A_145] : memref<10240x128xf32, #tpu.memory_space<vmem_shared>> -> memref<10240x128xf32, #tpu.memory_space<vmem_shared>>
        tpu.enqueue_indirect_dma source(%arg8 : memref<64x128xf32, #tpu.memory_space<vmem>>) target(%dma_start3A_146 : memref<10240x128xf32, #tpu.memory_space<vmem_shared>>) offsets(%dma_start3A_143 : memref<64xi32, #tpu.memory_space<vmem>>) semaphore(%arg17 : memref<!tpu.dma_semaphore, #tpu.memory_space<semaphore_mem>>) {add = true}
        %dma_wait3A_147 = arith.constant 0 : i32
        %dma_wait3A_148 = arith.constant 0 : i32
        %dma_wait3A_149 = tpu.memref_slice %arg5[%dma_wait3A_147, %dma_wait3A_148] : memref<40x64xi32, #tpu.memory_space<vmem>> -> memref<1x64xi32, #tpu.memory_space<vmem>>
        %dma_wait3A_150 = tpu.memref_squeeze %dma_wait3A_149 : memref<1x64xi32, #tpu.memory_space<vmem>> -> memref<64xi32, #tpu.memory_space<vmem>>
        %dma_wait3A_151 = arith.constant 0 : i32
        %dma_wait3A_152 = arith.constant 0 : i32
        %dma_wait3A_153 = tpu.memref_slice %arg2[%dma_wait3A_151, %dma_wait3A_152] : memref<10000x128xf32, #tpu.memory_space<hbm>> -> memref<10000x128xf32, #tpu.memory_space<hbm>>
        tpu.wait_indirect_dma semaphore(%arg16 : memref<!tpu.dma_semaphore, #tpu.memory_space<semaphore_mem>>) src(%dma_wait3A_153 : memref<10000x128xf32, #tpu.memory_space<hbm>>) dst(%arg7 : memref<64x128xf32, #tpu.memory_space<vmem>>)
        %add3A_154 = arith.constant 3 : i32
        %add3A_155 = arith.addi %add3A_133, %add3A_154 : i32
        %lt3A_156 = arith.constant 40 : i32
        %lt3A_157 = arith.cmpi slt, %add3A_155, %lt3A_156 : i32
        %convert_element_type3A_158 = arith.extui %lt3A_157 : i1 to i32
        %cond3A_159 = arith.constant 0 : i32
        %cond3A_160 = arith.cmpi ne, %convert_element_type3A_158, %cond3A_159 : i32
        scf.if %cond3A_160 {
          %add3A_220 = arith.constant 3 : i32
          %add3A_221 = arith.addi %add3A_133, %add3A_220 : i32
          %dma_start3A_222 = arith.constant 0 : i32
          %dma_start3A_223 = tpu.memref_slice %arg5[%add3A_221, %dma_start3A_222] : memref<40x64xi32, #tpu.memory_space<vmem>> -> memref<1x64xi32, #tpu.memory_space<vmem>>
          %dma_start3A_224 = tpu.memref_squeeze %dma_start3A_223 : memref<1x64xi32, #tpu.memory_space<vmem>> -> memref<64xi32, #tpu.memory_space<vmem>>
          %dma_start3A_225 = arith.constant 0 : i32
          %dma_start3A_226 = arith.constant 0 : i32
          %dma_start3A_227 = tpu.memref_slice %arg2[%dma_start3A_225, %dma_start3A_226] : memref<10000x128xf32, #tpu.memory_space<hbm>> -> memref<10000x128xf32, #tpu.memory_space<hbm>>
          tpu.enqueue_indirect_dma source(%dma_start3A_227 : memref<10000x128xf32, #tpu.memory_space<hbm>>) target(%arg7 : memref<64x128xf32, #tpu.memory_space<vmem>>) offsets(%dma_start3A_224 : memref<64xi32, #tpu.memory_space<vmem>>) semaphore(%arg12 : memref<!tpu.dma_semaphore, #tpu.memory_space<semaphore_mem>>)
        } else {
        }
        %add3A_161 = arith.constant 2 : i32
        %add3A_162 = arith.addi %mul3A_108, %add3A_161 : i32
        %dma_wait3A_163 = arith.constant 0 : i32
        %dma_wait3A_164 = arith.constant 0 : i32
        %dma_wait3A_165 = tpu.memref_slice %arg5[%dma_wait3A_163, %dma_wait3A_164] : memref<40x64xi32, #tpu.memory_space<vmem>> -> memref<1x64xi32, #tpu.memory_space<vmem>>
        %dma_wait3A_166 = tpu.memref_squeeze %dma_wait3A_165 : memref<1x64xi32, #tpu.memory_space<vmem>> -> memref<64xi32, #tpu.memory_space<vmem>>
        %dma_wait3A_167 = arith.constant 0 : i32
        %dma_wait3A_168 = arith.constant 0 : i32
        %dma_wait3A_169 = tpu.memref_slice %arg2[%dma_wait3A_167, %dma_wait3A_168] : memref<10000x128xf32, #tpu.memory_space<hbm>> -> memref<10000x128xf32, #tpu.memory_space<hbm>>
        tpu.wait_indirect_dma semaphore(%arg14 : memref<!tpu.dma_semaphore, #tpu.memory_space<semaphore_mem>>) src(%dma_wait3A_169 : memref<10000x128xf32, #tpu.memory_space<hbm>>) dst(%arg9 : memref<64x128xf32, #tpu.memory_space<vmem>>)
        %dma_start3A_170 = arith.constant 0 : i32
        %dma_start3A_171 = tpu.memref_slice %arg6[%add3A_162, %dma_start3A_170] : memref<40x64xi32, #tpu.memory_space<vmem>> -> memref<1x64xi32, #tpu.memory_space<vmem>>
        %dma_start3A_172 = tpu.memref_squeeze %dma_start3A_171 : memref<1x64xi32, #tpu.memory_space<vmem>> -> memref<64xi32, #tpu.memory_space<vmem>>
        %dma_start3A_173 = arith.constant 0 : i32
        %dma_start3A_174 = arith.constant 0 : i32
        %dma_start3A_175 = tpu.memref_slice %arg11[%dma_start3A_173, %dma_start3A_174] : memref<10240x128xf32, #tpu.memory_space<vmem_shared>> -> memref<10240x128xf32, #tpu.memory_space<vmem_shared>>
        tpu.enqueue_indirect_dma source(%arg9 : memref<64x128xf32, #tpu.memory_space<vmem>>) target(%dma_start3A_175 : memref<10240x128xf32, #tpu.memory_space<vmem_shared>>) offsets(%dma_start3A_172 : memref<64xi32, #tpu.memory_space<vmem>>) semaphore(%arg18 : memref<!tpu.dma_semaphore, #tpu.memory_space<semaphore_mem>>) {add = true}
        %dma_wait3A_176 = arith.constant 0 : i32
        %dma_wait3A_177 = arith.constant 0 : i32
        %dma_wait3A_178 = tpu.memref_slice %arg5[%dma_wait3A_176, %dma_wait3A_177] : memref<40x64xi32, #tpu.memory_space<vmem>> -> memref<1x64xi32, #tpu.memory_space<vmem>>
        %dma_wait3A_179 = tpu.memref_squeeze %dma_wait3A_178 : memref<1x64xi32, #tpu.memory_space<vmem>> -> memref<64xi32, #tpu.memory_space<vmem>>
        %dma_wait3A_180 = arith.constant 0 : i32
        %dma_wait3A_181 = arith.constant 0 : i32
        %dma_wait3A_182 = tpu.memref_slice %arg2[%dma_wait3A_180, %dma_wait3A_181] : memref<10000x128xf32, #tpu.memory_space<hbm>> -> memref<10000x128xf32, #tpu.memory_space<hbm>>
        tpu.wait_indirect_dma semaphore(%arg17 : memref<!tpu.dma_semaphore, #tpu.memory_space<semaphore_mem>>) src(%dma_wait3A_182 : memref<10000x128xf32, #tpu.memory_space<hbm>>) dst(%arg8 : memref<64x128xf32, #tpu.memory_space<vmem>>)
        %add3A_183 = arith.constant 3 : i32
        %add3A_184 = arith.addi %add3A_162, %add3A_183 : i32
        %lt3A_185 = arith.constant 40 : i32
        %lt3A_186 = arith.cmpi slt, %add3A_184, %lt3A_185 : i32
        %convert_element_type3A_187 = arith.extui %lt3A_186 : i1 to i32
        %cond3A_188 = arith.constant 0 : i32
        %cond3A_189 = arith.cmpi ne, %convert_element_type3A_187, %cond3A_188 : i32
        scf.if %cond3A_189 {
          %add3A_220 = arith.constant 3 : i32
          %add3A_221 = arith.addi %add3A_162, %add3A_220 : i32
          %dma_start3A_222 = arith.constant 0 : i32
          %dma_start3A_223 = tpu.memref_slice %arg5[%add3A_221, %dma_start3A_222] : memref<40x64xi32, #tpu.memory_space<vmem>> -> memref<1x64xi32, #tpu.memory_space<vmem>>
          %dma_start3A_224 = tpu.memref_squeeze %dma_start3A_223 : memref<1x64xi32, #tpu.memory_space<vmem>> -> memref<64xi32, #tpu.memory_space<vmem>>
          %dma_start3A_225 = arith.constant 0 : i32
          %dma_start3A_226 = arith.constant 0 : i32
          %dma_start3A_227 = tpu.memref_slice %arg2[%dma_start3A_225, %dma_start3A_226] : memref<10000x128xf32, #tpu.memory_space<hbm>> -> memref<10000x128xf32, #tpu.memory_space<hbm>>
          tpu.enqueue_indirect_dma source(%dma_start3A_227 : memref<10000x128xf32, #tpu.memory_space<hbm>>) target(%arg8 : memref<64x128xf32, #tpu.memory_space<vmem>>) offsets(%dma_start3A_224 : memref<64xi32, #tpu.memory_space<vmem>>) semaphore(%arg13 : memref<!tpu.dma_semaphore, #tpu.memory_space<semaphore_mem>>)
        } else {
        }
        %add3A_190 = arith.constant 3 : i32
        %add3A_191 = arith.addi %mul3A_108, %add3A_190 : i32
        %dma_wait3A_192 = arith.constant 0 : i32
        %dma_wait3A_193 = arith.constant 0 : i32
        %dma_wait3A_194 = tpu.memref_slice %arg5[%dma_wait3A_192, %dma_wait3A_193] : memref<40x64xi32, #tpu.memory_space<vmem>> -> memref<1x64xi32, #tpu.memory_space<vmem>>
        %dma_wait3A_195 = tpu.memref_squeeze %dma_wait3A_194 : memref<1x64xi32, #tpu.memory_space<vmem>> -> memref<64xi32, #tpu.memory_space<vmem>>
        %dma_wait3A_196 = arith.constant 0 : i32
        %dma_wait3A_197 = arith.constant 0 : i32
        %dma_wait3A_198 = tpu.memref_slice %arg2[%dma_wait3A_196, %dma_wait3A_197] : memref<10000x128xf32, #tpu.memory_space<hbm>> -> memref<10000x128xf32, #tpu.memory_space<hbm>>
        tpu.wait_indirect_dma semaphore(%arg15 : memref<!tpu.dma_semaphore, #tpu.memory_space<semaphore_mem>>) src(%dma_wait3A_198 : memref<10000x128xf32, #tpu.memory_space<hbm>>) dst(%arg10 : memref<64x128xf32, #tpu.memory_space<vmem>>)
        %dma_start3A_199 = arith.constant 0 : i32
        %dma_start3A_200 = tpu.memref_slice %arg6[%add3A_191, %dma_start3A_199] : memref<40x64xi32, #tpu.memory_space<vmem>> -> memref<1x64xi32, #tpu.memory_space<vmem>>
        %dma_start3A_201 = tpu.memref_squeeze %dma_start3A_200 : memref<1x64xi32, #tpu.memory_space<vmem>> -> memref<64xi32, #tpu.memory_space<vmem>>
        %dma_start3A_202 = arith.constant 0 : i32
        %dma_start3A_203 = arith.constant 0 : i32
        %dma_start3A_204 = tpu.memref_slice %arg11[%dma_start3A_202, %dma_start3A_203] : memref<10240x128xf32, #tpu.memory_space<vmem_shared>> -> memref<10240x128xf32, #tpu.memory_space<vmem_shared>>
        tpu.enqueue_indirect_dma source(%arg10 : memref<64x128xf32, #tpu.memory_space<vmem>>) target(%dma_start3A_204 : memref<10240x128xf32, #tpu.memory_space<vmem_shared>>) offsets(%dma_start3A_201 : memref<64xi32, #tpu.memory_space<vmem>>) semaphore(%arg19 : memref<!tpu.dma_semaphore, #tpu.memory_space<semaphore_mem>>) {add = true}
        %dma_wait3A_205 = arith.constant 0 : i32
        %dma_wait3A_206 = arith.constant 0 : i32
        %dma_wait3A_207 = tpu.memref_slice %arg5[%dma_wait3A_205, %dma_wait3A_206] : memref<40x64xi32, #tpu.memory_space<vmem>> -> memref<1x64xi32, #tpu.memory_space<vmem>>
        %dma_wait3A_208 = tpu.memref_squeeze %dma_wait3A_207 : memref<1x64xi32, #tpu.memory_space<vmem>> -> memref<64xi32, #tpu.memory_space<vmem>>
        %dma_wait3A_209 = arith.constant 0 : i32
        %dma_wait3A_210 = arith.constant 0 : i32
        %dma_wait3A_211 = tpu.memref_slice %arg2[%dma_wait3A_209, %dma_wait3A_210] : memref<10000x128xf32, #tpu.memory_space<hbm>> -> memref<10000x128xf32, #tpu.memory_space<hbm>>
        tpu.wait_indirect_dma semaphore(%arg18 : memref<!tpu.dma_semaphore, #tpu.memory_space<semaphore_mem>>) src(%dma_wait3A_211 : memref<10000x128xf32, #tpu.memory_space<hbm>>) dst(%arg9 : memref<64x128xf32, #tpu.memory_space<vmem>>)
        %add3A_212 = arith.constant 3 : i32
        %add3A_213 = arith.addi %add3A_191, %add3A_212 : i32
        %lt3A_214 = arith.constant 40 : i32
        %lt3A_215 = arith.cmpi slt, %add3A_213, %lt3A_214 : i32
        %convert_element_type3A_216 = arith.extui %lt3A_215 : i1 to i32
        %cond3A_217 = arith.constant 0 : i32
        %cond3A_218 = arith.cmpi ne, %convert_element_type3A_216, %cond3A_217 : i32
        scf.if %cond3A_218 {
          %add3A_220 = arith.constant 3 : i32
          %add3A_221 = arith.addi %add3A_191, %add3A_220 : i32
          %dma_start3A_222 = arith.constant 0 : i32
          %dma_start3A_223 = tpu.memref_slice %arg5[%add3A_221, %dma_start3A_222] : memref<40x64xi32, #tpu.memory_space<vmem>> -> memref<1x64xi32, #tpu.memory_space<vmem>>
          %dma_start3A_224 = tpu.memref_squeeze %dma_start3A_223 : memref<1x64xi32, #tpu.memory_space<vmem>> -> memref<64xi32, #tpu.memory_space<vmem>>
          %dma_start3A_225 = arith.constant 0 : i32
          %dma_start3A_226 = arith.constant 0 : i32
          %dma_start3A_227 = tpu.memref_slice %arg2[%dma_start3A_225, %dma_start3A_226] : memref<10000x128xf32, #tpu.memory_space<hbm>> -> memref<10000x128xf32, #tpu.memory_space<hbm>>
          tpu.enqueue_indirect_dma source(%dma_start3A_227 : memref<10000x128xf32, #tpu.memory_space<hbm>>) target(%arg9 : memref<64x128xf32, #tpu.memory_space<vmem>>) offsets(%dma_start3A_224 : memref<64xi32, #tpu.memory_space<vmem>>) semaphore(%arg14 : memref<!tpu.dma_semaphore, #tpu.memory_space<semaphore_mem>>)
        } else {
        }
        %scan3A_219 = arith.constant 0 : i32
        scf.yield %scan3A_219 : i32
      }
      %scan3A_97 = arith.constant 10 : i32
      %dma_wait3A = arith.constant 0 : i32
      %dma_wait3A_98 = arith.constant 0 : i32
      %dma_wait3A_99 = tpu.memref_slice %arg5[%dma_wait3A, %dma_wait3A_98] : memref<40x64xi32, #tpu.memory_space<vmem>> -> memref<1x64xi32, #tpu.memory_space<vmem>>
      %dma_wait3A_100 = tpu.memref_squeeze %dma_wait3A_99 : memref<1x64xi32, #tpu.memory_space<vmem>> -> memref<64xi32, #tpu.memory_space<vmem>>
      %dma_wait3A_101 = arith.constant 0 : i32
      %dma_wait3A_102 = arith.constant 0 : i32
      %dma_wait3A_103 = tpu.memref_slice %arg2[%dma_wait3A_101, %dma_wait3A_102] : memref<10000x128xf32, #tpu.memory_space<hbm>> -> memref<10000x128xf32, #tpu.memory_space<hbm>>
      tpu.wait_indirect_dma semaphore(%arg19 : memref<!tpu.dma_semaphore, #tpu.memory_space<semaphore_mem>>) src(%dma_wait3A_103 : memref<10000x128xf32, #tpu.memory_space<hbm>>) dst(%arg10 : memref<64x128xf32, #tpu.memory_space<vmem>>)
      %while3A_104 = arith.constant 0 : i32
      scf.yield %while3A_104 : i32
    }
    %while3A_58 = arith.constant 1 : i32
    %while3A_59 = scf.for %while3A_63 = %while3A_55 to %while3A_51 step %while3A_58 iter_args(%while3A_64 = %while3A_57) -> (i32)  : i32 {
      %mul3A_65 = arith.constant 160 : i32
      %mul3A_66 = arith.muli %add3A, %mul3A_65 : i32
      %mul3A_67 = arith.constant 40 : i32
      %mul3A_68 = arith.muli %while3A_63, %mul3A_67 : i32
      %add3A_69 = arith.addi %mul3A_66, %mul3A_68 : i32
      %run_scoped3A = arith.constant 0 : i32
      "tpu.region"() ({
        %run_scoped3A_105 = tpu.sem_alloc : memref<!tpu.dma_semaphore, #tpu.memory_space<semaphore_mem>>
        %dma_start3A_106 = arith.constant 0 : i32
        %dma_start3A_107 = tpu.memref_slice %arg3[%run_scoped3A, %add3A_69, %dma_start3A_106] : memref<2x5000x64xi32, #tpu.memory_space<hbm>> -> memref<1x40x64xi32, #tpu.memory_space<hbm>>
        %dma_start3A_108 = tpu.memref_squeeze %dma_start3A_107 : memref<1x40x64xi32, #tpu.memory_space<hbm>> -> memref<40x64xi32, #tpu.memory_space<hbm>>
        %dma_start3A_109 = arith.constant 0 : i32
        %dma_start3A_110 = tpu.memref_slice %arg3[%run_scoped3A, %add3A_69, %dma_start3A_109] : memref<2x5000x64xi32, #tpu.memory_space<hbm>> -> memref<1x40x64xi32, #tpu.memory_space<hbm>>
        %dma_start3A_111 = tpu.memref_squeeze %dma_start3A_110 : memref<1x40x64xi32, #tpu.memory_space<hbm>> -> memref<40x64xi32, #tpu.memory_space<hbm>>
        tpu.enqueue_dma source(%dma_start3A_111 : memref<40x64xi32, #tpu.memory_space<hbm>>) target(%arg5 : memref<40x64xi32, #tpu.memory_space<vmem>>) target_semaphore(%run_scoped3A_105 : memref<!tpu.dma_semaphore, #tpu.memory_space<semaphore_mem>>)
        %dma_wait3A_112 = arith.constant 0 : i32
        %dma_wait3A_113 = tpu.memref_slice %arg3[%run_scoped3A, %add3A_69, %dma_wait3A_112] : memref<2x5000x64xi32, #tpu.memory_space<hbm>> -> memref<1x40x64xi32, #tpu.memory_space<hbm>>
        %dma_wait3A_114 = tpu.memref_squeeze %dma_wait3A_113 : memref<1x40x64xi32, #tpu.memory_space<hbm>> -> memref<40x64xi32, #tpu.memory_space<hbm>>
        %dma_wait3A_115 = arith.constant 0 : i32
        %dma_wait3A_116 = tpu.memref_slice %arg3[%run_scoped3A, %add3A_69, %dma_wait3A_115] : memref<2x5000x64xi32, #tpu.memory_space<hbm>> -> memref<1x40x64xi32, #tpu.memory_space<hbm>>
        %dma_wait3A_117 = tpu.memref_squeeze %dma_wait3A_116 : memref<1x40x64xi32, #tpu.memory_space<hbm>> -> memref<40x64xi32, #tpu.memory_space<hbm>>
        tpu.wait_dma2 semaphore(%run_scoped3A_105 : memref<!tpu.dma_semaphore, #tpu.memory_space<semaphore_mem>>) src(%dma_wait3A_117 : memref<40x64xi32, #tpu.memory_space<hbm>>) dst(%arg5 : memref<40x64xi32, #tpu.memory_space<vmem>>)
        tpu.yield
      }) : () -> ()
      %run_scoped3A_70 = arith.constant 1 : i32
      "tpu.region"() ({
        %run_scoped3A_105 = tpu.sem_alloc : memref<!tpu.dma_semaphore, #tpu.memory_space<semaphore_mem>>
        %dma_start3A_106 = arith.constant 0 : i32
        %dma_start3A_107 = tpu.memref_slice %arg3[%run_scoped3A_70, %add3A_69, %dma_start3A_106] : memref<2x5000x64xi32, #tpu.memory_space<hbm>> -> memref<1x40x64xi32, #tpu.memory_space<hbm>>
        %dma_start3A_108 = tpu.memref_squeeze %dma_start3A_107 : memref<1x40x64xi32, #tpu.memory_space<hbm>> -> memref<40x64xi32, #tpu.memory_space<hbm>>
        %dma_start3A_109 = arith.constant 0 : i32
        %dma_start3A_110 = tpu.memref_slice %arg3[%run_scoped3A_70, %add3A_69, %dma_start3A_109] : memref<2x5000x64xi32, #tpu.memory_space<hbm>> -> memref<1x40x64xi32, #tpu.memory_space<hbm>>
        %dma_start3A_111 = tpu.memref_squeeze %dma_start3A_110 : memref<1x40x64xi32, #tpu.memory_space<hbm>> -> memref<40x64xi32, #tpu.memory_space<hbm>>
        tpu.enqueue_dma source(%dma_start3A_111 : memref<40x64xi32, #tpu.memory_space<hbm>>) target(%arg6 : memref<40x64xi32, #tpu.memory_space<vmem>>) target_semaphore(%run_scoped3A_105 : memref<!tpu.dma_semaphore, #tpu.memory_space<semaphore_mem>>)
        %dma_wait3A_112 = arith.constant 0 : i32
        %dma_wait3A_113 = tpu.memref_slice %arg3[%run_scoped3A_70, %add3A_69, %dma_wait3A_112] : memref<2x5000x64xi32, #tpu.memory_space<hbm>> -> memref<1x40x64xi32, #tpu.memory_space<hbm>>
        %dma_wait3A_114 = tpu.memref_squeeze %dma_wait3A_113 : memref<1x40x64xi32, #tpu.memory_space<hbm>> -> memref<40x64xi32, #tpu.memory_space<hbm>>
        %dma_wait3A_115 = arith.constant 0 : i32
        %dma_wait3A_116 = tpu.memref_slice %arg3[%run_scoped3A_70, %add3A_69, %dma_wait3A_115] : memref<2x5000x64xi32, #tpu.memory_space<hbm>> -> memref<1x40x64xi32, #tpu.memory_space<hbm>>
        %dma_wait3A_117 = tpu.memref_squeeze %dma_wait3A_116 : memref<1x40x64xi32, #tpu.memory_space<hbm>> -> memref<40x64xi32, #tpu.memory_space<hbm>>
        tpu.wait_dma2 semaphore(%run_scoped3A_105 : memref<!tpu.dma_semaphore, #tpu.memory_space<semaphore_mem>>) src(%dma_wait3A_117 : memref<40x64xi32, #tpu.memory_space<hbm>>) dst(%arg6 : memref<40x64xi32, #tpu.memory_space<vmem>>)
        tpu.yield
      }) : () -> ()
      %dma_start3A = arith.constant 0 : i32
      %dma_start3A_71 = arith.constant 0 : i32
      %dma_start3A_72 = tpu.memref_slice %arg5[%dma_start3A, %dma_start3A_71] : memref<40x64xi32, #tpu.memory_space<vmem>> -> memref<1x64xi32, #tpu.memory_space<vmem>>
      %dma_start3A_73 = tpu.memref_squeeze %dma_start3A_72 : memref<1x64xi32, #tpu.memory_space<vmem>> -> memref<64xi32, #tpu.memory_space<vmem>>
      %dma_start3A_74 = arith.constant 0 : i32
      %dma_start3A_75 = arith.constant 0 : i32
      %dma_start3A_76 = tpu.memref_slice %arg2[%dma_start3A_74, %dma_start3A_75] : memref<10000x128xf32, #tpu.memory_space<hbm>> -> memref<10000x128xf32, #tpu.memory_space<hbm>>
      tpu.enqueue_indirect_dma source(%dma_start3A_76 : memref<10000x128xf32, #tpu.memory_space<hbm>>) target(%arg7 : memref<64x128xf32, #tpu.memory_space<vmem>>) offsets(%dma_start3A_73 : memref<64xi32, #tpu.memory_space<vmem>>) semaphore(%arg12 : memref<!tpu.dma_semaphore, #tpu.memory_space<semaphore_mem>>)
      %dma_start3A_77 = arith.constant 1 : i32
      %dma_start3A_78 = arith.constant 0 : i32
      %dma_start3A_79 = tpu.memref_slice %arg5[%dma_start3A_77, %dma_start3A_78] : memref<40x64xi32, #tpu.memory_space<vmem>> -> memref<1x64xi32, #tpu.memory_space<vmem>>
      %dma_start3A_80 = tpu.memref_squeeze %dma_start3A_79 : memref<1x64xi32, #tpu.memory_space<vmem>> -> memref<64xi32, #tpu.memory_space<vmem>>
      %dma_start3A_81 = arith.constant 0 : i32
      %dma_start3A_82 = arith.constant 0 : i32
      %dma_start3A_83 = tpu.memref_slice %arg2[%dma_start3A_81, %dma_start3A_82] : memref<10000x128xf32, #tpu.memory_space<hbm>> -> memref<10000x128xf32, #tpu.memory_space<hbm>>
      tpu.enqueue_indirect_dma source(%dma_start3A_83 : memref<10000x128xf32, #tpu.memory_space<hbm>>) target(%arg8 : memref<64x128xf32, #tpu.memory_space<vmem>>) offsets(%dma_start3A_80 : memref<64xi32, #tpu.memory_space<vmem>>) semaphore(%arg13 : memref<!tpu.dma_semaphore, #tpu.memory_space<semaphore_mem>>)
      %dma_start3A_84 = arith.constant 2 : i32
      %dma_start3A_85 = arith.constant 0 : i32
      %dma_start3A_86 = tpu.memref_slice %arg5[%dma_start3A_84, %dma_start3A_85] : memref<40x64xi32, #tpu.memory_space<vmem>> -> memref<1x64xi32, #tpu.memory_space<vmem>>
      %dma_start3A_87 = tpu.memref_squeeze %dma_start3A_86 : memref<1x64xi32, #tpu.memory_space<vmem>> -> memref<64xi32, #tpu.memory_space<vmem>>
      %dma_start3A_88 = arith.constant 0 : i32
      %dma_start3A_89 = arith.constant 0 : i32
      %dma_start3A_90 = tpu.memref_slice %arg2[%dma_start3A_88, %dma_start3A_89] : memref<10000x128xf32, #tpu.memory_space<hbm>> -> memref<10000x128xf32, #tpu.memory_space<hbm>>
      tpu.enqueue_indirect_dma source(%dma_start3A_90 : memref<10000x128xf32, #tpu.memory_space<hbm>>) target(%arg9 : memref<64x128xf32, #tpu.memory_space<vmem>>) offsets(%dma_start3A_87 : memref<64xi32, #tpu.memory_space<vmem>>) semaphore(%arg14 : memref<!tpu.dma_semaphore, #tpu.memory_space<semaphore_mem>>)
      %scan3A_91 = arith.constant 0 : i32
      %scan3A_92 = arith.constant 0 : i32
      %scan3A_93 = arith.constant 10 : i32
      %scan3A_94 = arith.addi %scan3A_92, %scan3A_93 : i32
      %scan3A_95 = arith.constant 1 : i32
      %scan3A_96 = scf.for %scan3A_105 = %scan3A_92 to %scan3A_94 step %scan3A_95 iter_args(%scan3A_106 = %scan3A_91) -> (i32)  : i32 {
        %mul3A_107 = arith.constant 4 : i32
        %mul3A_108 = arith.muli %scan3A_105, %mul3A_107 : i32
        %add3A_109 = arith.constant 0 : i32
        %add3A_110 = arith.addi %mul3A_108, %add3A_109 : i32
        %dma_wait3A_111 = arith.constant 0 : i32
        %dma_wait3A_112 = arith.constant 0 : i32
        %dma_wait3A_113 = tpu.memref_slice %arg5[%dma_wait3A_111, %dma_wait3A_112] : memref<40x64xi32, #tpu.memory_space<vmem>> -> memref<1x64xi32, #tpu.memory_space<vmem>>
        %dma_wait3A_114 = tpu.memref_squeeze %dma_wait3A_113 : memref<1x64xi32, #tpu.memory_space<vmem>> -> memref<64xi32, #tpu.memory_space<vmem>>
        %dma_wait3A_115 = arith.constant 0 : i32
        %dma_wait3A_116 = arith.constant 0 : i32
        %dma_wait3A_117 = tpu.memref_slice %arg2[%dma_wait3A_115, %dma_wait3A_116] : memref<10000x128xf32, #tpu.memory_space<hbm>> -> memref<10000x128xf32, #tpu.memory_space<hbm>>
        tpu.wait_indirect_dma semaphore(%arg12 : memref<!tpu.dma_semaphore, #tpu.memory_space<semaphore_mem>>) src(%dma_wait3A_117 : memref<10000x128xf32, #tpu.memory_space<hbm>>) dst(%arg7 : memref<64x128xf32, #tpu.memory_space<vmem>>)
        %dma_start3A_118 = arith.constant 0 : i32
        %dma_start3A_119 = tpu.memref_slice %arg6[%add3A_110, %dma_start3A_118] : memref<40x64xi32, #tpu.memory_space<vmem>> -> memref<1x64xi32, #tpu.memory_space<vmem>>
        %dma_start3A_120 = tpu.memref_squeeze %dma_start3A_119 : memref<1x64xi32, #tpu.memory_space<vmem>> -> memref<64xi32, #tpu.memory_space<vmem>>
        %dma_start3A_121 = arith.constant 0 : i32
        %dma_start3A_122 = arith.constant 0 : i32
        %dma_start3A_123 = tpu.memref_slice %arg11[%dma_start3A_121, %dma_start3A_122] : memref<10240x128xf32, #tpu.memory_space<vmem_shared>> -> memref<10240x128xf32, #tpu.memory_space<vmem_shared>>
        tpu.enqueue_indirect_dma source(%arg7 : memref<64x128xf32, #tpu.memory_space<vmem>>) target(%dma_start3A_123 : memref<10240x128xf32, #tpu.memory_space<vmem_shared>>) offsets(%dma_start3A_120 : memref<64xi32, #tpu.memory_space<vmem>>) semaphore(%arg16 : memref<!tpu.dma_semaphore, #tpu.memory_space<semaphore_mem>>) {add = true}
        %gt3A = arith.constant 0 : i32
        %gt3A_124 = arith.cmpi sgt, %add3A_110, %gt3A : i32
        %convert_element_type3A = arith.extui %gt3A_124 : i1 to i32
        %cond3A = arith.constant 0 : i32
        %cond3A_125 = arith.cmpi ne, %convert_element_type3A, %cond3A : i32
        scf.if %cond3A_125 {
          %dma_wait3A_220 = arith.constant 0 : i32
          %dma_wait3A_221 = arith.constant 0 : i32
          %dma_wait3A_222 = tpu.memref_slice %arg5[%dma_wait3A_220, %dma_wait3A_221] : memref<40x64xi32, #tpu.memory_space<vmem>> -> memref<1x64xi32, #tpu.memory_space<vmem>>
          %dma_wait3A_223 = tpu.memref_squeeze %dma_wait3A_222 : memref<1x64xi32, #tpu.memory_space<vmem>> -> memref<64xi32, #tpu.memory_space<vmem>>
          %dma_wait3A_224 = arith.constant 0 : i32
          %dma_wait3A_225 = arith.constant 0 : i32
          %dma_wait3A_226 = tpu.memref_slice %arg2[%dma_wait3A_224, %dma_wait3A_225] : memref<10000x128xf32, #tpu.memory_space<hbm>> -> memref<10000x128xf32, #tpu.memory_space<hbm>>
          tpu.wait_indirect_dma semaphore(%arg19 : memref<!tpu.dma_semaphore, #tpu.memory_space<semaphore_mem>>) src(%dma_wait3A_226 : memref<10000x128xf32, #tpu.memory_space<hbm>>) dst(%arg10 : memref<64x128xf32, #tpu.memory_space<vmem>>)
        } else {
        }
        %add3A_126 = arith.constant 3 : i32
        %add3A_127 = arith.addi %add3A_110, %add3A_126 : i32
        %lt3A = arith.constant 40 : i32
        %lt3A_128 = arith.cmpi slt, %add3A_127, %lt3A : i32
        %convert_element_type3A_129 = arith.extui %lt3A_128 : i1 to i32
        %cond3A_130 = arith.constant 0 : i32
        %cond3A_131 = arith.cmpi ne, %convert_element_type3A_129, %cond3A_130 : i32
        scf.if %cond3A_131 {
          %add3A_220 = arith.constant 3 : i32
          %add3A_221 = arith.addi %add3A_110, %add3A_220 : i32
          %dma_start3A_222 = arith.constant 0 : i32
          %dma_start3A_223 = tpu.memref_slice %arg5[%add3A_221, %dma_start3A_222] : memref<40x64xi32, #tpu.memory_space<vmem>> -> memref<1x64xi32, #tpu.memory_space<vmem>>
          %dma_start3A_224 = tpu.memref_squeeze %dma_start3A_223 : memref<1x64xi32, #tpu.memory_space<vmem>> -> memref<64xi32, #tpu.memory_space<vmem>>
          %dma_start3A_225 = arith.constant 0 : i32
          %dma_start3A_226 = arith.constant 0 : i32
          %dma_start3A_227 = tpu.memref_slice %arg2[%dma_start3A_225, %dma_start3A_226] : memref<10000x128xf32, #tpu.memory_space<hbm>> -> memref<10000x128xf32, #tpu.memory_space<hbm>>
          tpu.enqueue_indirect_dma source(%dma_start3A_227 : memref<10000x128xf32, #tpu.memory_space<hbm>>) target(%arg10 : memref<64x128xf32, #tpu.memory_space<vmem>>) offsets(%dma_start3A_224 : memref<64xi32, #tpu.memory_space<vmem>>) semaphore(%arg15 : memref<!tpu.dma_semaphore, #tpu.memory_space<semaphore_mem>>)
        } else {
        }
        %add3A_132 = arith.constant 1 : i32
        %add3A_133 = arith.addi %mul3A_108, %add3A_132 : i32
        %dma_wait3A_134 = arith.constant 0 : i32
        %dma_wait3A_135 = arith.constant 0 : i32
        %dma_wait3A_136 = tpu.memref_slice %arg5[%dma_wait3A_134, %dma_wait3A_135] : memref<40x64xi32, #tpu.memory_space<vmem>> -> memref<1x64xi32, #tpu.memory_space<vmem>>
        %dma_wait3A_137 = tpu.memref_squeeze %dma_wait3A_136 : memref<1x64xi32, #tpu.memory_space<vmem>> -> memref<64xi32, #tpu.memory_space<vmem>>
        %dma_wait3A_138 = arith.constant 0 : i32
        %dma_wait3A_139 = arith.constant 0 : i32
        %dma_wait3A_140 = tpu.memref_slice %arg2[%dma_wait3A_138, %dma_wait3A_139] : memref<10000x128xf32, #tpu.memory_space<hbm>> -> memref<10000x128xf32, #tpu.memory_space<hbm>>
        tpu.wait_indirect_dma semaphore(%arg13 : memref<!tpu.dma_semaphore, #tpu.memory_space<semaphore_mem>>) src(%dma_wait3A_140 : memref<10000x128xf32, #tpu.memory_space<hbm>>) dst(%arg8 : memref<64x128xf32, #tpu.memory_space<vmem>>)
        %dma_start3A_141 = arith.constant 0 : i32
        %dma_start3A_142 = tpu.memref_slice %arg6[%add3A_133, %dma_start3A_141] : memref<40x64xi32, #tpu.memory_space<vmem>> -> memref<1x64xi32, #tpu.memory_space<vmem>>
        %dma_start3A_143 = tpu.memref_squeeze %dma_start3A_142 : memref<1x64xi32, #tpu.memory_space<vmem>> -> memref<64xi32, #tpu.memory_space<vmem>>
        %dma_start3A_144 = arith.constant 0 : i32
        %dma_start3A_145 = arith.constant 0 : i32
        %dma_start3A_146 = tpu.memref_slice %arg11[%dma_start3A_144, %dma_start3A_145] : memref<10240x128xf32, #tpu.memory_space<vmem_shared>> -> memref<10240x128xf32, #tpu.memory_space<vmem_shared>>
        tpu.enqueue_indirect_dma source(%arg8 : memref<64x128xf32, #tpu.memory_space<vmem>>) target(%dma_start3A_146 : memref<10240x128xf32, #tpu.memory_space<vmem_shared>>) offsets(%dma_start3A_143 : memref<64xi32, #tpu.memory_space<vmem>>) semaphore(%arg17 : memref<!tpu.dma_semaphore, #tpu.memory_space<semaphore_mem>>) {add = true}
        %dma_wait3A_147 = arith.constant 0 : i32
        %dma_wait3A_148 = arith.constant 0 : i32
        %dma_wait3A_149 = tpu.memref_slice %arg5[%dma_wait3A_147, %dma_wait3A_148] : memref<40x64xi32, #tpu.memory_space<vmem>> -> memref<1x64xi32, #tpu.memory_space<vmem>>
        %dma_wait3A_150 = tpu.memref_squeeze %dma_wait3A_149 : memref<1x64xi32, #tpu.memory_space<vmem>> -> memref<64xi32, #tpu.memory_space<vmem>>
        %dma_wait3A_151 = arith.constant 0 : i32
        %dma_wait3A_152 = arith.constant 0 : i32
        %dma_wait3A_153 = tpu.memref_slice %arg2[%dma_wait3A_151, %dma_wait3A_152] : memref<10000x128xf32, #tpu.memory_space<hbm>> -> memref<10000x128xf32, #tpu.memory_space<hbm>>
        tpu.wait_indirect_dma semaphore(%arg16 : memref<!tpu.dma_semaphore, #tpu.memory_space<semaphore_mem>>) src(%dma_wait3A_153 : memref<10000x128xf32, #tpu.memory_space<hbm>>) dst(%arg7 : memref<64x128xf32, #tpu.memory_space<vmem>>)
        %add3A_154 = arith.constant 3 : i32
        %add3A_155 = arith.addi %add3A_133, %add3A_154 : i32
        %lt3A_156 = arith.constant 40 : i32
        %lt3A_157 = arith.cmpi slt, %add3A_155, %lt3A_156 : i32
        %convert_element_type3A_158 = arith.extui %lt3A_157 : i1 to i32
        %cond3A_159 = arith.constant 0 : i32
        %cond3A_160 = arith.cmpi ne, %convert_element_type3A_158, %cond3A_159 : i32
        scf.if %cond3A_160 {
          %add3A_220 = arith.constant 3 : i32
          %add3A_221 = arith.addi %add3A_133, %add3A_220 : i32
          %dma_start3A_222 = arith.constant 0 : i32
          %dma_start3A_223 = tpu.memref_slice %arg5[%add3A_221, %dma_start3A_222] : memref<40x64xi32, #tpu.memory_space<vmem>> -> memref<1x64xi32, #tpu.memory_space<vmem>>
          %dma_start3A_224 = tpu.memref_squeeze %dma_start3A_223 : memref<1x64xi32, #tpu.memory_space<vmem>> -> memref<64xi32, #tpu.memory_space<vmem>>
          %dma_start3A_225 = arith.constant 0 : i32
          %dma_start3A_226 = arith.constant 0 : i32
          %dma_start3A_227 = tpu.memref_slice %arg2[%dma_start3A_225, %dma_start3A_226] : memref<10000x128xf32, #tpu.memory_space<hbm>> -> memref<10000x128xf32, #tpu.memory_space<hbm>>
          tpu.enqueue_indirect_dma source(%dma_start3A_227 : memref<10000x128xf32, #tpu.memory_space<hbm>>) target(%arg7 : memref<64x128xf32, #tpu.memory_space<vmem>>) offsets(%dma_start3A_224 : memref<64xi32, #tpu.memory_space<vmem>>) semaphore(%arg12 : memref<!tpu.dma_semaphore, #tpu.memory_space<semaphore_mem>>)
        } else {
        }
        %add3A_161 = arith.constant 2 : i32
        %add3A_162 = arith.addi %mul3A_108, %add3A_161 : i32
        %dma_wait3A_163 = arith.constant 0 : i32
        %dma_wait3A_164 = arith.constant 0 : i32
        %dma_wait3A_165 = tpu.memref_slice %arg5[%dma_wait3A_163, %dma_wait3A_164] : memref<40x64xi32, #tpu.memory_space<vmem>> -> memref<1x64xi32, #tpu.memory_space<vmem>>
        %dma_wait3A_166 = tpu.memref_squeeze %dma_wait3A_165 : memref<1x64xi32, #tpu.memory_space<vmem>> -> memref<64xi32, #tpu.memory_space<vmem>>
        %dma_wait3A_167 = arith.constant 0 : i32
        %dma_wait3A_168 = arith.constant 0 : i32
        %dma_wait3A_169 = tpu.memref_slice %arg2[%dma_wait3A_167, %dma_wait3A_168] : memref<10000x128xf32, #tpu.memory_space<hbm>> -> memref<10000x128xf32, #tpu.memory_space<hbm>>
        tpu.wait_indirect_dma semaphore(%arg14 : memref<!tpu.dma_semaphore, #tpu.memory_space<semaphore_mem>>) src(%dma_wait3A_169 : memref<10000x128xf32, #tpu.memory_space<hbm>>) dst(%arg9 : memref<64x128xf32, #tpu.memory_space<vmem>>)
        %dma_start3A_170 = arith.constant 0 : i32
        %dma_start3A_171 = tpu.memref_slice %arg6[%add3A_162, %dma_start3A_170] : memref<40x64xi32, #tpu.memory_space<vmem>> -> memref<1x64xi32, #tpu.memory_space<vmem>>
        %dma_start3A_172 = tpu.memref_squeeze %dma_start3A_171 : memref<1x64xi32, #tpu.memory_space<vmem>> -> memref<64xi32, #tpu.memory_space<vmem>>
        %dma_start3A_173 = arith.constant 0 : i32
        %dma_start3A_174 = arith.constant 0 : i32
        %dma_start3A_175 = tpu.memref_slice %arg11[%dma_start3A_173, %dma_start3A_174] : memref<10240x128xf32, #tpu.memory_space<vmem_shared>> -> memref<10240x128xf32, #tpu.memory_space<vmem_shared>>
        tpu.enqueue_indirect_dma source(%arg9 : memref<64x128xf32, #tpu.memory_space<vmem>>) target(%dma_start3A_175 : memref<10240x128xf32, #tpu.memory_space<vmem_shared>>) offsets(%dma_start3A_172 : memref<64xi32, #tpu.memory_space<vmem>>) semaphore(%arg18 : memref<!tpu.dma_semaphore, #tpu.memory_space<semaphore_mem>>) {add = true}
        %dma_wait3A_176 = arith.constant 0 : i32
        %dma_wait3A_177 = arith.constant 0 : i32
        %dma_wait3A_178 = tpu.memref_slice %arg5[%dma_wait3A_176, %dma_wait3A_177] : memref<40x64xi32, #tpu.memory_space<vmem>> -> memref<1x64xi32, #tpu.memory_space<vmem>>
        %dma_wait3A_179 = tpu.memref_squeeze %dma_wait3A_178 : memref<1x64xi32, #tpu.memory_space<vmem>> -> memref<64xi32, #tpu.memory_space<vmem>>
        %dma_wait3A_180 = arith.constant 0 : i32
        %dma_wait3A_181 = arith.constant 0 : i32
        %dma_wait3A_182 = tpu.memref_slice %arg2[%dma_wait3A_180, %dma_wait3A_181] : memref<10000x128xf32, #tpu.memory_space<hbm>> -> memref<10000x128xf32, #tpu.memory_space<hbm>>
        tpu.wait_indirect_dma semaphore(%arg17 : memref<!tpu.dma_semaphore, #tpu.memory_space<semaphore_mem>>) src(%dma_wait3A_182 : memref<10000x128xf32, #tpu.memory_space<hbm>>) dst(%arg8 : memref<64x128xf32, #tpu.memory_space<vmem>>)
        %add3A_183 = arith.constant 3 : i32
        %add3A_184 = arith.addi %add3A_162, %add3A_183 : i32
        %lt3A_185 = arith.constant 40 : i32
        %lt3A_186 = arith.cmpi slt, %add3A_184, %lt3A_185 : i32
        %convert_element_type3A_187 = arith.extui %lt3A_186 : i1 to i32
        %cond3A_188 = arith.constant 0 : i32
        %cond3A_189 = arith.cmpi ne, %convert_element_type3A_187, %cond3A_188 : i32
        scf.if %cond3A_189 {
          %add3A_220 = arith.constant 3 : i32
          %add3A_221 = arith.addi %add3A_162, %add3A_220 : i32
          %dma_start3A_222 = arith.constant 0 : i32
          %dma_start3A_223 = tpu.memref_slice %arg5[%add3A_221, %dma_start3A_222] : memref<40x64xi32, #tpu.memory_space<vmem>> -> memref<1x64xi32, #tpu.memory_space<vmem>>
          %dma_start3A_224 = tpu.memref_squeeze %dma_start3A_223 : memref<1x64xi32, #tpu.memory_space<vmem>> -> memref<64xi32, #tpu.memory_space<vmem>>
          %dma_start3A_225 = arith.constant 0 : i32
          %dma_start3A_226 = arith.constant 0 : i32
          %dma_start3A_227 = tpu.memref_slice %arg2[%dma_start3A_225, %dma_start3A_226] : memref<10000x128xf32, #tpu.memory_space<hbm>> -> memref<10000x128xf32, #tpu.memory_space<hbm>>
          tpu.enqueue_indirect_dma source(%dma_start3A_227 : memref<10000x128xf32, #tpu.memory_space<hbm>>) target(%arg8 : memref<64x128xf32, #tpu.memory_space<vmem>>) offsets(%dma_start3A_224 : memref<64xi32, #tpu.memory_space<vmem>>) semaphore(%arg13 : memref<!tpu.dma_semaphore, #tpu.memory_space<semaphore_mem>>)
        } else {
        }
        %add3A_190 = arith.constant 3 : i32
        %add3A_191 = arith.addi %mul3A_108, %add3A_190 : i32
        %dma_wait3A_192 = arith.constant 0 : i32
        %dma_wait3A_193 = arith.constant 0 : i32
        %dma_wait3A_194 = tpu.memref_slice %arg5[%dma_wait3A_192, %dma_wait3A_193] : memref<40x64xi32, #tpu.memory_space<vmem>> -> memref<1x64xi32, #tpu.memory_space<vmem>>
        %dma_wait3A_195 = tpu.memref_squeeze %dma_wait3A_194 : memref<1x64xi32, #tpu.memory_space<vmem>> -> memref<64xi32, #tpu.memory_space<vmem>>
        %dma_wait3A_196 = arith.constant 0 : i32
        %dma_wait3A_197 = arith.constant 0 : i32
        %dma_wait3A_198 = tpu.memref_slice %arg2[%dma_wait3A_196, %dma_wait3A_197] : memref<10000x128xf32, #tpu.memory_space<hbm>> -> memref<10000x128xf32, #tpu.memory_space<hbm>>
        tpu.wait_indirect_dma semaphore(%arg15 : memref<!tpu.dma_semaphore, #tpu.memory_space<semaphore_mem>>) src(%dma_wait3A_198 : memref<10000x128xf32, #tpu.memory_space<hbm>>) dst(%arg10 : memref<64x128xf32, #tpu.memory_space<vmem>>)
        %dma_start3A_199 = arith.constant 0 : i32
        %dma_start3A_200 = tpu.memref_slice %arg6[%add3A_191, %dma_start3A_199] : memref<40x64xi32, #tpu.memory_space<vmem>> -> memref<1x64xi32, #tpu.memory_space<vmem>>
        %dma_start3A_201 = tpu.memref_squeeze %dma_start3A_200 : memref<1x64xi32, #tpu.memory_space<vmem>> -> memref<64xi32, #tpu.memory_space<vmem>>
        %dma_start3A_202 = arith.constant 0 : i32
        %dma_start3A_203 = arith.constant 0 : i32
        %dma_start3A_204 = tpu.memref_slice %arg11[%dma_start3A_202, %dma_start3A_203] : memref<10240x128xf32, #tpu.memory_space<vmem_shared>> -> memref<10240x128xf32, #tpu.memory_space<vmem_shared>>
        tpu.enqueue_indirect_dma source(%arg10 : memref<64x128xf32, #tpu.memory_space<vmem>>) target(%dma_start3A_204 : memref<10240x128xf32, #tpu.memory_space<vmem_shared>>) offsets(%dma_start3A_201 : memref<64xi32, #tpu.memory_space<vmem>>) semaphore(%arg19 : memref<!tpu.dma_semaphore, #tpu.memory_space<semaphore_mem>>) {add = true}
        %dma_wait3A_205 = arith.constant 0 : i32
        %dma_wait3A_206 = arith.constant 0 : i32
        %dma_wait3A_207 = tpu.memref_slice %arg5[%dma_wait3A_205, %dma_wait3A_206] : memref<40x64xi32, #tpu.memory_space<vmem>> -> memref<1x64xi32, #tpu.memory_space<vmem>>
        %dma_wait3A_208 = tpu.memref_squeeze %dma_wait3A_207 : memref<1x64xi32, #tpu.memory_space<vmem>> -> memref<64xi32, #tpu.memory_space<vmem>>
        %dma_wait3A_209 = arith.constant 0 : i32
        %dma_wait3A_210 = arith.constant 0 : i32
        %dma_wait3A_211 = tpu.memref_slice %arg2[%dma_wait3A_209, %dma_wait3A_210] : memref<10000x128xf32, #tpu.memory_space<hbm>> -> memref<10000x128xf32, #tpu.memory_space<hbm>>
        tpu.wait_indirect_dma semaphore(%arg18 : memref<!tpu.dma_semaphore, #tpu.memory_space<semaphore_mem>>) src(%dma_wait3A_211 : memref<10000x128xf32, #tpu.memory_space<hbm>>) dst(%arg9 : memref<64x128xf32, #tpu.memory_space<vmem>>)
        %add3A_212 = arith.constant 3 : i32
        %add3A_213 = arith.addi %add3A_191, %add3A_212 : i32
        %lt3A_214 = arith.constant 40 : i32
        %lt3A_215 = arith.cmpi slt, %add3A_213, %lt3A_214 : i32
        %convert_element_type3A_216 = arith.extui %lt3A_215 : i1 to i32
        %cond3A_217 = arith.constant 0 : i32
        %cond3A_218 = arith.cmpi ne, %convert_element_type3A_216, %cond3A_217 : i32
        scf.if %cond3A_218 {
          %add3A_220 = arith.constant 3 : i32
          %add3A_221 = arith.addi %add3A_191, %add3A_220 : i32
          %dma_start3A_222 = arith.constant 0 : i32
          %dma_start3A_223 = tpu.memref_slice %arg5[%add3A_221, %dma_start3A_222] : memref<40x64xi32, #tpu.memory_space<vmem>> -> memref<1x64xi32, #tpu.memory_space<vmem>>
          %dma_start3A_224 = tpu.memref_squeeze %dma_start3A_223 : memref<1x64xi32, #tpu.memory_space<vmem>> -> memref<64xi32, #tpu.memory_space<vmem>>
          %dma_start3A_225 = arith.constant 0 : i32
          %dma_start3A_226 = arith.constant 0 : i32
          %dma_start3A_227 = tpu.memref_slice %arg2[%dma_start3A_225, %dma_start3A_226] : memref<10000x128xf32, #tpu.memory_space<hbm>> -> memref<10000x128xf32, #tpu.memory_space<hbm>>
          tpu.enqueue_indirect_dma source(%dma_start3A_227 : memref<10000x128xf32, #tpu.memory_space<hbm>>) target(%arg9 : memref<64x128xf32, #tpu.memory_space<vmem>>) offsets(%dma_start3A_224 : memref<64xi32, #tpu.memory_space<vmem>>) semaphore(%arg14 : memref<!tpu.dma_semaphore, #tpu.memory_space<semaphore_mem>>)
        } else {
        }
        %scan3A_219 = arith.constant 0 : i32
        scf.yield %scan3A_219 : i32
      }
      %scan3A_97 = arith.constant 10 : i32
      %dma_wait3A = arith.constant 0 : i32
      %dma_wait3A_98 = arith.constant 0 : i32
      %dma_wait3A_99 = tpu.memref_slice %arg5[%dma_wait3A, %dma_wait3A_98] : memref<40x64xi32, #tpu.memory_space<vmem>> -> memref<1x64xi32, #tpu.memory_space<vmem>>
      %dma_wait3A_100 = tpu.memref_squeeze %dma_wait3A_99 : memref<1x64xi32, #tpu.memory_space<vmem>> -> memref<64xi32, #tpu.memory_space<vmem>>
      %dma_wait3A_101 = arith.constant 0 : i32
      %dma_wait3A_102 = arith.constant 0 : i32
      %dma_wait3A_103 = tpu.memref_slice %arg2[%dma_wait3A_101, %dma_wait3A_102] : memref<10000x128xf32, #tpu.memory_space<hbm>> -> memref<10000x128xf32, #tpu.memory_space<hbm>>
      tpu.wait_indirect_dma semaphore(%arg19 : memref<!tpu.dma_semaphore, #tpu.memory_space<semaphore_mem>>) src(%dma_wait3A_103 : memref<10000x128xf32, #tpu.memory_space<hbm>>) dst(%arg10 : memref<64x128xf32, #tpu.memory_space<vmem>>)
      %while3A_104 = arith.constant 0 : i32
      scf.yield %while3A_104 : i32
    }
    %barrier3A_60 = arith.constant 0 : index
    tpu.barrier barrier_id(%barrier3A_60)
    %mul3A_61 = arith.constant 640 : i32
    %mul3A_62 = arith.muli %arg1, %mul3A_61 : i32
    "tpu.region"() ({
      %run_scoped3A = tpu.sem_alloc : memref<!tpu.dma_semaphore, #tpu.memory_space<semaphore_mem>>
      %dma_start3A = arith.constant 0 : i32
      %dma_start3A_63 = tpu.memref_slice %arg4[%arg0, %mul3A_62, %dma_start3A] : memref<2x10240x128xf32, #tpu.memory_space<hbm>> -> memref<1x640x128xf32, #tpu.memory_space<hbm>>
      %dma_start3A_64 = tpu.memref_squeeze %dma_start3A_63 : memref<1x640x128xf32, #tpu.memory_space<hbm>> -> memref<640x128xf32, #tpu.memory_space<hbm>>
      %dma_start3A_65 = arith.constant 0 : i32
      %dma_start3A_66 = tpu.memref_slice %arg11[%mul3A_62, %dma_start3A_65] : memref<10240x128xf32, #tpu.memory_space<vmem_shared>> -> memref<640x128xf32, #tpu.memory_space<vmem_shared>>
      tpu.enqueue_dma source(%dma_start3A_66 : memref<640x128xf32, #tpu.memory_space<vmem_shared>>) target(%dma_start3A_64 : memref<640x128xf32, #tpu.memory_space<hbm>>) target_semaphore(%run_scoped3A : memref<!tpu.dma_semaphore, #tpu.memory_space<semaphore_mem>>)
      %dma_wait3A = arith.constant 0 : i32
      %dma_wait3A_67 = tpu.memref_slice %arg4[%arg0, %mul3A_62, %dma_wait3A] : memref<2x10240x128xf32, #tpu.memory_space<hbm>> -> memref<1x640x128xf32, #tpu.memory_space<hbm>>
      %dma_wait3A_68 = tpu.memref_squeeze %dma_wait3A_67 : memref<1x640x128xf32, #tpu.memory_space<hbm>> -> memref<640x128xf32, #tpu.memory_space<hbm>>
      %dma_wait3A_69 = arith.constant 0 : i32
      %dma_wait3A_70 = tpu.memref_slice %arg11[%mul3A_62, %dma_wait3A_69] : memref<10240x128xf32, #tpu.memory_space<vmem_shared>> -> memref<640x128xf32, #tpu.memory_space<vmem_shared>>
      tpu.wait_dma2 semaphore(%run_scoped3A : memref<!tpu.dma_semaphore, #tpu.memory_space<semaphore_mem>>) src(%dma_wait3A_70 : memref<640x128xf32, #tpu.memory_space<vmem_shared>>) dst(%dma_wait3A_68 : memref<640x128xf32, #tpu.memory_space<hbm>>)
      tpu.yield
    }) : () -> ()
    return
  }
}

module attributes {stable_mosaic.version = 14 : i64} {
  func.func @_k1_body(%arg0: i32, %arg1: memref<2000x128xf32, #tpu.memory_space<vmem>>, %arg2: memref<128x128xf32, #tpu.memory_space<vmem>>, %arg3: memref<1x2000x1xf32, #tpu.memory_space<vmem>>, %arg4: memref<1x2000x1xf32, #tpu.memory_space<vmem>>, %arg5: memref<2000x128xf32, #tpu.memory_space<vmem>>, %arg6: memref<2000x1xf32, #tpu.memory_space<vmem>>) attributes {dimension_semantics = [#tpu.dimension_semantics<arbitrary>], iteration_bounds = array<i64: 5>, scalar_prefetch = 0 : i64, scratch_operands = 0 : i64, tpu.core_type = #tpu.core_type<tc>, window_params = [{transform_indices = @transform_0, window_bounds = array<i64: 2000, 128>}, {pipeline_mode = #tpu.pipeline_mode<synchronous>, transform_indices = @transform_1, window_bounds = array<i64: 128, 128>}, {transform_indices = @transform_2, window_bounds = array<i64: 1, 2000, 1>}, {transform_indices = @transform_3, window_bounds = array<i64: 1, 2000, 1>}, {transform_indices = @transform_4, window_bounds = array<i64: 2000, 128>}, {transform_indices = @transform_5, window_bounds = array<i64: 2000, 1>}]} {
    %get3A = arith.constant 0 : index
    %get3A_0 = arith.constant 0 : index
    %get3A_1 = arith.constant 0 : index
    %get3A_2 = vector.load %arg3[%get3A, %get3A_0, %get3A_1] : memref<1x2000x1xf32, #tpu.memory_space<vmem>>, vector<1x2000x1xf32>
    %get3A_3 = vector.shape_cast %get3A_2 : vector<1x2000x1xf32> to vector<2000x1xf32>
    %get3A_4 = arith.constant 0 : index
    %get3A_5 = arith.constant 0 : index
    %get3A_6 = arith.constant 0 : index
    %get3A_7 = vector.load %arg4[%get3A_4, %get3A_5, %get3A_6] : memref<1x2000x1xf32, #tpu.memory_space<vmem>>, vector<1x2000x1xf32>
    %get3A_8 = vector.shape_cast %get3A_7 : vector<1x2000x1xf32> to vector<2000x1xf32>
    %add3A = arith.addf %get3A_3, %get3A_8 : vector<2000x1xf32>
    %add3A_9 = arith.constant 1.000000e+00 : f32
    %add3A_10 = vector.broadcast %add3A_9 : f32 to vector<2000x1xf32>
    %add3A_11 = arith.addf %add3A, %add3A_10 : vector<2000x1xf32>
    %rsqrt3A = math.rsqrt %add3A_11 : vector<2000x1xf32>
    %get3A_12 = arith.constant 0 : index
    %get3A_13 = arith.constant 0 : index
    %get3A_14 = vector.load %arg1[%get3A_12, %get3A_13] : memref<2000x128xf32, #tpu.memory_space<vmem>>, vector<2000x128xf32>
    %get3A_15 = arith.constant 0 : index
    %get3A_16 = arith.constant 0 : index
    %get3A_17 = vector.load %arg2[%get3A_15, %get3A_16] : memref<128x128xf32, #tpu.memory_space<vmem>>, vector<128x128xf32>
    %dot_general3A = arith.constant dense<0.000000e+00> : vector<2000x128xf32>
    %dot_general3A_18 = tpu.matmul %get3A_14, %get3A_17, %dot_general3A {dimension_numbers = #tpu.dot_dimension_numbers<[1], [0], [0], [1], [0, 0, 1, 1], [], []>, transpose_lhs_hint = false} : vector<2000x128xf32>, vector<128x128xf32>, vector<2000x128xf32> -> vector<2000x128xf32>
    %mul3A = vector.broadcast %rsqrt3A : vector<2000x1xf32> to vector<2000x128xf32>
    %mul3A_19 = arith.mulf %dot_general3A_18, %mul3A : vector<2000x128xf32>
    %swap3A = arith.constant 0 : index
    %swap3A_20 = arith.constant 0 : index
    %swap3A_21 = vector.load %arg5[%swap3A, %swap3A_20] : memref<2000x128xf32, #tpu.memory_space<vmem>>, vector<2000x128xf32>
    tpu.vector_store %arg5[%swap3A, %swap3A_20], %mul3A_19 {strides = array<i32>} : memref<2000x128xf32, #tpu.memory_space<vmem>>, vector<2000x128xf32>,
    %swap3A_22 = arith.constant 0 : index
    %swap3A_23 = arith.constant 0 : index
    %swap3A_24 = vector.load %arg6[%swap3A_22, %swap3A_23] : memref<2000x1xf32, #tpu.memory_space<vmem>>, vector<2000x1xf32>
    tpu.vector_store %arg6[%swap3A_22, %swap3A_23], %rsqrt3A {strides = array<i32>} : memref<2000x1xf32, #tpu.memory_space<vmem>>, vector<2000x1xf32>,
    return
  }
  func.func @transform_0(%arg0: i32) -> (i32, i32) {
    %c0_i32 = arith.constant 0 : i32
    %c0_i32_0 = arith.constant 0 : i32
    return %arg0, %c0_i32 : i32, i32
  }
  func.func @transform_1(%arg0: i32) -> (i32, i32) {
    %c0_i32 = arith.constant 0 : i32
    %c0_i32_0 = arith.constant 0 : i32
    %c0_i32_1 = arith.constant 0 : i32
    return %c0_i32, %c0_i32_0 : i32, i32
  }
  func.func @transform_2(%arg0: i32) -> (i32, i32, i32) {
    %c0_i32 = arith.constant 0 : i32
    %c0_i32_0 = arith.constant 0 : i32
    %c0_i32_1 = arith.constant 0 : i32
    return %c0_i32, %arg0, %c0_i32_0 : i32, i32, i32
  }
  func.func @transform_3(%arg0: i32) -> (i32, i32, i32) {
    %c1_i32 = arith.constant 1 : i32
    %c0_i32 = arith.constant 0 : i32
    %c0_i32_0 = arith.constant 0 : i32
    return %c1_i32, %arg0, %c0_i32 : i32, i32, i32
  }
  func.func @transform_4(%arg0: i32) -> (i32, i32) {
    %c0_i32 = arith.constant 0 : i32
    %c0_i32_0 = arith.constant 0 : i32
    return %arg0, %c0_i32 : i32, i32
  }
  func.func @transform_5(%arg0: i32) -> (i32, i32) {
    %c0_i32 = arith.constant 0 : i32
    %c0_i32_0 = arith.constant 0 : i32
    return %arg0, %c0_i32 : i32, i32
  }
}

module attributes {stable_mosaic.version = 14 : i64} {
  func.func @_kmid_body(%arg0: i32, %arg1: memref<1x2000x128xf32, #tpu.memory_space<vmem>>, %arg2: memref<1x2000x128xf32, #tpu.memory_space<vmem>>, %arg3: memref<2000x128xf32, #tpu.memory_space<vmem>>, %arg4: memref<2000x1xf32, #tpu.memory_space<vmem>>, %arg5: memref<1x128xf32, #tpu.memory_space<vmem>>, %arg6: memref<128x128xf32, #tpu.memory_space<vmem>>, %arg7: memref<2000x128xf32, #tpu.memory_space<vmem>>) attributes {dimension_semantics = [#tpu.dimension_semantics<arbitrary>], iteration_bounds = array<i64: 5>, scalar_prefetch = 0 : i64, scratch_operands = 0 : i64, tpu.core_type = #tpu.core_type<tc>, window_params = [{transform_indices = @transform_0, window_bounds = array<i64: 1, 2000, 128>}, {transform_indices = @transform_1, window_bounds = array<i64: 1, 2000, 128>}, {transform_indices = @transform_2, window_bounds = array<i64: 2000, 128>}, {transform_indices = @transform_3, window_bounds = array<i64: 2000, 1>}, {pipeline_mode = #tpu.pipeline_mode<synchronous>, transform_indices = @transform_4, window_bounds = array<i64: 1, 128>}, {pipeline_mode = #tpu.pipeline_mode<synchronous>, transform_indices = @transform_5, window_bounds = array<i64: 128, 128>}, {transform_indices = @transform_6, window_bounds = array<i64: 2000, 128>}]} {
    %get3A = arith.constant 0 : index
    %get3A_0 = arith.constant 0 : index
    %get3A_1 = vector.load %arg4[%get3A, %get3A_0] : memref<2000x1xf32, #tpu.memory_space<vmem>>, vector<2000x1xf32>
    %get3A_2 = arith.constant 0 : index
    %get3A_3 = arith.constant 0 : index
    %get3A_4 = arith.constant 0 : index
    %get3A_5 = vector.load %arg1[%get3A_2, %get3A_3, %get3A_4] : memref<1x2000x128xf32, #tpu.memory_space<vmem>>, vector<1x2000x128xf32>
    %get3A_6 = vector.shape_cast %get3A_5 : vector<1x2000x128xf32> to vector<2000x128xf32>
    %get3A_7 = arith.constant 0 : index
    %get3A_8 = arith.constant 0 : index
    %get3A_9 = arith.constant 0 : index
    %get3A_10 = vector.load %arg2[%get3A_7, %get3A_8, %get3A_9] : memref<1x2000x128xf32, #tpu.memory_space<vmem>>, vector<1x2000x128xf32>
    %get3A_11 = vector.shape_cast %get3A_10 : vector<1x2000x128xf32> to vector<2000x128xf32>
    %add3A = arith.addf %get3A_6, %get3A_11 : vector<2000x128xf32>
    %get3A_12 = arith.constant 0 : index
    %get3A_13 = arith.constant 0 : index
    %get3A_14 = vector.load %arg3[%get3A_12, %get3A_13] : memref<2000x128xf32, #tpu.memory_space<vmem>>, vector<2000x128xf32>
    %add3A_15 = arith.addf %add3A, %get3A_14 : vector<2000x128xf32>
    %mul3A = vector.broadcast %get3A_1 : vector<2000x1xf32> to vector<2000x128xf32>
    %mul3A_16 = arith.mulf %add3A_15, %mul3A : vector<2000x128xf32>
    %get3A_17 = arith.constant 0 : index
    %get3A_18 = arith.constant 0 : index
    %get3A_19 = vector.load %arg5[%get3A_17, %get3A_18] : memref<1x128xf32, #tpu.memory_space<vmem>>, vector<1x128xf32>
    %add3A_20 = vector.broadcast %get3A_19 : vector<1x128xf32> to vector<2000x128xf32>
    %add3A_21 = arith.addf %mul3A_16, %add3A_20 : vector<2000x128xf32>
    %max3A = arith.constant 0.000000e+00 : f32
    %max3A_22 = vector.broadcast %max3A : f32 to vector<2000x128xf32>
    %max3A_23 = arith.maximumf %add3A_21, %max3A_22 : vector<2000x128xf32>
    %get3A_24 = arith.constant 0 : index
    %get3A_25 = arith.constant 0 : index
    %get3A_26 = vector.load %arg6[%get3A_24, %get3A_25] : memref<128x128xf32, #tpu.memory_space<vmem>>, vector<128x128xf32>
    %dot_general3A = arith.constant dense<0.000000e+00> : vector<2000x128xf32>
    %dot_general3A_27 = tpu.matmul %max3A_23, %get3A_26, %dot_general3A {dimension_numbers = #tpu.dot_dimension_numbers<[1], [0], [0], [1], [0, 0, 1, 1], [], []>, transpose_lhs_hint = false} : vector<2000x128xf32>, vector<128x128xf32>, vector<2000x128xf32> -> vector<2000x128xf32>
    %mul3A_28 = vector.broadcast %get3A_1 : vector<2000x1xf32> to vector<2000x128xf32>
    %mul3A_29 = arith.mulf %dot_general3A_27, %mul3A_28 : vector<2000x128xf32>
    %swap3A = arith.constant 0 : index
    %swap3A_30 = arith.constant 0 : index
    %swap3A_31 = vector.load %arg7[%swap3A, %swap3A_30] : memref<2000x128xf32, #tpu.memory_space<vmem>>, vector<2000x128xf32>
    tpu.vector_store %arg7[%swap3A, %swap3A_30], %mul3A_29 {strides = array<i32>} : memref<2000x128xf32, #tpu.memory_space<vmem>>, vector<2000x128xf32>,
    return
  }
  func.func @transform_0(%arg0: i32) -> (i32, i32, i32) {
    %c0_i32 = arith.constant 0 : i32
    %c0_i32_0 = arith.constant 0 : i32
    %c0_i32_1 = arith.constant 0 : i32
    return %c0_i32, %arg0, %c0_i32_0 : i32, i32, i32
  }
  func.func @transform_1(%arg0: i32) -> (i32, i32, i32) {
    %c1_i32 = arith.constant 1 : i32
    %c0_i32 = arith.constant 0 : i32
    %c0_i32_0 = arith.constant 0 : i32
    return %c1_i32, %arg0, %c0_i32 : i32, i32, i32
  }
  func.func @transform_2(%arg0: i32) -> (i32, i32) {
    %c0_i32 = arith.constant 0 : i32
    %c0_i32_0 = arith.constant 0 : i32
    return %arg0, %c0_i32 : i32, i32
  }
  func.func @transform_3(%arg0: i32) -> (i32, i32) {
    %c0_i32 = arith.constant 0 : i32
    %c0_i32_0 = arith.constant 0 : i32
    return %arg0, %c0_i32 : i32, i32
  }
  func.func @transform_4(%arg0: i32) -> (i32, i32) {
    %c0_i32 = arith.constant 0 : i32
    %c0_i32_0 = arith.constant 0 : i32
    %c0_i32_1 = arith.constant 0 : i32
    return %c0_i32, %c0_i32_0 : i32, i32
  }
  func.func @transform_5(%arg0: i32) -> (i32, i32) {
    %c0_i32 = arith.constant 0 : i32
    %c0_i32_0 = arith.constant 0 : i32
    %c0_i32_1 = arith.constant 0 : i32
    return %c0_i32, %c0_i32_0 : i32, i32
  }
  func.func @transform_6(%arg0: i32) -> (i32, i32) {
    %c0_i32 = arith.constant 0 : i32
    %c0_i32_0 = arith.constant 0 : i32
    return %arg0, %c0_i32 : i32, i32
  }
}

module attributes {stable_mosaic.version = 14 : i64} {
  func.func @_kpool_body(%arg0: i32, %arg1: memref<1x2000x128xf32, #tpu.memory_space<vmem>>, %arg2: memref<1x2000x128xf32, #tpu.memory_space<vmem>>, %arg3: memref<2000x128xf32, #tpu.memory_space<vmem>>, %arg4: memref<2000x1xf32, #tpu.memory_space<vmem>>, %arg5: memref<1x128xf32, #tpu.memory_space<vmem>>, %arg6: memref<2000x1xi32, #tpu.memory_space<vmem>>, %arg7: memref<128x26xf32, #tpu.memory_space<vmem>>, %arg8: memref<1x26xf32, #tpu.memory_space<vmem>>, %arg9: memref<64x128xf32, #tpu.memory_space<vmem>>, %arg10: memref<64x1xf32, #tpu.memory_space<vmem>>, %arg11: memref<64x26xf32, #tpu.memory_space<vmem>>) attributes {dimension_semantics = [#tpu.dimension_semantics<arbitrary>], iteration_bounds = array<i64: 5>, scalar_prefetch = 0 : i64, scratch_operands = 0 : i64, tpu.core_type = #tpu.core_type<tc>, window_params = [{transform_indices = @transform_0, window_bounds = array<i64: 1, 2000, 128>}, {transform_indices = @transform_1, window_bounds = array<i64: 1, 2000, 128>}, {transform_indices = @transform_2, window_bounds = array<i64: 2000, 128>}, {transform_indices = @transform_3, window_bounds = array<i64: 2000, 1>}, {pipeline_mode = #tpu.pipeline_mode<synchronous>, transform_indices = @transform_4, window_bounds = array<i64: 1, 128>}, {transform_indices = @transform_5, window_bounds = array<i64: 2000, 1>}, {pipeline_mode = #tpu.pipeline_mode<synchronous>, transform_indices = @transform_6, window_bounds = array<i64: 128, 26>}, {pipeline_mode = #tpu.pipeline_mode<synchronous>, transform_indices = @transform_7, window_bounds = array<i64: 1, 26>}, {pipeline_mode = #tpu.pipeline_mode<synchronous>, transform_indices = @transform_8, window_bounds = array<i64: 64, 128>}, {pipeline_mode = #tpu.pipeline_mode<synchronous>, transform_indices = @transform_9, window_bounds = array<i64: 64, 1>}, {pipeline_mode = #tpu.pipeline_mode<synchronous>, transform_indices = @transform_10, window_bounds = array<i64: 64, 26>}]} {
    %get3A = arith.constant 0 : index
    %get3A_0 = arith.constant 0 : index
    %get3A_1 = vector.load %arg4[%get3A, %get3A_0] : memref<2000x1xf32, #tpu.memory_space<vmem>>, vector<2000x1xf32>
    %get3A_2 = arith.constant 0 : index
    %get3A_3 = arith.constant 0 : index
    %get3A_4 = arith.constant 0 : index
    %get3A_5 = vector.load %arg1[%get3A_2, %get3A_3, %get3A_4] : memref<1x2000x128xf32, #tpu.memory_space<vmem>>, vector<1x2000x128xf32>
    %get3A_6 = vector.shape_cast %get3A_5 : vector<1x2000x128xf32> to vector<2000x128xf32>
    %get3A_7 = arith.constant 0 : index
    %get3A_8 = arith.constant 0 : index
    %get3A_9 = arith.constant 0 : index
    %get3A_10 = vector.load %arg2[%get3A_7, %get3A_8, %get3A_9] : memref<1x2000x128xf32, #tpu.memory_space<vmem>>, vector<1x2000x128xf32>
    %get3A_11 = vector.shape_cast %get3A_10 : vector<1x2000x128xf32> to vector<2000x128xf32>
    %add3A = arith.addf %get3A_6, %get3A_11 : vector<2000x128xf32>
    %get3A_12 = arith.constant 0 : index
    %get3A_13 = arith.constant 0 : index
    %get3A_14 = vector.load %arg3[%get3A_12, %get3A_13] : memref<2000x128xf32, #tpu.memory_space<vmem>>, vector<2000x128xf32>
    %add3A_15 = arith.addf %add3A, %get3A_14 : vector<2000x128xf32>
    %mul3A = vector.broadcast %get3A_1 : vector<2000x1xf32> to vector<2000x128xf32>
    %mul3A_16 = arith.mulf %add3A_15, %mul3A : vector<2000x128xf32>
    %get3A_17 = arith.constant 0 : index
    %get3A_18 = arith.constant 0 : index
    %get3A_19 = vector.load %arg5[%get3A_17, %get3A_18] : memref<1x128xf32, #tpu.memory_space<vmem>>, vector<1x128xf32>
    %add3A_20 = vector.broadcast %get3A_19 : vector<1x128xf32> to vector<2000x128xf32>
    %add3A_21 = arith.addf %mul3A_16, %add3A_20 : vector<2000x128xf32>
    %max3A = arith.constant 0.000000e+00 : f32
    %max3A_22 = vector.broadcast %max3A : f32 to vector<2000x128xf32>
    %max3A_23 = arith.maximumf %add3A_21, %max3A_22 : vector<2000x128xf32>
    %iota3A = tpu.iota {dimensions = array<i32: 1>} : vector<2000x64xi32>
    %get3A_24 = arith.constant 0 : index
    %get3A_25 = arith.constant 0 : index
    %get3A_26 = vector.load %arg6[%get3A_24, %get3A_25] : memref<2000x1xi32, #tpu.memory_space<vmem>>, vector<2000x1xi32>
    %eq3A = vector.broadcast %get3A_26 : vector<2000x1xi32> to vector<2000x64xi32>
    %eq3A_27 = arith.cmpi eq, %iota3A, %eq3A : vector<2000x64xi32>
    %convert_element_type3A = arith.extui %eq3A_27 : vector<2000x64xi1> to vector<2000x64xi32>
    %convert_element_type3A_28 = arith.sitofp %convert_element_type3A : vector<2000x64xi32> to vector<2000x64xf32>
    %dot_general3A = arith.constant dense<0.000000e+00> : vector<64x128xf32>
    %dot_general3A_29 = tpu.matmul %convert_element_type3A_28, %max3A_23, %dot_general3A {dimension_numbers = #tpu.dot_dimension_numbers<[0], [0], [1], [1], [0, 1, 1, 1], [], []>, transpose_lhs_hint = false} : vector<2000x64xf32>, vector<2000x128xf32>, vector<64x128xf32> -> vector<64x128xf32>
    %broadcast_in_dim3A = arith.constant 1.000000e+00 : f32
    %broadcast_in_dim3A_30 = vector.broadcast %broadcast_in_dim3A : f32 to vector<2000x1xf32>
    %dot_general3A_31 = arith.constant dense<0.000000e+00> : vector<64x1xf32>
    %dot_general3A_32 = tpu.matmul %convert_element_type3A_28, %broadcast_in_dim3A_30, %dot_general3A_31 {dimension_numbers = #tpu.dot_dimension_numbers<[0], [0], [1], [1], [0, 1, 1, 1], [], []>, transpose_lhs_hint = false} : vector<2000x64xf32>, vector<2000x1xf32>, vector<64x1xf32> -> vector<64x1xf32>
    %eq3A_33 = arith.constant 0 : i32
    %eq3A_34 = arith.cmpi eq, %arg0, %eq3A_33 : i32
    %convert_element_type3A_35 = arith.extui %eq3A_34 : i1 to i32
    %cond3A = arith.constant 0 : i32
    %cond3A_36 = arith.cmpi ne, %convert_element_type3A_35, %cond3A : i32
    scf.if %cond3A_36 {
      %swap3A = arith.constant 0 : index
      %swap3A_46 = arith.constant 0 : index
      %swap3A_47 = vector.load %arg9[%swap3A, %swap3A_46] : memref<64x128xf32, #tpu.memory_space<vmem>>, vector<64x128xf32>
      tpu.vector_store %arg9[%swap3A, %swap3A_46], %dot_general3A_29 {strides = array<i32>} : memref<64x128xf32, #tpu.memory_space<vmem>>, vector<64x128xf32>,
      %swap3A_48 = arith.constant 0 : index
      %swap3A_49 = arith.constant 0 : index
      %swap3A_50 = vector.load %arg10[%swap3A_48, %swap3A_49] : memref<64x1xf32, #tpu.memory_space<vmem>>, vector<64x1xf32>
      tpu.vector_store %arg10[%swap3A_48, %swap3A_49], %dot_general3A_32 {strides = array<i32>} : memref<64x1xf32, #tpu.memory_space<vmem>>, vector<64x1xf32>,
    } else {
    }
    %gt3A = arith.constant 0 : i32
    %gt3A_37 = arith.cmpi sgt, %arg0, %gt3A : i32
    %convert_element_type3A_38 = arith.extui %gt3A_37 : i1 to i32
    %cond3A_39 = arith.constant 0 : i32
    %cond3A_40 = arith.cmpi ne, %convert_element_type3A_38, %cond3A_39 : i32
    scf.if %cond3A_40 {
      %get3A_46 = arith.constant 0 : index
      %get3A_47 = arith.constant 0 : index
      %get3A_48 = vector.load %arg9[%get3A_46, %get3A_47] : memref<64x128xf32, #tpu.memory_space<vmem>>, vector<64x128xf32>
      %add3A_49 = arith.addf %get3A_48, %dot_general3A_29 : vector<64x128xf32>
      %swap3A = arith.constant 0 : index
      %swap3A_50 = arith.constant 0 : index
      %swap3A_51 = vector.load %arg9[%swap3A, %swap3A_50] : memref<64x128xf32, #tpu.memory_space<vmem>>, vector<64x128xf32>
      tpu.vector_store %arg9[%swap3A, %swap3A_50], %add3A_49 {strides = array<i32>} : memref<64x128xf32, #tpu.memory_space<vmem>>, vector<64x128xf32>,
      %get3A_52 = arith.constant 0 : index
      %get3A_53 = arith.constant 0 : index
      %get3A_54 = vector.load %arg10[%get3A_52, %get3A_53] : memref<64x1xf32, #tpu.memory_space<vmem>>, vector<64x1xf32>
      %add3A_55 = arith.addf %get3A_54, %dot_general3A_32 : vector<64x1xf32>
      %swap3A_56 = arith.constant 0 : index
      %swap3A_57 = arith.constant 0 : index
      %swap3A_58 = vector.load %arg10[%swap3A_56, %swap3A_57] : memref<64x1xf32, #tpu.memory_space<vmem>>, vector<64x1xf32>
      tpu.vector_store %arg10[%swap3A_56, %swap3A_57], %add3A_55 {strides = array<i32>} : memref<64x1xf32, #tpu.memory_space<vmem>>, vector<64x1xf32>,
    } else {
    }
    %eq3A_41 = arith.constant 4 : i32
    %eq3A_42 = arith.cmpi eq, %arg0, %eq3A_41 : i32
    %convert_element_type3A_43 = arith.extui %eq3A_42 : i1 to i32
    %cond3A_44 = arith.constant 0 : i32
    %cond3A_45 = arith.cmpi ne, %convert_element_type3A_43, %cond3A_44 : i32
    scf.if %cond3A_45 {
      %get3A_46 = arith.constant 0 : index
      %get3A_47 = arith.constant 0 : index
      %get3A_48 = vector.load %arg9[%get3A_46, %get3A_47] : memref<64x128xf32, #tpu.memory_space<vmem>>, vector<64x128xf32>
      %get3A_49 = arith.constant 0 : index
      %get3A_50 = arith.constant 0 : index
      %get3A_51 = vector.load %arg10[%get3A_49, %get3A_50] : memref<64x1xf32, #tpu.memory_space<vmem>>, vector<64x1xf32>
      %max3A_52 = arith.constant 1.000000e+00 : f32
      %max3A_53 = vector.broadcast %max3A_52 : f32 to vector<64x1xf32>
      %max3A_54 = arith.maximumf %get3A_51, %max3A_53 : vector<64x1xf32>
      %div3A = vector.broadcast %max3A_54 : vector<64x1xf32> to vector<64x128xf32>
      %div3A_55 = arith.divf %get3A_48, %div3A : vector<64x128xf32>
      %get3A_56 = arith.constant 0 : index
      %get3A_57 = arith.constant 0 : index
      %get3A_58 = vector.load %arg7[%get3A_56, %get3A_57] : memref<128x26xf32, #tpu.memory_space<vmem>>, vector<128x26xf32>
      %dot_general3A_59 = arith.constant dense<0.000000e+00> : vector<64x26xf32>
      %dot_general3A_60 = tpu.matmul %div3A_55, %get3A_58, %dot_general3A_59 {dimension_numbers = #tpu.dot_dimension_numbers<[1], [0], [0], [1], [0, 0, 1, 1], [], []>, transpose_lhs_hint = false} : vector<64x128xf32>, vector<128x26xf32>, vector<64x26xf32> -> vector<64x26xf32>
      %get3A_61 = arith.constant 0 : index
      %get3A_62 = arith.constant 0 : index
      %get3A_63 = vector.load %arg8[%get3A_61, %get3A_62] : memref<1x26xf32, #tpu.memory_space<vmem>>, vector<1x26xf32>
      %add3A_64 = vector.broadcast %get3A_63 : vector<1x26xf32> to vector<64x26xf32>
      %add3A_65 = arith.addf %dot_general3A_60, %add3A_64 : vector<64x26xf32>
      %reduce_max3A = arith.constant dense<0xFF800000> : vector<64xf32>
      %reduce_max3A_66 = vector.multi_reduction <maximumf>, %add3A_65, %reduce_max3A [1] : vector<64x26xf32> to vector<64xf32>
      %broadcast_in_dim3A_67 = vector.shape_cast %reduce_max3A_66 : vector<64xf32> to vector<64x1xf32>
      %sub3A = vector.broadcast %broadcast_in_dim3A_67 : vector<64x1xf32> to vector<64x26xf32>
      %sub3A_68 = arith.subf %add3A_65, %sub3A : vector<64x26xf32>
      %exp3A = math.exp %sub3A_68 : vector<64x26xf32>
      %reduce_sum3A = arith.constant dense<0.000000e+00> : vector<64xf32>
      %reduce_sum3A_69 = vector.multi_reduction <add>, %exp3A, %reduce_sum3A [1] : vector<64x26xf32> to vector<64xf32>
      %broadcast_in_dim3A_70 = vector.shape_cast %reduce_sum3A_69 : vector<64xf32> to vector<64x1xf32>
      %div3A_71 = vector.broadcast %broadcast_in_dim3A_70 : vector<64x1xf32> to vector<64x26xf32>
      %div3A_72 = arith.divf %exp3A, %div3A_71 : vector<64x26xf32>
      %swap3A = arith.constant 0 : index
      %swap3A_73 = arith.constant 0 : index
      %swap3A_74 = vector.load %arg11[%swap3A, %swap3A_73] : memref<64x26xf32, #tpu.memory_space<vmem>>, vector<64x26xf32>
      tpu.vector_store %arg11[%swap3A, %swap3A_73], %div3A_72 {strides = array<i32>} : memref<64x26xf32, #tpu.memory_space<vmem>>, vector<64x26xf32>,
    } else {
    }
    return
  }
  func.func @transform_0(%arg0: i32) -> (i32, i32, i32) {
    %c0_i32 = arith.constant 0 : i32
    %c0_i32_0 = arith.constant 0 : i32
    %c0_i32_1 = arith.constant 0 : i32
    return %c0_i32, %arg0, %c0_i32_0 : i32, i32, i32
  }
  func.func @transform_1(%arg0: i32) -> (i32, i32, i32) {
    %c1_i32 = arith.constant 1 : i32
    %c0_i32 = arith.constant 0 : i32
    %c0_i32_0 = arith.constant 0 : i32
    return %c1_i32, %arg0, %c0_i32 : i32, i32, i32
  }
  func.func @transform_2(%arg0: i32) -> (i32, i32) {
    %c0_i32 = arith.constant 0 : i32
    %c0_i32_0 = arith.constant 0 : i32
    return %arg0, %c0_i32 : i32, i32
  }
  func.func @transform_3(%arg0: i32) -> (i32, i32) {
    %c0_i32 = arith.constant 0 : i32
    %c0_i32_0 = arith.constant 0 : i32
    return %arg0, %c0_i32 : i32, i32
  }
  func.func @transform_4(%arg0: i32) -> (i32, i32) {
    %c0_i32 = arith.constant 0 : i32
    %c0_i32_0 = arith.constant 0 : i32
    %c0_i32_1 = arith.constant 0 : i32
    return %c0_i32, %c0_i32_0 : i32, i32
  }
  func.func @transform_5(%arg0: i32) -> (i32, i32) {
    %c0_i32 = arith.constant 0 : i32
    %c0_i32_0 = arith.constant 0 : i32
    return %arg0, %c0_i32 : i32, i32
  }
  func.func @transform_6(%arg0: i32) -> (i32, i32) {
    %c0_i32 = arith.constant 0 : i32
    %c0_i32_0 = arith.constant 0 : i32
    %c0_i32_1 = arith.constant 0 : i32
    return %c0_i32, %c0_i32_0 : i32, i32
  }
  func.func @transform_7(%arg0: i32) -> (i32, i32) {
    %c0_i32 = arith.constant 0 : i32
    %c0_i32_0 = arith.constant 0 : i32
    %c0_i32_1 = arith.constant 0 : i32
    return %c0_i32, %c0_i32_0 : i32, i32
  }
  func.func @transform_8(%arg0: i32) -> (i32, i32) {
    %c0_i32 = arith.constant 0 : i32
    %c0_i32_0 = arith.constant 0 : i32
    %c0_i32_1 = arith.constant 0 : i32
    return %c0_i32, %c0_i32_0 : i32, i32
  }
  func.func @transform_9(%arg0: i32) -> (i32, i32) {
    %c0_i32 = arith.constant 0 : i32
    %c0_i32_0 = arith.constant 0 : i32
    %c0_i32_1 = arith.constant 0 : i32
    return %c0_i32, %c0_i32_0 : i32, i32
  }
  func.func @transform_10(%arg0: i32) -> (i32, i32) {
    %c0_i32 = arith.constant 0 : i32
    %c0_i32_0 = arith.constant 0 : i32
    %c0_i32_1 = arith.constant 0 : i32
    return %c0_i32, %c0_i32_0 : i32, i32
  }
}

</mosaic_0001>

<sc_bundles>
// kernel: kernel.11.cloned.1.call-start
scs
__scs_entry_jumppad:
0x0: {  	(pc) =	sbr.rel $0x88, $3  }
0x1: {  	(tag) =	ssettag $0x0;
	lr =	simm.s32 $0x1  }
0x2: {  	[smem:$0x3F98] =	sst lr;
	_ =	strace $0xD0000000  }
0x3: {  	_ = 	snop  }
0x4: {  	_ = 	snop  }
0x5: {  	_ = 	snop  }
0x6: {  	_ = 	snop  }
0x7: {  	_ = 	snop  }
__scs_overlays_trampoline_lowered:
0x8: {  	[smem:$0x3FA7] =	sst s0  }
0x9: {  	[smem:$0x3FA8] =	sst s1  }
0xa: {  	[smem:$0x3FA9] =	sst s2  }
0xb: {  	[smem:$0x3FAA] =	sst s3  }
0xc: {  	[smem:$0x3FAB] =	sst s4  }
0xd: {  	[smem:$0x3FAC] =	sst s5  }
0xe: {  	[smem:$0x3FAD] =	sst s6  }
0xf: {  	[smem:$0x3FAE] =	sst s7  }
0x10: {  	[smem:$0x3FAF] =	sst s8  }
0x11: {  	[smem:$0x3FB0] =	sst s9;
	s0 =	simm.s32 @!p0 $0x0  }
0x12: {  	s1 =	sld [smem:$0x3F96];
	s0 =	simm.s32 @p0 $0x1  }
0x13: {  	[smem:$0x3FB1] =	sst s0;
	s0 =	simm.s32 @!p1 $0x0  }
0x14: {  	s2 =	sld [smem:$0x3F95];
	s0 =	simm.s32 @p1 $0x1  }
0x15: {  	[smem:$0x3FB2] =	sst s0;
	s0 =	simm.s32 @!p2 $0x0  }
0x16: {  	s3 =	sld [smem:$0x3FDB];
	s0 =	simm.s32 @p2 $0x1  }
0x17: {  	s4 =	simm.s32 $0x1BF5;
	[smem:$0x3FB4] =	sst s0  }
0x18: {  	s0 =	sld [smem:$0x3F97];
	_ =	swait.ge [sflag:s4], $0x0  }
0x19: {  	s7 =	sld [smem:$0x3F98]  }
0x1a: {  	s8 =	sadd.s32 $0xFFFFE003, lr  }
0x1b: {  	s9 =	sadd.s32 $0xFFFFFEF7, lr;
	s5 =	simm.s32 $0xFFFFFFFF;
	p2 =	slt.u32 s8, $0xFFFFF086  }
0x1c: {  	p1 =	slt.u32 s9, $0xF7A;
	s5 =	simm.s32 @!p2 $0x0  }
0x1d: {  	s5 =	simm.s32 @p1 $0x1;
	p0 =	seq.s32 s7, s2  }
0x1e: {  	s7 =	smul.u32 @!p0 $0xF7A, s2;
	p2 =	seq.s32 @!p0 s5, $0x0  }
0x1f: {  	s9 =	smul.u32 $0xF7A, s1;
	s8 =	simm.s32 @!p0 $0x1BF5;
	p2 =	por !p2, p0  }
0x20: {  	[sflag:s8] =	ssyncset.s32 @!p0 $0xFFFFF086;
	s6 =	sadd.s32 @!p0 s3, s7;
	s7 =	simm.s32 @!p0 $0x108  }
0x21: {  	s3 =	sadd.s32 s3, s9;
	s6 =	sadd.s32 @!p0 $0x88, s6;
	s7 =	simm.s32 @p2 $0x1082  }
0x22: {  	[simem:s7], [sflag:s8] =	dma.local @!p0 [hbm:s6], $0xF7A  }
0x23: {  	s9 =	sor.u32 $0xD0000000, s2;
	s6 =	simm.s32 $0x108;
	_ =	swait.ge @!p0 [sflag:s8], $0x0  }
0x24: {  	s3 =	sadd.s32 $0x88, s3;
	s6 =	simm.s32 @!p1 $0x1082;
	[sflag:s4] =	ssyncset.s32 $0xFFFFF086  }
0x25: {  	[simem:s6], [sflag:s4] =	dma.local [hbm:s3], $0xF7A  }
0x26: {  	[smem:$0x3F98] =	sst s1;
	(tag) =	ssettag s2;
	_ =	strace s9  }
0x27: {  	s1 =	sld [smem:$0x3FA8]  }
0x28: {  	s2 =	sld [smem:$0x3FA9]  }
0x29: {  	s4 =	sld [smem:$0x3FAB]  }
0x2a: {  	p0 =	seq.s32 s5, $0x0;
	s5 =	sld [smem:$0x3FAC]  }
0x2b: {  	s6 =	sld [smem:$0x3FAD]  }
0x2c: {  	s7 =	sld [smem:$0x3FAE]  }
0x2d: {  	s3 =	simm.s32 $0x108;
	s8 =	sld [smem:$0x3FAF]  }
0x2e: {  	s3 =	simm.s32 @!p0 $0x1082;
	s9 =	sld [smem:$0x3FB0]  }
0x2f: {  	lr =	sadd.s32 s0, s3;
	s0 =	sld [smem:$0x3FA7]  }
0x30: {  	s3 =	sld [smem:$0x3FAA]  }
0x31: {  	[smem:$0x3FB3] =	sst s10  }
0x32: {  	s10 =	sld [smem:$0x3FB1];
	_ =	sdelay $0x3  }
0x33: {  	p0 =	seq.s32 s10, $0x1;
	s10 =	sld [smem:$0x3FB3];
	_ =	sdelay $0x3  }
0x34: {  	[smem:$0x3FB3] =	sst s10  }
0x35: {  	s10 =	sld [smem:$0x3FB2];
	_ =	sdelay $0x3  }
0x36: {  	p1 =	seq.s32 s10, $0x1;
	s10 =	sld [smem:$0x3FB3];
	_ =	sdelay $0x3  }
0x37: {  	[smem:$0x3FB3] =	sst s10  }
0x38: {  	s10 =	sld [smem:$0x3FB4]  }
0x39: {  	_ = 	snop;
	(pc) =	sbr.ind lr, $3  }
0x3a: {  	_ = 	snop  }
0x3b: {  	_ = 	snop  }
0x3c: {  	p2 =	seq.s32 s10, $0x1;
	s10 =	sld [smem:$0x3FB3]  }
0x3d: {  	_ =	shalt  }
0x3e: {  	_ =	shalt  }
0x3f: {  	_ =	shalt  }
0x40: {  	_ =	shalt  }
0x41: {  	_ =	shalt  }
0x42: {  	_ =	shalt  }
0x43: {  	_ =	shalt  }
0x44: {  	_ =	shalt  }
0x45: {  	_ =	shalt  }
0x46: {  	_ =	shalt  }
0x47: {  	_ =	shalt  }
0x48: {  	_ =	shalt  }
0x49: {  	_ =	shalt  }
0x4a: {  	_ =	shalt  }
0x4b: {  	_ =	shalt  }
0x4c: {  	_ =	shalt  }
0x4d: {  	_ =	shalt  }
0x4e: {  	_ =	shalt  }
0x4f: {  	_ =	shalt  }
0x50: {  	_ =	shalt  }
0x51: {  	_ =	shalt  }
0x52: {  	_ =	shalt  }
0x53: {  	_ =	shalt  }
0x54: {  	_ =	shalt  }
0x55: {  	_ =	shalt  }
0x56: {  	_ =	shalt  }
0x57: {  	_ =	shalt  }
0x58: {  	_ =	shalt  }
0x59: {  	_ =	shalt  }
0x5a: {  	_ =	shalt  }
0x5b: {  	_ =	shalt  }
0x5c: {  	_ =	shalt  }
0x5d: {  	_ =	shalt  }
0x5e: {  	_ =	shalt  }
0x5f: {  	_ =	shalt  }
0x60: {  	_ =	shalt  }
0x61: {  	_ =	shalt  }
0x62: {  	_ =	shalt  }
0x63: {  	_ =	shalt  }
0x64: {  	_ =	shalt  }
0x65: {  	_ =	shalt  }
0x66: {  	_ =	shalt  }
0x67: {  	_ =	shalt  }
0x68: {  	_ =	shalt  }
0x69: {  	_ =	shalt  }
0x6a: {  	_ =	shalt  }
0x6b: {  	_ =	shalt  }
0x6c: {  	_ =	shalt  }
0x6d: {  	_ =	shalt  }
0x6e: {  	_ =	shalt  }
0x6f: {  	_ =	shalt  }
0x70: {  	_ =	shalt  }
0x71: {  	_ =	shalt  }
0x72: {  	_ =	shalt  }
0x73: {  	_ =	shalt  }
0x74: {  	_ =	shalt  }
0x75: {  	_ =	shalt  }
0x76: {  	_ =	shalt  }
0x77: {  	_ =	shalt  }
0x78: {  	_ =	shalt  }
0x79: {  	_ =	shalt  }
0x7a: {  	_ =	shalt  }
0x7b: {  	_ =	shalt  }
0x7c: {  	_ =	shalt  }
0x7d: {  	_ =	shalt  }
0x7e: {  	_ =	shalt  }
0x7f: {  	_ =	shalt  }
0x80: {  	_ =	shalt  }
0x81: {  	_ =	shalt  }
0x82: {  	_ =	shalt  }
0x83: {  	_ =	shalt  }
0x84: {  	_ =	shalt  }
0x85: {  	_ =	shalt  }
0x86: {  	_ =	shalt  }
0x87: {  	_ =	shalt  }
.Lfunc_end0:
.L_simem_size_0:
called_computation.1_lowered:
.L_overlay_start_0:
0x88: {  	s2 =	sld [smem:$0x3FD9]  }
0x89: {  	s3 =	sld [smem:$0x3FFE];
	_ =	sdelay $0x1  }
0x8a: {  	s1 =	srdreg.scid  }
0x8b: {  	s0 =	sand.u32 $0x1, s1  }
0x8c: {  	s16 =	sshll.u32 s0, $0xA;
	s2 =	sadd.s32 s3, s2  }
0x8d: {  	s2 =	sadd.s32 s2, s16  }
0x8e: {  	[smem:$0x3FBF] =	sst s2  }
0x8f: {  	_ = 	snop  }
0x90: {  	(tm) =	ssettm $0x1  }
0x91: {  	s17 =	sld [smem:$0x3FFB];
	_ =	sdelay $0x3  }
0x92: {  	_ =	strace s17  }
0x93: {  	s2 =	sld [smem:$0x3FFC];
	_ =	sdelay $0x3  }
0x94: {  	_ =	strace s2  }
0x95: {  	s2 =	sld [smem:$0x3FFD];
	_ =	sdelay $0x3  }
0x96: {  	_ =	strace s2  }
0x97: {  	_ =	strace $0x8FFFFFFF  }
0x98: {  	s18 =	sld [smem:$0x3FDB];
	_ =	sdelay $0x1  }
0x99: {  	s19 =	simm.s32 $_scs_section_size  }
0x9a: {  	s4 =	simm.s32 $_size__tile_overlayer_lowered;
	s5 =	simm.s32 $_tile_overlayer_lowered  }
0x9b: {  	s22 =	simm.s32 $0x1BFF;
	s21 =	sshll.u32 s5, $0x1;
	s2 =	sadd.s32 s19, s18  }
0x9c: {  	s6 =	simm.s32 $0x0;
	s20 =	sshll.u32 s4, $0x1;
	s4 =	sadd.s32 s21, s2  }
0x9d: {  	[timem:s6], [sflag:s22] =	dma.local [hbm:s4], s20  }
0x9e: {  	_ =	swait.ge [sflag:s22], s20  }
0x9f: {  	s3 =	ssub.s32 $0x0, s20;
	[sflag:s22] =	ssyncset.done $0x0  }
0xa0: {  	[sflag:s22] =	ssyncadd.s32 s3;
	_ =	sdelay $0x1  }
0xa1: {  	s23 =	simm.s32 $0x1B8B  }
0xa2: {  	_ =	swait.ge [sflag:s23], $0x1  }
0xa3: {  	[sflag:s23] =	ssyncset.done $0x0  }
0xa4: {  	s25 =	simm.s32 $0x1B8E;
	s24 =	sld [smem:$0x3FFE];
	[sflag:s23] =	ssyncadd.s32 $0xFFFFFFFF  }
0xa5: {  	s26 =	simm.s32 $execute0_lowered;
	[smem:$0x3FD2] =	sst s25  }
0xa6: {  	s4 =	sshll.u32 s26, $0x1;
	_ =	strace $0x80000049;
	[dreg:$0x1] =	wrdreg $0xFFFFFFFF  }
0xa7: {  	s28 =	simm.s32 $_size_execute0_lowered;
	s2 =	sadd.s32 s2, s4;
	[dreg:$0x0] =	wrdreg $0x0  }
0xa8: {  	s4 =	sshll.u32 s28, $0x1;
	[dreg:$0x2] =	wrdreg s2  }
0xa9: {  	[dreg:$0x3] =	wrdreg s4  }
0xaa: {  	[dreg:$0x4] =	wrdreg $0xC0  }
0xab: {  	_ =	task [dreg:s6], $0x5FFFF  }
0xac: {  	[dreg:$0x1] =	wrdreg $0xFFFFFFFF  }
0xad: {  	[dreg:$0x0] =	wrdreg $0x60  }
0xae: {  	[dreg:$0x2] =	wrdreg s24  }
0xaf: {  	[dreg:$0x3] =	wrdreg $0xA8000  }
0xb0: {  	[dreg:$0x4] =	wrdreg $0x9  }
0xb1: {  	_ =	task.clear_ibuf [dreg:s6], $0x5FFFF;
	_ =	strace $0x90000049  }
0xb2: {  	s29 =	simm.s32 $0x9;
	_ =	strace $0x8000004B  }
0xb3: {  	_ =	swait.ge [sflag:s29], $0x1  }
0xb4: {  	[sflag:s29] =	ssyncadd.s32 $0xFFFFFFFF  }
0xb5: {  	_ =	strace $0x9000004B  }
0xb6: {  	_ =	sfence  }
0xb7: {  	s30 =	sld [smem:$0x0];
	_ =	sdelay $0x2  }
0xb8: {  	s31 =	sshll.u32 s1, $0xD;
	s1 =	sshrl.u32 s1, $0x2  }
0xb9: {  	s3 =	sand.u32 $0x4000, s31;
	s1 =	sadd.s32 s1, s30  }
0xba: {  	s0 =	sor.u32 s3, s0;
	s1 =	sshll.u32 s1, $0x11  }
0xbb: {  	s0 =	sor.u32 s1, s0  }
0xbc: {  	s0 =	sadd.s32 $0x8F2B, s0  }
0xbd: {  	[sflag:s0] =	ssyncadd.remote.s32 $0x1  }
0xbe: {  	_ =	sfence.sel $0xFFFF  }
0xbf: {  	[dreg:$0x0] =	wrdreg $0xFFFFFFFF;
	(pc) =	sbr.abs _section_cstart, $3  }
0xc0: {  	[dreg:$0x1] =	wrdreg $0xFFFFFFFF  }
0xc1: {  	_ =	task.clear_ibuf [dreg:s6], $0x2FFFF;
	_ =	strace $0x9FFFFFFF  }
0xc2: {  	(tm) =	ssettm $0x7FFFFFFF  }
0xc3: {  	_ =	shalt  }
tec
execute0_lowered:
.L_overlay_start_1:
0x0: {  	(tag) =	ssettag $0x1  }
0x1: {  	s0 =	rddreg [dreg:$0x0]  }
0x2: {  	s1 =	rddreg [dreg:$0x1];
	s2 =	srdreg.scid  }
0x3: {  	s4 =	simm.s32 $0x0;
	s8 =	stileid.u32;
	s28 =	simm.s32 $0x1  }
0x4: {  	s30 =	simm.s32 $0x8800;
	s31 =	simm.s32 $0x2;
	s9 =	simm.s32 $0x6  }
0x5: {  	s10 =	simm.s32 $0x280;
	s11 =	simm.s32 $0x4;
	s12 =	simm.s32 $0x1580  }
0x6: {  	s13 =	simm.s32 $0x7;
	s14 =	simm.s32 $0x300;
	s15 =	simm.s32 $0x8  }
0x7: {  	s2 =	sand.u32 $0x1, s2;
	[smem:$0x7FF] =	sst s4;
	s6 =	smul.u32 $0x50000, s8  }
0x8: {  	s5 =	smul.u32 $0x14000, s8;
	s4 =	sadd.s32 $0x2A000, s0;
	s17 =	sshll.u32 s8, $0x1  }
0x9: {  	s8 =	simm.s32 $0x1500;
	s3 =	smul.u32 $0x140000, s2;
	s6 =	sshrl.u32 s6, $0x2  }
0xa: {  	_ =	strace $0x8000004A;
	s7 =	ssub.s32 $0x2, s2;
	s25 =	sadd.s32 s6, s1  }
0xb: {  	s2 =	sor.u32 s2, s17;
	s6 =	sadd.s32 $0x2000, s25;
	[dreg:$0x3] =	wrdreg s25  }
0xc: {  	s16 =	sshrl.u32 s7, $0x1;
	s18 =	sadd.s32 $0x4000, s25;
	[dreg:$0x4] =	wrdreg s6  }
0xd: {  	p0 =	seq.s32 s2, $0x1F;
	s19 =	sadd.s32 $0x6000, s25;
	[dreg:$0x5] =	wrdreg s18  }
0xe: {  	s3 =	sadd.s32 s5, s3;
	s20 =	sadd.s32 $0x8000, s25;
	[dreg:$0x6] =	wrdreg s19  }
0xf: {  	s5 =	sadd.s32 $0x2E00, s0;
	s21 =	sadd.s32 $0xA000, s25;
	[dreg:$0x7] =	wrdreg s20  }
0x10: {  	s3 =	sshrl.u32 s3, $0x3;
	s22 =	sadd.s32 $0xC000, s25;
	[dreg:$0x8] =	wrdreg s21  }
0x11: {  	s23 =	sadd.s32 $0xE000, s25;
	s24 =	sadd.s32 $0x10000, s25;
	[dreg:$0x9] =	wrdreg s22  }
0x12: {  	s26 =	sadd.s32 $0x12000, s25;
	s0 =	sadd.s32 s3, s0;
	[dreg:$0xa] =	wrdreg s23  }
0x13: {  	s3 =	ssub.s32 s7, s16;
	[dreg:$0xb] =	wrdreg s24;
	s16 =	smul.u32 $0xA0, s2  }
.Ltmp0:
0x14: {  	[dreg:$0xc] =	wrdreg s26;
	s19 =	simm.s32 $0x2800;
	(pc) =	sbr.rel .LBB2_1-.Ltmp0, $4  }
0x15: {  	s20 =	simm.s32 $0x9;
	s21 =	simm.s32 $0x1400;
	s22 =	simm.s32 $0x40  }
0x16: {  	s24 =	simm.s32 $0x4800;
	s26 =	simm.s32 $0x6800;
	s0 =	sadd.s32 $0x51200, s0  }
0x17: {  	s2 =	simm.s32 $0x5;
	s29 =	smax.u32 s3, $0x1;
	[dreg:$0xd] =	wrdreg s0  }
0x18: {  	v0 =	vimm.f32 $0.0e+00;
	s7 =	simm.s32 $0x3;
	s3 =	simm.s32 $0x0;
	[dreg:$0xe] =	wrdreg s29  }
.LBB2_8:
0x19: {  	s0 =	stileid.u32;
	[bflag:$0x0] =	sbarrier.arrive $0xFFFF  }
0x1a: {  	s0 =	sshll.u32 s0, $0x6;
	s25 =	rddreg [dreg:$0x3]  }
0x1b: {  	s6 =	rddreg [dreg:$0xd];
	s0 =	sor.u32 $0x1C09, s0;
	s3 =	sshrl.u32 s25, $0x3  }
0x1c: {  	[hbm:s6], [sflag:s0] =	dma.local [spmem:s3], $0x2800  }
0x1d: {  	_ =	swait.ge [sflag:s20], $0x2800  }
0x1e: {  	s23 =	rddreg [dreg:$0xf]  }
0x1f: {  	s29 =	rddreg [dreg:$0xe];
	s3 =	sadd.s32 $0x1, s23  }
0x20: {  	p1 =	sne.s32 s3, s29  }
.Ltmp1:
0x21: {  	_ = 	snop;
	(pc) =	sbr.rel @!p1 .LBB2_9-.Ltmp1, $3  }
0x22: {  	_ =	sdelay $0x1  }
0x23: {  	[sflag:s20] =	ssyncset.done $0x0  }
0x24: {  	[sflag:s20] =	ssyncadd.s32 $0xFFFFD800  }
.LBB2_1:
0x25: {  	s0 =	simm.s32 $0x0  }
0x26: {  	s6 =	sand.u32 $0x7E00, s0  }
0x27: {  	s17 =	sand.u32 $0x70, s0;
	s18 =	sshrl.u32 s6, $0x2  }
0x28: {  	s6 =	simm.s32 $0x40;
	s18 =	sor.u32 s17, s18;
	s17 =	simm.s32 $0x0  }
.LBB2_2:
0x29: {  	p1 =	sne.s32 s6, $0x7FC0  }
0x2a: {  	[tilespmem:s18+$0x2800] =	vst v0;
	s17 =	sadd.s32 $0x10, s17;
	s18 =	smov.u32 s6;
	s6 =	sadd.s32 $0x40, s6  }
.Ltmp2:
0x2b: {  	(pc) =	sbr.rel @p1 .LBB2_2-.Ltmp2, $4  }
0x2c: {  	_ = 	snop  }
0x2d: {  	s18 =	sand.u32 $0x7E00, s18  }
0x2e: {  	s23 =	sand.u32 $0x70, s17;
	s18 =	sshrl.u32 s18, $0x2  }
0x2f: {  	s18 =	sor.u32 s23, s18  }
0x30: {  	[dreg:$0xf] =	wrdreg s3;
	[tilespmem:s18+$0x2800] =	vst v0  }
0x31: {  	[spmem:s25] =	stream.linear.scatter [tilespmem:s19], [sflag:$0x9], $0x2000, $0x38;
	[tilespmem:$0x1E800] =	vst v63  }
0x32: {  	_ =	swait.ge [sflag:s20], $0x2000  }
0x33: {  	[sflag:s20] =	ssyncset.done $0x0  }
0x34: {  	s0 =	rddreg [dreg:$0x4];
	[sflag:s20] =	ssyncadd.s32 $0xFFFFE000  }
0x35: {  	[spmem:s0] =	stream.linear.scatter [tilespmem:s19], [sflag:$0x9], $0x2000, $0x38;
	[tilespmem:$0x1E800] =	vst v63  }
0x36: {  	_ =	swait.ge [sflag:s20], $0x2000  }
0x37: {  	[sflag:s20] =	ssyncset.done $0x0  }
0x38: {  	s29 =	rddreg [dreg:$0x5];
	[sflag:s20] =	ssyncadd.s32 $0xFFFFE000  }
0x39: {  	[spmem:s29] =	stream.linear.scatter [tilespmem:s19], [sflag:$0x9], $0x2000, $0x38;
	[tilespmem:$0x1E800] =	vst v63  }
0x3a: {  	_ =	swait.ge [sflag:s20], $0x2000  }
0x3b: {  	[sflag:s20] =	ssyncset.done $0x0  }
0x3c: {  	s3 =	rddreg [dreg:$0x6];
	[sflag:s20] =	ssyncadd.s32 $0xFFFFE000  }
0x3d: {  	[spmem:s3] =	stream.linear.scatter [tilespmem:s19], [sflag:$0x9], $0x2000, $0x38;
	[tilespmem:$0x1E800] =	vst v63  }
0x3e: {  	_ =	swait.ge [sflag:s20], $0x2000  }
0x3f: {  	[sflag:s20] =	ssyncset.done $0x0  }
0x40: {  	s6 =	rddreg [dreg:$0x7];
	[sflag:s20] =	ssyncadd.s32 $0xFFFFE000  }
0x41: {  	[spmem:s6] =	stream.linear.scatter [tilespmem:s19], [sflag:$0x9], $0x2000, $0x38;
	[tilespmem:$0x1E800] =	vst v63  }
0x42: {  	_ =	swait.ge [sflag:s20], $0x2000  }
0x43: {  	[sflag:s20] =	ssyncset.done $0x0  }
0x44: {  	s17 =	rddreg [dreg:$0x8];
	[sflag:s20] =	ssyncadd.s32 $0xFFFFE000  }
0x45: {  	[spmem:s17] =	stream.linear.scatter [tilespmem:s19], [sflag:$0x9], $0x2000, $0x38;
	[tilespmem:$0x1E800] =	vst v63  }
0x46: {  	_ =	swait.ge [sflag:s20], $0x2000  }
0x47: {  	[sflag:s20] =	ssyncset.done $0x0  }
0x48: {  	s18 =	rddreg [dreg:$0x9];
	[sflag:s20] =	ssyncadd.s32 $0xFFFFE000  }
0x49: {  	[spmem:s18] =	stream.linear.scatter [tilespmem:s19], [sflag:$0x9], $0x2000, $0x38;
	[tilespmem:$0x1E800] =	vst v63  }
0x4a: {  	_ =	swait.ge [sflag:s20], $0x2000  }
0x4b: {  	[sflag:s20] =	ssyncset.done $0x0  }
0x4c: {  	s23 =	rddreg [dreg:$0xa];
	[sflag:s20] =	ssyncadd.s32 $0xFFFFE000  }
0x4d: {  	[spmem:s23] =	stream.linear.scatter [tilespmem:s19], [sflag:$0x9], $0x2000, $0x38;
	[tilespmem:$0x1E800] =	vst v63  }
0x4e: {  	_ =	swait.ge [sflag:s20], $0x2000  }
0x4f: {  	[sflag:s20] =	ssyncset.done $0x0  }
0x50: {  	s25 =	rddreg [dreg:$0xb];
	[sflag:s20] =	ssyncadd.s32 $0xFFFFE000  }
0x51: {  	[spmem:s25] =	stream.linear.scatter [tilespmem:s19], [sflag:$0x9], $0x2000, $0x38;
	[tilespmem:$0x1E800] =	vst v63  }
0x52: {  	_ =	swait.ge [sflag:s20], $0x2000  }
0x53: {  	[sflag:s20] =	ssyncset.done $0x0  }
0x54: {  	s29 =	rddreg [dreg:$0xc];
	[sflag:s20] =	ssyncadd.s32 $0xFFFFE000  }
0x55: {  	[spmem:s29] =	stream.linear.scatter [tilespmem:s19], [sflag:$0x9], $0x2000, $0x38;
	[tilespmem:$0x1E800] =	vst v63  }
.Ltmp3:
0x56: {  	_ =	swait.ge [sflag:s20], $0x2000;
	(pc) =	sbr.rel .LBB2_4-.Ltmp3, $4  }
0x57: {  	[sflag:s20] =	ssyncset.done $0x0  }
0x58: {  	[sflag:s20] =	ssyncadd.s32 $0xFFFFE000  }
0x59: {  	[bflag:$0x0] =	sbarrier.arrive $0xFFFF  }
0x5a: {  	s6 =	simm.s32 $0x0;
	s18 =	simm.s32 $0x0  }
.LBB2_7:
0x5b: {  	p1 =	slt.u32 @!p0 s6, $0x3  }
0x5c: {  	p1 =	por p0, !p1  }
.Ltmp4:
0x5d: {  	_ = 	snop;
	(pc) =	sbr.rel @p1 .LBB2_8-.Ltmp4, $4  }
0x5e: {  	_ = 	snop  }
0x5f: {  	_ =	swait.ge [sflag:s15], $0x2000  }
0x60: {  	[sflag:s15] =	ssyncset.done $0x0  }
0x61: {  	s6 =	sadd.s32 $0x1, s6;
	[sflag:s15] =	ssyncadd.s32 $0xFFFFE000  }
.LBB2_4:
0x62: {  	s17 =	smul.u32 $0x28, s6;
	_ =	sdelay $0x1  }
0x63: {  	s17 =	sadd.s32 s16, s17  }
0x64: {  	s17 =	sshll.u32 s17, $0x4  }
0x65: {  	s23 =	sadd.s32 s5, s17  }
0x66: {  	[tilespmem:s18], [sflag:$0x9] =	stream.linear.gather [hbm4b:s23+s18], $0x1400, $0x38;
	[tilespmem:$0x1E800] =	vst v63  }
0x67: {  	s17 =	sand.u32 $0x1FFFFFF0, s17;
	_ =	swait.ge [sflag:s20], $0x1400  }
0x68: {  	s17 =	sadd.s32 s5, s17;
	[sflag:s20] =	ssyncset.done $0x0  }
0x69: {  	s17 =	sadd.s32 $0x13880, s17;
	[sflag:s20] =	ssyncadd.s32 $0xFFFFEC00  }
0x6a: {  	[tilespmem:s21], [sflag:$0x9] =	stream.linear.gather [hbm4b:s17+s18], $0x1400, $0x38;
	[tilespmem:$0x1E800] =	vst v63  }
0x6b: {  	_ =	swait.ge [sflag:s20], $0x1400  }
0x6c: {  	[sflag:s20] =	ssyncset.done $0x0  }
0x6d: {  	[sflag:s20] =	ssyncadd.s32 $0xFFFFEC00  }
0x6e: {  	[tilespmem:s19], [sflag:$0x1] =	stream.indirect.gather [hbm4b:s4+s22], $0x80, s18, s22, $0xb8;
	[tilespmem:$0x1E800] =	vst v63  }
0x6f: {  	s0 =	simm.s32 $0x80  }
0x70: {  	[tilespmem:s24], [sflag:$0x2] =	stream.indirect.gather [hbm4b:s4+s22], $0x80, s0, s22, $0xb8;
	[tilespmem:$0x1E800] =	vst v63  }
0x71: {  	s17 =	simm.s32 $0x100  }
0x72: {  	[tilespmem:s26], [sflag:$0x3] =	stream.indirect.gather [hbm4b:s4+s22], $0x80, s17, s22, $0xb8;
	[tilespmem:$0x1E800] =	vst v63  }
0x73: {  	_ =	swait.ge [sflag:s28], $0x2000  }
0x74: {  	[sflag:s28] =	ssyncset.done $0x0  }
0x75: {  	[sflag:s28] =	ssyncadd.s32 $0xFFFFE000  }
0x76: {  	[spmem:s1] =	stream.indirect.scatter.add.f32 [tilespmem:s19], [sflag:$0x5], $0x80, s21, s22, $0xb8;
	[tilespmem:$0x1E800] =	vst v63  }
0x77: {  	s23 =	simm.s32 $0x180  }
0x78: {  	[tilespmem:s30], [sflag:$0x4] =	stream.indirect.gather [hbm4b:s4+s22], $0x80, s23, s22, $0xb8;
	[tilespmem:$0x1E800] =	vst v63  }
0x79: {  	_ =	swait.ge [sflag:s31], $0x2000  }
0x7a: {  	[sflag:s31] =	ssyncset.done $0x0  }
0x7b: {  	s25 =	simm.s32 $0x1480;
	[sflag:s31] =	ssyncadd.s32 $0xFFFFE000  }
0x7c: {  	[spmem:s1] =	stream.indirect.scatter.add.f32 [tilespmem:s24], [sflag:$0x6], $0x80, s25, s22, $0xb8;
	[tilespmem:$0x1E800] =	vst v63  }
0x7d: {  	_ =	swait.ge [sflag:s2], $0x2000  }
0x7e: {  	[sflag:s2] =	ssyncset.done $0x0  }
0x7f: {  	s29 =	simm.s32 $0x200;
	[sflag:s2] =	ssyncadd.s32 $0xFFFFE000  }
0x80: {  	[tilespmem:s19], [sflag:$0x1] =	stream.indirect.gather [hbm4b:s4+s22], $0x80, s29, s22, $0xb8;
	[tilespmem:$0x1E800] =	vst v63  }
0x81: {  	_ =	swait.ge [sflag:s7], $0x2000  }
0x82: {  	[sflag:s7] =	ssyncset.done $0x0  }
0x83: {  	[sflag:s7] =	ssyncadd.s32 $0xFFFFE000  }
0x84: {  	[spmem:s1] =	stream.indirect.scatter.add.f32 [tilespmem:s26], [sflag:$0x7], $0x80, s8, s22, $0xb8;
	[tilespmem:$0x1E800] =	vst v63  }
0x85: {  	_ =	swait.ge [sflag:s9], $0x2000  }
0x86: {  	[sflag:s9] =	ssyncset.done $0x0  }
0x87: {  	[sflag:s9] =	ssyncadd.s32 $0xFFFFE000  }
0x88: {  	[tilespmem:s24], [sflag:$0x2] =	stream.indirect.gather [hbm4b:s4+s22], $0x80, s10, s22, $0xb8;
	[tilespmem:$0x1E800] =	vst v63  }
0x89: {  	_ =	swait.ge [sflag:s11], $0x2000  }
0x8a: {  	[sflag:s11] =	ssyncset.done $0x0  }
0x8b: {  	[sflag:s11] =	ssyncadd.s32 $0xFFFFE000  }
0x8c: {  	[spmem:s1] =	stream.indirect.scatter.add.f32 [tilespmem:s30], [sflag:$0x8], $0x80, s12, s22, $0xb8;
	[tilespmem:$0x1E800] =	vst v63  }
0x8d: {  	_ =	swait.ge [sflag:s13], $0x2000  }
0x8e: {  	[sflag:s13] =	ssyncset.done $0x0  }
0x8f: {  	s17 =	simm.s32 $0x0;
	[sflag:s13] =	ssyncadd.s32 $0xFFFFE000  }
0x90: {  	[tilespmem:s26], [sflag:$0x3] =	stream.indirect.gather [hbm4b:s4+s22], $0x80, s14, s22, $0xb8;
	[tilespmem:$0x1E800] =	vst v63  }
.LBB2_5:
0x91: {  	_ =	swait.ge [sflag:s28], $0x2000  }
0x92: {  	s23 =	sshra.s32 s17, $0x2;
	[sflag:s28] =	ssyncset.done $0x0  }
0x93: {  	s25 =	sadd.s32 $0x1600, s23;
	[sflag:s28] =	ssyncadd.s32 $0xFFFFE000  }
0x94: {  	[spmem:s1] =	stream.indirect.scatter.add.f32 [tilespmem:s19], [sflag:$0x5], $0x80, s25, s22, $0xb8;
	[tilespmem:$0x1E800] =	vst v63  }
0x95: {  	_ =	swait.ge [sflag:s15], $0x2000  }
0x96: {  	[sflag:s15] =	ssyncset.done $0x0  }
0x97: {  	s0 =	sadd.s32 $0x380, s23;
	[sflag:s15] =	ssyncadd.s32 $0xFFFFE000  }
0x98: {  	[tilespmem:s30], [sflag:$0x4] =	stream.indirect.gather [hbm4b:s4+s22], $0x80, s0, s22, $0xb8;
	[tilespmem:$0x1E800] =	vst v63  }
0x99: {  	_ =	swait.ge [sflag:s31], $0x2000  }
0x9a: {  	[sflag:s31] =	ssyncset.done $0x0  }
0x9b: {  	s3 =	sadd.s32 $0x1680, s23;
	[sflag:s31] =	ssyncadd.s32 $0xFFFFE000  }
0x9c: {  	[spmem:s1] =	stream.indirect.scatter.add.f32 [tilespmem:s24], [sflag:$0x6], $0x80, s3, s22, $0xb8;
	[tilespmem:$0x1E800] =	vst v63  }
0x9d: {  	_ =	swait.ge [sflag:s2], $0x2000  }
0x9e: {  	p1 =	seq.s32 s17, $0x4000;
	[sflag:s2] =	ssyncset.done $0x0  }
0x9f: {  	s25 =	simm.s32 @p1 $0x3;
	[sflag:s2] =	ssyncadd.s32 $0xFFFFE000  }
0xa0: {  	_ =	swait.ge @p1 [sflag:s25], $0x2000  }
0xa1: {  	[sflag:s25] =	ssyncset.done @p1 $0x0  }
0xa2: {  	[sflag:s25] =	ssyncadd.s32 @p1 $0xFFFFE000;
	s25 =	sshra.s32 @p1 s17, $0x2  }
0xa3: {  	s29 =	simm.s32 @p1 $0x40;
	s0 =	simm.s32 @p1 $0x6800;
	s25 =	sadd.s32 @p1 $0x1700, s25  }
0xa4: {  	[spmem:s1] =	stream.indirect.scatter.add.f32 @p1 [tilespmem:s0], [sflag:$0x7], $0x80, s25, s29, $0xb8;
	[tilespmem:$0x1E800] =	vst v63  }
0xa5: {  	s0 =	simm.s32 @p1 $0x6  }
0xa6: {  	_ =	swait.ge @p1 [sflag:s0], $0x2000  }
0xa7: {  	[sflag:s0] =	ssyncset.done @p1 $0x0  }
0xa8: {  	[sflag:s0] =	ssyncadd.s32 @p1 $0xFFFFE000;
	s0 =	sshra.s32 @!p1 s17, $0x2  }
0xa9: {  	s3 =	simm.s32 @!p1 $0x2800;
	s29 =	simm.s32 @!p1 $0x40;
	s25 =	sadd.s32 @!p1 $0x400, s0  }
0xaa: {  	[tilespmem:s3], [sflag:$0x1] =	stream.indirect.gather @!p1 [hbm4b:s4+s29], $0x80, s25, s29, $0xb8;
	[tilespmem:$0x1E800] =	vst v63  }
0xab: {  	s3 =	simm.s32 @!p1 $0x3  }
0xac: {  	_ =	swait.ge @!p1 [sflag:s3], $0x2000  }
0xad: {  	[sflag:s3] =	ssyncset.done @!p1 $0x0  }
0xae: {  	s25 =	simm.s32 @!p1 $0x6800;
	[sflag:s3] =	ssyncadd.s32 @!p1 $0xFFFFE000;
	s3 =	sadd.s32 @!p1 $0x1700, s0  }
0xaf: {  	[spmem:s1] =	stream.indirect.scatter.add.f32 @!p1 [tilespmem:s25], [sflag:$0x7], $0x80, s3, s29, $0xb8;
	[tilespmem:$0x1E800] =	vst v63  }
0xb0: {  	s3 =	simm.s32 @!p1 $0x6  }
0xb1: {  	_ =	swait.ge @!p1 [sflag:s3], $0x2000  }
0xb2: {  	[sflag:s3] =	ssyncset.done @!p1 $0x0  }
0xb3: {  	s0 =	sadd.s32 @!p1 $0x480, s0;
	[sflag:s3] =	ssyncadd.s32 @!p1 $0xFFFFE000;
	s3 =	simm.s32 @!p1 $0x4800  }
0xb4: {  	[tilespmem:s3], [sflag:$0x2] =	stream.indirect.gather @!p1 [hbm4b:s4+s29], $0x80, s0, s29, $0xb8;
	[tilespmem:$0x1E800] =	vst v63  }
0xb5: {  	_ =	swait.ge [sflag:s11], $0x2000  }
0xb6: {  	[sflag:s11] =	ssyncset.done $0x0  }
.Ltmp5:
0xb7: {  	s29 =	sadd.s32 $0x1780, s23;
	[sflag:s11] =	ssyncadd.s32 $0xFFFFE000;
	(pc) =	sbr.rel @p1 .LBB2_7-.Ltmp5, $4  }
0xb8: {  	[spmem:s1] =	stream.indirect.scatter.add.f32 [tilespmem:s30], [sflag:$0x8], $0x80, s29, s22, $0xb8;
	[tilespmem:$0x1E800] =	vst v63  }
0xb9: {  	_ =	swait.ge [sflag:s13], $0x2000  }
0xba: {  	[sflag:s13] =	ssyncset.done $0x0  }
0xbb: {  	[sflag:s13] =	ssyncadd.s32 $0xFFFFE000  }
.Ltmp6:
0xbc: {  	(pc) =	sbr.rel .LBB2_5-.Ltmp6, $3  }
0xbd: {  	_ =	sdelay $0x1  }
0xbe: {  	s0 =	sadd.s32 $0x500, s23;
	s17 =	sadd.s32 $0x800, s17  }
0xbf: {  	[tilespmem:s26], [sflag:$0x3] =	stream.indirect.gather [hbm4b:s4+s22], $0x80, s0, s22, $0xb8;
	[tilespmem:$0x1E800] =	vst v63  }
.LBB2_9:
0xc0: {  	_ =	sfence.sel $0x180000  }
0xc1: {  	[bflag:$0x0] =	sbarrier.arrive $0xFFFF  }
0xc2: {  	_ =	strace $0x9000004A  }
0xc3: {  	s0 =	stileid.u32;
	[bflag:$0x2] =	sbarrier.arrive $0xFFFF  }
0xc4: {  	p0 =	sne.s32 s0, $0x0;
	s0 =	rddreg [dreg:$0x2]  }
0xc5: {  	s0 =	sadd.s32 @!p0 $0x100000, s0  }
0xc6: {  	[sflag:s0] =	ssyncadd.tile.s32 @!p0 $0x1;
	_ =	shalt  }
.Lfunc_end2:
_tile_overlayer_lowered:
.L_overlay_start_2:
0xc7: {  	(tag) =	ssettag $0x2  }
0xc8: {  	s0 =	rddreg [dreg:$0x0];
	s2 =	stileid.u32  }
0xc9: {  	s1 =	rddreg [dreg:$0x1];
	p0 =	sne.s32 s2, $0x0  }
0xca: {  	s3 =	rddreg [dreg:$0x2];
	[bflag:$0x3] =	sbarrier.arrive $0xFFFF;
	s2 =	simm.s32 @!p0 $0x1C09  }
0xcb: {  	[timem:s3], [sflag:s2] =	dma.local @!p0 [hbm:s0], s1  }
0xcc: {  	s0 =	simm.s32 @!p0 $0x9  }
0xcd: {  	_ =	swait.ge @!p0 [sflag:s0], s1  }
0xce: {  	s1 =	ssub.s32 @!p0 $0x0, s1;
	[sflag:s0] =	ssyncset.done @!p0 $0x0  }
0xcf: {  	[sflag:s0] =	ssyncadd.s32 @!p0 s1  }
0xd0: {  	[bflag:$0x3] =	sbarrier.arrive $0xFFFF  }
0xd1: {  	_ =	shalt  }

// kernel: kernel.14.cloned.1.call-start
scs
__scs_entry_jumppad:
0x0: {  	(pc) =	sbr.rel $0x88, $3  }
0x1: {  	(tag) =	ssettag $0x0;
	lr =	simm.s32 $0x1  }
0x2: {  	[smem:$0x3F98] =	sst lr;
	_ =	strace $0xD0000000  }
0x3: {  	_ = 	snop  }
0x4: {  	_ = 	snop  }
0x5: {  	_ = 	snop  }
0x6: {  	_ = 	snop  }
0x7: {  	_ = 	snop  }
__scs_overlays_trampoline_lowered:
0x8: {  	[smem:$0x3FA7] =	sst s0  }
0x9: {  	[smem:$0x3FA8] =	sst s1  }
0xa: {  	[smem:$0x3FA9] =	sst s2  }
0xb: {  	[smem:$0x3FAA] =	sst s3  }
0xc: {  	[smem:$0x3FAB] =	sst s4  }
0xd: {  	[smem:$0x3FAC] =	sst s5  }
0xe: {  	[smem:$0x3FAD] =	sst s6  }
0xf: {  	[smem:$0x3FAE] =	sst s7  }
0x10: {  	[smem:$0x3FAF] =	sst s8  }
0x11: {  	[smem:$0x3FB0] =	sst s9;
	s0 =	simm.s32 @!p0 $0x0  }
0x12: {  	s1 =	sld [smem:$0x3F96];
	s0 =	simm.s32 @p0 $0x1  }
0x13: {  	[smem:$0x3FB1] =	sst s0;
	s0 =	simm.s32 @!p1 $0x0  }
0x14: {  	s2 =	sld [smem:$0x3F95];
	s0 =	simm.s32 @p1 $0x1  }
0x15: {  	[smem:$0x3FB2] =	sst s0;
	s0 =	simm.s32 @!p2 $0x0  }
0x16: {  	s3 =	sld [smem:$0x3FDB];
	s0 =	simm.s32 @p2 $0x1  }
0x17: {  	s4 =	simm.s32 $0x1BF5;
	[smem:$0x3FB4] =	sst s0  }
0x18: {  	s0 =	sld [smem:$0x3F97];
	_ =	swait.ge [sflag:s4], $0x0  }
0x19: {  	s7 =	sld [smem:$0x3F98]  }
0x1a: {  	s8 =	sadd.s32 $0xFFFFE003, lr  }
0x1b: {  	s9 =	sadd.s32 $0xFFFFFEF7, lr;
	s5 =	simm.s32 $0xFFFFFFFF;
	p2 =	slt.u32 s8, $0xFFFFF086  }
0x1c: {  	p1 =	slt.u32 s9, $0xF7A;
	s5 =	simm.s32 @!p2 $0x0  }
0x1d: {  	s5 =	simm.s32 @p1 $0x1;
	p0 =	seq.s32 s7, s2  }
0x1e: {  	s7 =	smul.u32 @!p0 $0xF7A, s2;
	p2 =	seq.s32 @!p0 s5, $0x0  }
0x1f: {  	s9 =	smul.u32 $0xF7A, s1;
	s8 =	simm.s32 @!p0 $0x1BF5;
	p2 =	por !p2, p0  }
0x20: {  	[sflag:s8] =	ssyncset.s32 @!p0 $0xFFFFF086;
	s6 =	sadd.s32 @!p0 s3, s7;
	s7 =	simm.s32 @!p0 $0x108  }
0x21: {  	s3 =	sadd.s32 s3, s9;
	s6 =	sadd.s32 @!p0 $0x88, s6;
	s7 =	simm.s32 @p2 $0x1082  }
0x22: {  	[simem:s7], [sflag:s8] =	dma.local @!p0 [hbm:s6], $0xF7A  }
0x23: {  	s9 =	sor.u32 $0xD0000000, s2;
	s6 =	simm.s32 $0x108;
	_ =	swait.ge @!p0 [sflag:s8], $0x0  }
0x24: {  	s3 =	sadd.s32 $0x88, s3;
	s6 =	simm.s32 @!p1 $0x1082;
	[sflag:s4] =	ssyncset.s32 $0xFFFFF086  }
0x25: {  	[simem:s6], [sflag:s4] =	dma.local [hbm:s3], $0xF7A  }
0x26: {  	[smem:$0x3F98] =	sst s1;
	(tag) =	ssettag s2;
	_ =	strace s9  }
0x27: {  	s1 =	sld [smem:$0x3FA8]  }
0x28: {  	s2 =	sld [smem:$0x3FA9]  }
0x29: {  	s4 =	sld [smem:$0x3FAB]  }
0x2a: {  	p0 =	seq.s32 s5, $0x0;
	s5 =	sld [smem:$0x3FAC]  }
0x2b: {  	s6 =	sld [smem:$0x3FAD]  }
0x2c: {  	s7 =	sld [smem:$0x3FAE]  }
0x2d: {  	s3 =	simm.s32 $0x108;
	s8 =	sld [smem:$0x3FAF]  }
0x2e: {  	s3 =	simm.s32 @!p0 $0x1082;
	s9 =	sld [smem:$0x3FB0]  }
0x2f: {  	lr =	sadd.s32 s0, s3;
	s0 =	sld [smem:$0x3FA7]  }
0x30: {  	s3 =	sld [smem:$0x3FAA]  }
0x31: {  	[smem:$0x3FB3] =	sst s10  }
0x32: {  	s10 =	sld [smem:$0x3FB1];
	_ =	sdelay $0x3  }
0x33: {  	p0 =	seq.s32 s10, $0x1;
	s10 =	sld [smem:$0x3FB3];
	_ =	sdelay $0x3  }
0x34: {  	[smem:$0x3FB3] =	sst s10  }
0x35: {  	s10 =	sld [smem:$0x3FB2];
	_ =	sdelay $0x3  }
0x36: {  	p1 =	seq.s32 s10, $0x1;
	s10 =	sld [smem:$0x3FB3];
	_ =	sdelay $0x3  }
0x37: {  	[smem:$0x3FB3] =	sst s10  }
0x38: {  	s10 =	sld [smem:$0x3FB4]  }
0x39: {  	_ = 	snop;
	(pc) =	sbr.ind lr, $3  }
0x3a: {  	_ = 	snop  }
0x3b: {  	_ = 	snop  }
0x3c: {  	p2 =	seq.s32 s10, $0x1;
	s10 =	sld [smem:$0x3FB3]  }
0x3d: {  	_ =	shalt  }
0x3e: {  	_ =	shalt  }
0x3f: {  	_ =	shalt  }
0x40: {  	_ =	shalt  }
0x41: {  	_ =	shalt  }
0x42: {  	_ =	shalt  }
0x43: {  	_ =	shalt  }
0x44: {  	_ =	shalt  }
0x45: {  	_ =	shalt  }
0x46: {  	_ =	shalt  }
0x47: {  	_ =	shalt  }
0x48: {  	_ =	shalt  }
0x49: {  	_ =	shalt  }
0x4a: {  	_ =	shalt  }
0x4b: {  	_ =	shalt  }
0x4c: {  	_ =	shalt  }
0x4d: {  	_ =	shalt  }
0x4e: {  	_ =	shalt  }
0x4f: {  	_ =	shalt  }
0x50: {  	_ =	shalt  }
0x51: {  	_ =	shalt  }
0x52: {  	_ =	shalt  }
0x53: {  	_ =	shalt  }
0x54: {  	_ =	shalt  }
0x55: {  	_ =	shalt  }
0x56: {  	_ =	shalt  }
0x57: {  	_ =	shalt  }
0x58: {  	_ =	shalt  }
0x59: {  	_ =	shalt  }
0x5a: {  	_ =	shalt  }
0x5b: {  	_ =	shalt  }
0x5c: {  	_ =	shalt  }
0x5d: {  	_ =	shalt  }
0x5e: {  	_ =	shalt  }
0x5f: {  	_ =	shalt  }
0x60: {  	_ =	shalt  }
0x61: {  	_ =	shalt  }
0x62: {  	_ =	shalt  }
0x63: {  	_ =	shalt  }
0x64: {  	_ =	shalt  }
0x65: {  	_ =	shalt  }
0x66: {  	_ =	shalt  }
0x67: {  	_ =	shalt  }
0x68: {  	_ =	shalt  }
0x69: {  	_ =	shalt  }
0x6a: {  	_ =	shalt  }
0x6b: {  	_ =	shalt  }
0x6c: {  	_ =	shalt  }
0x6d: {  	_ =	shalt  }
0x6e: {  	_ =	shalt  }
0x6f: {  	_ =	shalt  }
0x70: {  	_ =	shalt  }
0x71: {  	_ =	shalt  }
0x72: {  	_ =	shalt  }
0x73: {  	_ =	shalt  }
0x74: {  	_ =	shalt  }
0x75: {  	_ =	shalt  }
0x76: {  	_ =	shalt  }
0x77: {  	_ =	shalt  }
0x78: {  	_ =	shalt  }
0x79: {  	_ =	shalt  }
0x7a: {  	_ =	shalt  }
0x7b: {  	_ =	shalt  }
0x7c: {  	_ =	shalt  }
0x7d: {  	_ =	shalt  }
0x7e: {  	_ =	shalt  }
0x7f: {  	_ =	shalt  }
0x80: {  	_ =	shalt  }
0x81: {  	_ =	shalt  }
0x82: {  	_ =	shalt  }
0x83: {  	_ =	shalt  }
0x84: {  	_ =	shalt  }
0x85: {  	_ =	shalt  }
0x86: {  	_ =	shalt  }
0x87: {  	_ =	shalt  }
.Lfunc_end0:
.L_simem_size_0:
called_computation.2_lowered:
.L_overlay_start_0:
0x88: {  	s2 =	sld [smem:$0x3FD9]  }
0x89: {  	s3 =	sld [smem:$0x3FFE];
	_ =	sdelay $0x1  }
0x8a: {  	s1 =	srdreg.scid  }
0x8b: {  	s0 =	sand.u32 $0x1, s1  }
0x8c: {  	s16 =	sshll.u32 s0, $0xA;
	s2 =	sadd.s32 s3, s2  }
0x8d: {  	s2 =	sadd.s32 s2, s16  }
0x8e: {  	[smem:$0x3FBF] =	sst s2  }
0x8f: {  	_ = 	snop  }
0x90: {  	(tm) =	ssettm $0x1  }
0x91: {  	s17 =	sld [smem:$0x3FFB];
	_ =	sdelay $0x3  }
0x92: {  	_ =	strace s17  }
0x93: {  	s2 =	sld [smem:$0x3FFC];
	_ =	sdelay $0x3  }
0x94: {  	_ =	strace s2  }
0x95: {  	s2 =	sld [smem:$0x3FFD];
	_ =	sdelay $0x3  }
0x96: {  	_ =	strace s2  }
0x97: {  	_ =	strace $0x8FFFFFFF  }
0x98: {  	s18 =	sld [smem:$0x3FDB];
	_ =	sdelay $0x1  }
0x99: {  	s19 =	simm.s32 $_scs_section_size  }
0x9a: {  	s4 =	simm.s32 $_size__tile_overlayer_lowered;
	s5 =	simm.s32 $_tile_overlayer_lowered  }
0x9b: {  	s22 =	simm.s32 $0x1BFF;
	s21 =	sshll.u32 s5, $0x1;
	s2 =	sadd.s32 s19, s18  }
0x9c: {  	s6 =	simm.s32 $0x0;
	s20 =	sshll.u32 s4, $0x1;
	s4 =	sadd.s32 s21, s2  }
0x9d: {  	[timem:s6], [sflag:s22] =	dma.local [hbm:s4], s20  }
0x9e: {  	_ =	swait.ge [sflag:s22], s20  }
0x9f: {  	s3 =	ssub.s32 $0x0, s20;
	[sflag:s22] =	ssyncset.done $0x0  }
0xa0: {  	[sflag:s22] =	ssyncadd.s32 s3;
	_ =	sdelay $0x1  }
0xa1: {  	s23 =	simm.s32 $0x1B8B  }
0xa2: {  	_ =	swait.ge [sflag:s23], $0x1  }
0xa3: {  	[sflag:s23] =	ssyncset.done $0x0  }
0xa4: {  	s25 =	simm.s32 $0x1B8E;
	s24 =	sld [smem:$0x3FFE];
	[sflag:s23] =	ssyncadd.s32 $0xFFFFFFFF  }
0xa5: {  	s26 =	simm.s32 $execute0_lowered;
	[smem:$0x3FD2] =	sst s25  }
0xa6: {  	s4 =	sshll.u32 s26, $0x1;
	_ =	strace $0x8000004C;
	[dreg:$0x1] =	wrdreg $0xFFFFFFFF  }
0xa7: {  	s28 =	simm.s32 $_size_execute0_lowered;
	s2 =	sadd.s32 s2, s4;
	[dreg:$0x0] =	wrdreg $0x0  }
0xa8: {  	s4 =	sshll.u32 s28, $0x1;
	[dreg:$0x2] =	wrdreg s2  }
0xa9: {  	[dreg:$0x3] =	wrdreg s4  }
0xaa: {  	[dreg:$0x4] =	wrdreg $0xC0  }
0xab: {  	_ =	task [dreg:s6], $0x5FFFF  }
0xac: {  	[dreg:$0x1] =	wrdreg $0xFFFFFFFF  }
0xad: {  	[dreg:$0x0] =	wrdreg $0x60  }
0xae: {  	[dreg:$0x2] =	wrdreg s24  }
0xaf: {  	[dreg:$0x3] =	wrdreg $0xA8000  }
0xb0: {  	[dreg:$0x4] =	wrdreg $0x9  }
0xb1: {  	_ =	task.clear_ibuf [dreg:s6], $0x5FFFF;
	_ =	strace $0x9000004C  }
0xb2: {  	s29 =	simm.s32 $0x9;
	_ =	strace $0x8000004E  }
0xb3: {  	_ =	swait.ge [sflag:s29], $0x1  }
0xb4: {  	[sflag:s29] =	ssyncadd.s32 $0xFFFFFFFF  }
0xb5: {  	_ =	strace $0x9000004E  }
0xb6: {  	_ =	sfence  }
0xb7: {  	s30 =	sld [smem:$0x0];
	_ =	sdelay $0x2  }
0xb8: {  	s31 =	sshll.u32 s1, $0xD;
	s1 =	sshrl.u32 s1, $0x2  }
0xb9: {  	s3 =	sand.u32 $0x4000, s31;
	s1 =	sadd.s32 s1, s30  }
0xba: {  	s0 =	sor.u32 s3, s0;
	s1 =	sshll.u32 s1, $0x11  }
0xbb: {  	s0 =	sor.u32 s1, s0  }
0xbc: {  	s0 =	sadd.s32 $0x8F2B, s0  }
0xbd: {  	[sflag:s0] =	ssyncadd.remote.s32 $0x1  }
0xbe: {  	_ =	sfence.sel $0xFFFF  }
0xbf: {  	[dreg:$0x0] =	wrdreg $0xFFFFFFFF;
	(pc) =	sbr.abs _section_cstart, $3  }
0xc0: {  	[dreg:$0x1] =	wrdreg $0xFFFFFFFF  }
0xc1: {  	_ =	task.clear_ibuf [dreg:s6], $0x2FFFF;
	_ =	strace $0x9FFFFFFF  }
0xc2: {  	(tm) =	ssettm $0x7FFFFFFF  }
0xc3: {  	_ =	shalt  }
tec
execute0_lowered:
.L_overlay_start_1:
0x0: {  	(tag) =	ssettag $0x1  }
0x1: {  	s0 =	rddreg [dreg:$0x0]  }
0x2: {  	s1 =	rddreg [dreg:$0x1];
	s2 =	srdreg.scid  }
0x3: {  	s4 =	simm.s32 $0x0;
	s8 =	stileid.u32;
	s28 =	simm.s32 $0x1  }
0x4: {  	s30 =	simm.s32 $0x8800;
	s31 =	simm.s32 $0x2;
	s9 =	simm.s32 $0x6  }
0x5: {  	s10 =	simm.s32 $0x280;
	s11 =	simm.s32 $0x4;
	s12 =	simm.s32 $0x1580  }
0x6: {  	s13 =	simm.s32 $0x7;
	s14 =	simm.s32 $0x300;
	s15 =	simm.s32 $0x8  }
0x7: {  	s2 =	sand.u32 $0x1, s2;
	[smem:$0x7FF] =	sst s4;
	s6 =	smul.u32 $0x50000, s8  }
0x8: {  	s5 =	smul.u32 $0x14000, s8;
	s4 =	sadd.s32 $0x2A000, s0;
	s17 =	sshll.u32 s8, $0x1  }
0x9: {  	s8 =	simm.s32 $0x1500;
	s3 =	smul.u32 $0x140000, s2;
	s6 =	sshrl.u32 s6, $0x2  }
0xa: {  	_ =	strace $0x8000004D;
	s7 =	ssub.s32 $0x2, s2;
	s25 =	sadd.s32 s6, s1  }
0xb: {  	s2 =	sor.u32 s2, s17;
	s6 =	sadd.s32 $0x2000, s25;
	[dreg:$0x3] =	wrdreg s25  }
0xc: {  	s16 =	sshrl.u32 s7, $0x1;
	s18 =	sadd.s32 $0x4000, s25;
	[dreg:$0x4] =	wrdreg s6  }
0xd: {  	p0 =	seq.s32 s2, $0x1F;
	s19 =	sadd.s32 $0x6000, s25;
	[dreg:$0x5] =	wrdreg s18  }
0xe: {  	s3 =	sadd.s32 s5, s3;
	s20 =	sadd.s32 $0x8000, s25;
	[dreg:$0x6] =	wrdreg s19  }
0xf: {  	s5 =	sadd.s32 $0x2E00, s0;
	s21 =	sadd.s32 $0xA000, s25;
	[dreg:$0x7] =	wrdreg s20  }
0x10: {  	s3 =	sshrl.u32 s3, $0x3;
	s22 =	sadd.s32 $0xC000, s25;
	[dreg:$0x8] =	wrdreg s21  }
0x11: {  	s23 =	sadd.s32 $0xE000, s25;
	s24 =	sadd.s32 $0x10000, s25;
	[dreg:$0x9] =	wrdreg s22  }
0x12: {  	s26 =	sadd.s32 $0x12000, s25;
	s0 =	sadd.s32 s3, s0;
	[dreg:$0xa] =	wrdreg s23  }
0x13: {  	s3 =	ssub.s32 s7, s16;
	[dreg:$0xb] =	wrdreg s24;
	s16 =	smul.u32 $0xA0, s2  }
.Ltmp0:
0x14: {  	[dreg:$0xc] =	wrdreg s26;
	s19 =	simm.s32 $0x2800;
	(pc) =	sbr.rel .LBB2_1-.Ltmp0, $4  }
0x15: {  	s20 =	simm.s32 $0x9;
	s21 =	simm.s32 $0x1400;
	s22 =	simm.s32 $0x40  }
0x16: {  	s24 =	simm.s32 $0x4800;
	s26 =	simm.s32 $0x6800;
	s0 =	sadd.s32 $0x51200, s0  }
0x17: {  	s2 =	simm.s32 $0x5;
	s29 =	smax.u32 s3, $0x1;
	[dreg:$0xd] =	wrdreg s0  }
0x18: {  	v0 =	vimm.f32 $0.0e+00;
	s7 =	simm.s32 $0x3;
	s3 =	simm.s32 $0x0;
	[dreg:$0xe] =	wrdreg s29  }
.LBB2_8:
0x19: {  	s0 =	stileid.u32;
	[bflag:$0x0] =	sbarrier.arrive $0xFFFF  }
0x1a: {  	s0 =	sshll.u32 s0, $0x6;
	s25 =	rddreg [dreg:$0x3]  }
0x1b: {  	s6 =	rddreg [dreg:$0xd];
	s0 =	sor.u32 $0x1C09, s0;
	s3 =	sshrl.u32 s25, $0x3  }
0x1c: {  	[hbm:s6], [sflag:s0] =	dma.local [spmem:s3], $0x2800  }
0x1d: {  	_ =	swait.ge [sflag:s20], $0x2800  }
0x1e: {  	s23 =	rddreg [dreg:$0xf]  }
0x1f: {  	s29 =	rddreg [dreg:$0xe];
	s3 =	sadd.s32 $0x1, s23  }
0x20: {  	p1 =	sne.s32 s3, s29  }
.Ltmp1:
0x21: {  	_ = 	snop;
	(pc) =	sbr.rel @!p1 .LBB2_9-.Ltmp1, $3  }
0x22: {  	_ =	sdelay $0x1  }
0x23: {  	[sflag:s20] =	ssyncset.done $0x0  }
0x24: {  	[sflag:s20] =	ssyncadd.s32 $0xFFFFD800  }
.LBB2_1:
0x25: {  	s0 =	simm.s32 $0x0  }
0x26: {  	s6 =	sand.u32 $0x7E00, s0  }
0x27: {  	s17 =	sand.u32 $0x70, s0;
	s18 =	sshrl.u32 s6, $0x2  }
0x28: {  	s6 =	simm.s32 $0x40;
	s18 =	sor.u32 s17, s18;
	s17 =	simm.s32 $0x0  }
.LBB2_2:
0x29: {  	p1 =	sne.s32 s6, $0x7FC0  }
0x2a: {  	[tilespmem:s18+$0x2800] =	vst v0;
	s17 =	sadd.s32 $0x10, s17;
	s18 =	smov.u32 s6;
	s6 =	sadd.s32 $0x40, s6  }
.Ltmp2:
0x2b: {  	(pc) =	sbr.rel @p1 .LBB2_2-.Ltmp2, $4  }
0x2c: {  	_ = 	snop  }
0x2d: {  	s18 =	sand.u32 $0x7E00, s18  }
0x2e: {  	s23 =	sand.u32 $0x70, s17;
	s18 =	sshrl.u32 s18, $0x2  }
0x2f: {  	s18 =	sor.u32 s23, s18  }
0x30: {  	[dreg:$0xf] =	wrdreg s3;
	[tilespmem:s18+$0x2800] =	vst v0  }
0x31: {  	[spmem:s25] =	stream.linear.scatter [tilespmem:s19], [sflag:$0x9], $0x2000, $0x38;
	[tilespmem:$0x1E800] =	vst v63  }
0x32: {  	_ =	swait.ge [sflag:s20], $0x2000  }
0x33: {  	[sflag:s20] =	ssyncset.done $0x0  }
0x34: {  	s0 =	rddreg [dreg:$0x4];
	[sflag:s20] =	ssyncadd.s32 $0xFFFFE000  }
0x35: {  	[spmem:s0] =	stream.linear.scatter [tilespmem:s19], [sflag:$0x9], $0x2000, $0x38;
	[tilespmem:$0x1E800] =	vst v63  }
0x36: {  	_ =	swait.ge [sflag:s20], $0x2000  }
0x37: {  	[sflag:s20] =	ssyncset.done $0x0  }
0x38: {  	s29 =	rddreg [dreg:$0x5];
	[sflag:s20] =	ssyncadd.s32 $0xFFFFE000  }
0x39: {  	[spmem:s29] =	stream.linear.scatter [tilespmem:s19], [sflag:$0x9], $0x2000, $0x38;
	[tilespmem:$0x1E800] =	vst v63  }
0x3a: {  	_ =	swait.ge [sflag:s20], $0x2000  }
0x3b: {  	[sflag:s20] =	ssyncset.done $0x0  }
0x3c: {  	s3 =	rddreg [dreg:$0x6];
	[sflag:s20] =	ssyncadd.s32 $0xFFFFE000  }
0x3d: {  	[spmem:s3] =	stream.linear.scatter [tilespmem:s19], [sflag:$0x9], $0x2000, $0x38;
	[tilespmem:$0x1E800] =	vst v63  }
0x3e: {  	_ =	swait.ge [sflag:s20], $0x2000  }
0x3f: {  	[sflag:s20] =	ssyncset.done $0x0  }
0x40: {  	s6 =	rddreg [dreg:$0x7];
	[sflag:s20] =	ssyncadd.s32 $0xFFFFE000  }
0x41: {  	[spmem:s6] =	stream.linear.scatter [tilespmem:s19], [sflag:$0x9], $0x2000, $0x38;
	[tilespmem:$0x1E800] =	vst v63  }
0x42: {  	_ =	swait.ge [sflag:s20], $0x2000  }
0x43: {  	[sflag:s20] =	ssyncset.done $0x0  }
0x44: {  	s17 =	rddreg [dreg:$0x8];
	[sflag:s20] =	ssyncadd.s32 $0xFFFFE000  }
0x45: {  	[spmem:s17] =	stream.linear.scatter [tilespmem:s19], [sflag:$0x9], $0x2000, $0x38;
	[tilespmem:$0x1E800] =	vst v63  }
0x46: {  	_ =	swait.ge [sflag:s20], $0x2000  }
0x47: {  	[sflag:s20] =	ssyncset.done $0x0  }
0x48: {  	s18 =	rddreg [dreg:$0x9];
	[sflag:s20] =	ssyncadd.s32 $0xFFFFE000  }
0x49: {  	[spmem:s18] =	stream.linear.scatter [tilespmem:s19], [sflag:$0x9], $0x2000, $0x38;
	[tilespmem:$0x1E800] =	vst v63  }
0x4a: {  	_ =	swait.ge [sflag:s20], $0x2000  }
0x4b: {  	[sflag:s20] =	ssyncset.done $0x0  }
0x4c: {  	s23 =	rddreg [dreg:$0xa];
	[sflag:s20] =	ssyncadd.s32 $0xFFFFE000  }
0x4d: {  	[spmem:s23] =	stream.linear.scatter [tilespmem:s19], [sflag:$0x9], $0x2000, $0x38;
	[tilespmem:$0x1E800] =	vst v63  }
0x4e: {  	_ =	swait.ge [sflag:s20], $0x2000  }
0x4f: {  	[sflag:s20] =	ssyncset.done $0x0  }
0x50: {  	s25 =	rddreg [dreg:$0xb];
	[sflag:s20] =	ssyncadd.s32 $0xFFFFE000  }
0x51: {  	[spmem:s25] =	stream.linear.scatter [tilespmem:s19], [sflag:$0x9], $0x2000, $0x38;
	[tilespmem:$0x1E800] =	vst v63  }
0x52: {  	_ =	swait.ge [sflag:s20], $0x2000  }
0x53: {  	[sflag:s20] =	ssyncset.done $0x0  }
0x54: {  	s29 =	rddreg [dreg:$0xc];
	[sflag:s20] =	ssyncadd.s32 $0xFFFFE000  }
0x55: {  	[spmem:s29] =	stream.linear.scatter [tilespmem:s19], [sflag:$0x9], $0x2000, $0x38;
	[tilespmem:$0x1E800] =	vst v63  }
.Ltmp3:
0x56: {  	_ =	swait.ge [sflag:s20], $0x2000;
	(pc) =	sbr.rel .LBB2_4-.Ltmp3, $4  }
0x57: {  	[sflag:s20] =	ssyncset.done $0x0  }
0x58: {  	[sflag:s20] =	ssyncadd.s32 $0xFFFFE000  }
0x59: {  	[bflag:$0x0] =	sbarrier.arrive $0xFFFF  }
0x5a: {  	s6 =	simm.s32 $0x0;
	s18 =	simm.s32 $0x0  }
.LBB2_7:
0x5b: {  	p1 =	slt.u32 @!p0 s6, $0x3  }
0x5c: {  	p1 =	por p0, !p1  }
.Ltmp4:
0x5d: {  	_ = 	snop;
	(pc) =	sbr.rel @p1 .LBB2_8-.Ltmp4, $4  }
0x5e: {  	_ = 	snop  }
0x5f: {  	_ =	swait.ge [sflag:s15], $0x2000  }
0x60: {  	[sflag:s15] =	ssyncset.done $0x0  }
0x61: {  	s6 =	sadd.s32 $0x1, s6;
	[sflag:s15] =	ssyncadd.s32 $0xFFFFE000  }
.LBB2_4:
0x62: {  	s17 =	smul.u32 $0x28, s6;
	_ =	sdelay $0x1  }
0x63: {  	s17 =	sadd.s32 s16, s17  }
0x64: {  	s17 =	sshll.u32 s17, $0x4  }
0x65: {  	s23 =	sadd.s32 s5, s17  }
0x66: {  	[tilespmem:s18], [sflag:$0x9] =	stream.linear.gather [hbm4b:s23+s18], $0x1400, $0x38;
	[tilespmem:$0x1E800] =	vst v63  }
0x67: {  	s17 =	sand.u32 $0x1FFFFFF0, s17;
	_ =	swait.ge [sflag:s20], $0x1400  }
0x68: {  	s17 =	sadd.s32 s5, s17;
	[sflag:s20] =	ssyncset.done $0x0  }
0x69: {  	s17 =	sadd.s32 $0x13880, s17;
	[sflag:s20] =	ssyncadd.s32 $0xFFFFEC00  }
0x6a: {  	[tilespmem:s21], [sflag:$0x9] =	stream.linear.gather [hbm4b:s17+s18], $0x1400, $0x38;
	[tilespmem:$0x1E800] =	vst v63  }
0x6b: {  	_ =	swait.ge [sflag:s20], $0x1400  }
0x6c: {  	[sflag:s20] =	ssyncset.done $0x0  }
0x6d: {  	[sflag:s20] =	ssyncadd.s32 $0xFFFFEC00  }
0x6e: {  	[tilespmem:s19], [sflag:$0x1] =	stream.indirect.gather [hbm4b:s4+s22], $0x80, s18, s22, $0xb8;
	[tilespmem:$0x1E800] =	vst v63  }
0x6f: {  	s0 =	simm.s32 $0x80  }
0x70: {  	[tilespmem:s24], [sflag:$0x2] =	stream.indirect.gather [hbm4b:s4+s22], $0x80, s0, s22, $0xb8;
	[tilespmem:$0x1E800] =	vst v63  }
0x71: {  	s17 =	simm.s32 $0x100  }
0x72: {  	[tilespmem:s26], [sflag:$0x3] =	stream.indirect.gather [hbm4b:s4+s22], $0x80, s17, s22, $0xb8;
	[tilespmem:$0x1E800] =	vst v63  }
0x73: {  	_ =	swait.ge [sflag:s28], $0x2000  }
0x74: {  	[sflag:s28] =	ssyncset.done $0x0  }
0x75: {  	[sflag:s28] =	ssyncadd.s32 $0xFFFFE000  }
0x76: {  	[spmem:s1] =	stream.indirect.scatter.add.f32 [tilespmem:s19], [sflag:$0x5], $0x80, s21, s22, $0xb8;
	[tilespmem:$0x1E800] =	vst v63  }
0x77: {  	s23 =	simm.s32 $0x180  }
0x78: {  	[tilespmem:s30], [sflag:$0x4] =	stream.indirect.gather [hbm4b:s4+s22], $0x80, s23, s22, $0xb8;
	[tilespmem:$0x1E800] =	vst v63  }
0x79: {  	_ =	swait.ge [sflag:s31], $0x2000  }
0x7a: {  	[sflag:s31] =	ssyncset.done $0x0  }
0x7b: {  	s25 =	simm.s32 $0x1480;
	[sflag:s31] =	ssyncadd.s32 $0xFFFFE000  }
0x7c: {  	[spmem:s1] =	stream.indirect.scatter.add.f32 [tilespmem:s24], [sflag:$0x6], $0x80, s25, s22, $0xb8;
	[tilespmem:$0x1E800] =	vst v63  }
0x7d: {  	_ =	swait.ge [sflag:s2], $0x2000  }
0x7e: {  	[sflag:s2] =	ssyncset.done $0x0  }
0x7f: {  	s29 =	simm.s32 $0x200;
	[sflag:s2] =	ssyncadd.s32 $0xFFFFE000  }
0x80: {  	[tilespmem:s19], [sflag:$0x1] =	stream.indirect.gather [hbm4b:s4+s22], $0x80, s29, s22, $0xb8;
	[tilespmem:$0x1E800] =	vst v63  }
0x81: {  	_ =	swait.ge [sflag:s7], $0x2000  }
0x82: {  	[sflag:s7] =	ssyncset.done $0x0  }
0x83: {  	[sflag:s7] =	ssyncadd.s32 $0xFFFFE000  }
0x84: {  	[spmem:s1] =	stream.indirect.scatter.add.f32 [tilespmem:s26], [sflag:$0x7], $0x80, s8, s22, $0xb8;
	[tilespmem:$0x1E800] =	vst v63  }
0x85: {  	_ =	swait.ge [sflag:s9], $0x2000  }
0x86: {  	[sflag:s9] =	ssyncset.done $0x0  }
0x87: {  	[sflag:s9] =	ssyncadd.s32 $0xFFFFE000  }
0x88: {  	[tilespmem:s24], [sflag:$0x2] =	stream.indirect.gather [hbm4b:s4+s22], $0x80, s10, s22, $0xb8;
	[tilespmem:$0x1E800] =	vst v63  }
0x89: {  	_ =	swait.ge [sflag:s11], $0x2000  }
0x8a: {  	[sflag:s11] =	ssyncset.done $0x0  }
0x8b: {  	[sflag:s11] =	ssyncadd.s32 $0xFFFFE000  }
0x8c: {  	[spmem:s1] =	stream.indirect.scatter.add.f32 [tilespmem:s30], [sflag:$0x8], $0x80, s12, s22, $0xb8;
	[tilespmem:$0x1E800] =	vst v63  }
0x8d: {  	_ =	swait.ge [sflag:s13], $0x2000  }
0x8e: {  	[sflag:s13] =	ssyncset.done $0x0  }
0x8f: {  	s17 =	simm.s32 $0x0;
	[sflag:s13] =	ssyncadd.s32 $0xFFFFE000  }
0x90: {  	[tilespmem:s26], [sflag:$0x3] =	stream.indirect.gather [hbm4b:s4+s22], $0x80, s14, s22, $0xb8;
	[tilespmem:$0x1E800] =	vst v63  }
.LBB2_5:
0x91: {  	_ =	swait.ge [sflag:s28], $0x2000  }
0x92: {  	s23 =	sshra.s32 s17, $0x2;
	[sflag:s28] =	ssyncset.done $0x0  }
0x93: {  	s25 =	sadd.s32 $0x1600, s23;
	[sflag:s28] =	ssyncadd.s32 $0xFFFFE000  }
0x94: {  	[spmem:s1] =	stream.indirect.scatter.add.f32 [tilespmem:s19], [sflag:$0x5], $0x80, s25, s22, $0xb8;
	[tilespmem:$0x1E800] =	vst v63  }
0x95: {  	_ =	swait.ge [sflag:s15], $0x2000  }
0x96: {  	[sflag:s15] =	ssyncset.done $0x0  }
0x97: {  	s0 =	sadd.s32 $0x380, s23;
	[sflag:s15] =	ssyncadd.s32 $0xFFFFE000  }
0x98: {  	[tilespmem:s30], [sflag:$0x4] =	stream.indirect.gather [hbm4b:s4+s22], $0x80, s0, s22, $0xb8;
	[tilespmem:$0x1E800] =	vst v63  }
0x99: {  	_ =	swait.ge [sflag:s31], $0x2000  }
0x9a: {  	[sflag:s31] =	ssyncset.done $0x0  }
0x9b: {  	s3 =	sadd.s32 $0x1680, s23;
	[sflag:s31] =	ssyncadd.s32 $0xFFFFE000  }
0x9c: {  	[spmem:s1] =	stream.indirect.scatter.add.f32 [tilespmem:s24], [sflag:$0x6], $0x80, s3, s22, $0xb8;
	[tilespmem:$0x1E800] =	vst v63  }
0x9d: {  	_ =	swait.ge [sflag:s2], $0x2000  }
0x9e: {  	p1 =	seq.s32 s17, $0x4000;
	[sflag:s2] =	ssyncset.done $0x0  }
0x9f: {  	s25 =	simm.s32 @p1 $0x3;
	[sflag:s2] =	ssyncadd.s32 $0xFFFFE000  }
0xa0: {  	_ =	swait.ge @p1 [sflag:s25], $0x2000  }
0xa1: {  	[sflag:s25] =	ssyncset.done @p1 $0x0  }
0xa2: {  	[sflag:s25] =	ssyncadd.s32 @p1 $0xFFFFE000;
	s25 =	sshra.s32 @p1 s17, $0x2  }
0xa3: {  	s29 =	simm.s32 @p1 $0x40;
	s0 =	simm.s32 @p1 $0x6800;
	s25 =	sadd.s32 @p1 $0x1700, s25  }
0xa4: {  	[spmem:s1] =	stream.indirect.scatter.add.f32 @p1 [tilespmem:s0], [sflag:$0x7], $0x80, s25, s29, $0xb8;
	[tilespmem:$0x1E800] =	vst v63  }
0xa5: {  	s0 =	simm.s32 @p1 $0x6  }
0xa6: {  	_ =	swait.ge @p1 [sflag:s0], $0x2000  }
0xa7: {  	[sflag:s0] =	ssyncset.done @p1 $0x0  }
0xa8: {  	[sflag:s0] =	ssyncadd.s32 @p1 $0xFFFFE000;
	s0 =	sshra.s32 @!p1 s17, $0x2  }
0xa9: {  	s3 =	simm.s32 @!p1 $0x2800;
	s29 =	simm.s32 @!p1 $0x40;
	s25 =	sadd.s32 @!p1 $0x400, s0  }
0xaa: {  	[tilespmem:s3], [sflag:$0x1] =	stream.indirect.gather @!p1 [hbm4b:s4+s29], $0x80, s25, s29, $0xb8;
	[tilespmem:$0x1E800] =	vst v63  }
0xab: {  	s3 =	simm.s32 @!p1 $0x3  }
0xac: {  	_ =	swait.ge @!p1 [sflag:s3], $0x2000  }
0xad: {  	[sflag:s3] =	ssyncset.done @!p1 $0x0  }
0xae: {  	s25 =	simm.s32 @!p1 $0x6800;
	[sflag:s3] =	ssyncadd.s32 @!p1 $0xFFFFE000;
	s3 =	sadd.s32 @!p1 $0x1700, s0  }
0xaf: {  	[spmem:s1] =	stream.indirect.scatter.add.f32 @!p1 [tilespmem:s25], [sflag:$0x7], $0x80, s3, s29, $0xb8;
	[tilespmem:$0x1E800] =	vst v63  }
0xb0: {  	s3 =	simm.s32 @!p1 $0x6  }
0xb1: {  	_ =	swait.ge @!p1 [sflag:s3], $0x2000  }
0xb2: {  	[sflag:s3] =	ssyncset.done @!p1 $0x0  }
0xb3: {  	s0 =	sadd.s32 @!p1 $0x480, s0;
	[sflag:s3] =	ssyncadd.s32 @!p1 $0xFFFFE000;
	s3 =	simm.s32 @!p1 $0x4800  }
0xb4: {  	[tilespmem:s3], [sflag:$0x2] =	stream.indirect.gather @!p1 [hbm4b:s4+s29], $0x80, s0, s29, $0xb8;
	[tilespmem:$0x1E800] =	vst v63  }
0xb5: {  	_ =	swait.ge [sflag:s11], $0x2000  }
0xb6: {  	[sflag:s11] =	ssyncset.done $0x0  }
.Ltmp5:
0xb7: {  	s29 =	sadd.s32 $0x1780, s23;
	[sflag:s11] =	ssyncadd.s32 $0xFFFFE000;
	(pc) =	sbr.rel @p1 .LBB2_7-.Ltmp5, $4  }
0xb8: {  	[spmem:s1] =	stream.indirect.scatter.add.f32 [tilespmem:s30], [sflag:$0x8], $0x80, s29, s22, $0xb8;
	[tilespmem:$0x1E800] =	vst v63  }
0xb9: {  	_ =	swait.ge [sflag:s13], $0x2000  }
0xba: {  	[sflag:s13] =	ssyncset.done $0x0  }
0xbb: {  	[sflag:s13] =	ssyncadd.s32 $0xFFFFE000  }
.Ltmp6:
0xbc: {  	(pc) =	sbr.rel .LBB2_5-.Ltmp6, $3  }
0xbd: {  	_ =	sdelay $0x1  }
0xbe: {  	s0 =	sadd.s32 $0x500, s23;
	s17 =	sadd.s32 $0x800, s17  }
0xbf: {  	[tilespmem:s26], [sflag:$0x3] =	stream.indirect.gather [hbm4b:s4+s22], $0x80, s0, s22, $0xb8;
	[tilespmem:$0x1E800] =	vst v63  }
.LBB2_9:
0xc0: {  	_ =	sfence.sel $0x180000  }
0xc1: {  	[bflag:$0x0] =	sbarrier.arrive $0xFFFF  }
0xc2: {  	_ =	strace $0x9000004D  }
0xc3: {  	s0 =	stileid.u32;
	[bflag:$0x2] =	sbarrier.arrive $0xFFFF  }
0xc4: {  	p0 =	sne.s32 s0, $0x0;
	s0 =	rddreg [dreg:$0x2]  }
0xc5: {  	s0 =	sadd.s32 @!p0 $0x100000, s0  }
0xc6: {  	[sflag:s0] =	ssyncadd.tile.s32 @!p0 $0x1;
	_ =	shalt  }
.Lfunc_end2:
_tile_overlayer_lowered:
.L_overlay_start_2:
0xc7: {  	(tag) =	ssettag $0x2  }
0xc8: {  	s0 =	rddreg [dreg:$0x0];
	s2 =	stileid.u32  }
0xc9: {  	s1 =	rddreg [dreg:$0x1];
	p0 =	sne.s32 s2, $0x0  }
0xca: {  	s3 =	rddreg [dreg:$0x2];
	[bflag:$0x3] =	sbarrier.arrive $0xFFFF;
	s2 =	simm.s32 @!p0 $0x1C09  }
0xcb: {  	[timem:s3], [sflag:s2] =	dma.local @!p0 [hbm:s0], s1  }
0xcc: {  	s0 =	simm.s32 @!p0 $0x9  }
0xcd: {  	_ =	swait.ge @!p0 [sflag:s0], s1  }
0xce: {  	s1 =	ssub.s32 @!p0 $0x0, s1;
	[sflag:s0] =	ssyncset.done @!p0 $0x0  }
0xcf: {  	[sflag:s0] =	ssyncadd.s32 @!p0 s1  }
0xd0: {  	[bflag:$0x3] =	sbarrier.arrive $0xFFFF  }
0xd1: {  	_ =	shalt  }

// kernel: kernel.8.cloned.1.call-start
scs
__scs_entry_jumppad:
0x0: {  	(pc) =	sbr.rel $0x88, $3  }
0x1: {  	(tag) =	ssettag $0x0;
	lr =	simm.s32 $0x1  }
0x2: {  	[smem:$0x3F98] =	sst lr;
	_ =	strace $0xD0000000  }
0x3: {  	_ = 	snop  }
0x4: {  	_ = 	snop  }
0x5: {  	_ = 	snop  }
0x6: {  	_ = 	snop  }
0x7: {  	_ = 	snop  }
__scs_overlays_trampoline_lowered:
0x8: {  	[smem:$0x3FA7] =	sst s0  }
0x9: {  	[smem:$0x3FA8] =	sst s1  }
0xa: {  	[smem:$0x3FA9] =	sst s2  }
0xb: {  	[smem:$0x3FAA] =	sst s3  }
0xc: {  	[smem:$0x3FAB] =	sst s4  }
0xd: {  	[smem:$0x3FAC] =	sst s5  }
0xe: {  	[smem:$0x3FAD] =	sst s6  }
0xf: {  	[smem:$0x3FAE] =	sst s7  }
0x10: {  	[smem:$0x3FAF] =	sst s8  }
0x11: {  	[smem:$0x3FB0] =	sst s9;
	s0 =	simm.s32 @!p0 $0x0  }
0x12: {  	s1 =	sld [smem:$0x3F96];
	s0 =	simm.s32 @p0 $0x1  }
0x13: {  	[smem:$0x3FB1] =	sst s0;
	s0 =	simm.s32 @!p1 $0x0  }
0x14: {  	s2 =	sld [smem:$0x3F95];
	s0 =	simm.s32 @p1 $0x1  }
0x15: {  	[smem:$0x3FB2] =	sst s0;
	s0 =	simm.s32 @!p2 $0x0  }
0x16: {  	s3 =	sld [smem:$0x3FDB];
	s0 =	simm.s32 @p2 $0x1  }
0x17: {  	s4 =	simm.s32 $0x1BF5;
	[smem:$0x3FB4] =	sst s0  }
0x18: {  	s0 =	sld [smem:$0x3F97];
	_ =	swait.ge [sflag:s4], $0x0  }
0x19: {  	s7 =	sld [smem:$0x3F98]  }
0x1a: {  	s8 =	sadd.s32 $0xFFFFE003, lr  }
0x1b: {  	s9 =	sadd.s32 $0xFFFFFEF7, lr;
	s5 =	simm.s32 $0xFFFFFFFF;
	p2 =	slt.u32 s8, $0xFFFFF086  }
0x1c: {  	p1 =	slt.u32 s9, $0xF7A;
	s5 =	simm.s32 @!p2 $0x0  }
0x1d: {  	s5 =	simm.s32 @p1 $0x1;
	p0 =	seq.s32 s7, s2  }
0x1e: {  	s7 =	smul.u32 @!p0 $0xF7A, s2;
	p2 =	seq.s32 @!p0 s5, $0x0  }
0x1f: {  	s9 =	smul.u32 $0xF7A, s1;
	s8 =	simm.s32 @!p0 $0x1BF5;
	p2 =	por !p2, p0  }
0x20: {  	[sflag:s8] =	ssyncset.s32 @!p0 $0xFFFFF086;
	s6 =	sadd.s32 @!p0 s3, s7;
	s7 =	simm.s32 @!p0 $0x108  }
0x21: {  	s3 =	sadd.s32 s3, s9;
	s6 =	sadd.s32 @!p0 $0x88, s6;
	s7 =	simm.s32 @p2 $0x1082  }
0x22: {  	[simem:s7], [sflag:s8] =	dma.local @!p0 [hbm:s6], $0xF7A  }
0x23: {  	s9 =	sor.u32 $0xD0000000, s2;
	s6 =	simm.s32 $0x108;
	_ =	swait.ge @!p0 [sflag:s8], $0x0  }
0x24: {  	s3 =	sadd.s32 $0x88, s3;
	s6 =	simm.s32 @!p1 $0x1082;
	[sflag:s4] =	ssyncset.s32 $0xFFFFF086  }
0x25: {  	[simem:s6], [sflag:s4] =	dma.local [hbm:s3], $0xF7A  }
0x26: {  	[smem:$0x3F98] =	sst s1;
	(tag) =	ssettag s2;
	_ =	strace s9  }
0x27: {  	s1 =	sld [smem:$0x3FA8]  }
0x28: {  	s2 =	sld [smem:$0x3FA9]  }
0x29: {  	s4 =	sld [smem:$0x3FAB]  }
0x2a: {  	p0 =	seq.s32 s5, $0x0;
	s5 =	sld [smem:$0x3FAC]  }
0x2b: {  	s6 =	sld [smem:$0x3FAD]  }
0x2c: {  	s7 =	sld [smem:$0x3FAE]  }
0x2d: {  	s3 =	simm.s32 $0x108;
	s8 =	sld [smem:$0x3FAF]  }
0x2e: {  	s3 =	simm.s32 @!p0 $0x1082;
	s9 =	sld [smem:$0x3FB0]  }
0x2f: {  	lr =	sadd.s32 s0, s3;
	s0 =	sld [smem:$0x3FA7]  }
0x30: {  	s3 =	sld [smem:$0x3FAA]  }
0x31: {  	[smem:$0x3FB3] =	sst s10  }
0x32: {  	s10 =	sld [smem:$0x3FB1];
	_ =	sdelay $0x3  }
0x33: {  	p0 =	seq.s32 s10, $0x1;
	s10 =	sld [smem:$0x3FB3];
	_ =	sdelay $0x3  }
0x34: {  	[smem:$0x3FB3] =	sst s10  }
0x35: {  	s10 =	sld [smem:$0x3FB2];
	_ =	sdelay $0x3  }
0x36: {  	p1 =	seq.s32 s10, $0x1;
	s10 =	sld [smem:$0x3FB3];
	_ =	sdelay $0x3  }
0x37: {  	[smem:$0x3FB3] =	sst s10  }
0x38: {  	s10 =	sld [smem:$0x3FB4]  }
0x39: {  	_ = 	snop;
	(pc) =	sbr.ind lr, $3  }
0x3a: {  	_ = 	snop  }
0x3b: {  	_ = 	snop  }
0x3c: {  	p2 =	seq.s32 s10, $0x1;
	s10 =	sld [smem:$0x3FB3]  }
0x3d: {  	_ =	shalt  }
0x3e: {  	_ =	shalt  }
0x3f: {  	_ =	shalt  }
0x40: {  	_ =	shalt  }
0x41: {  	_ =	shalt  }
0x42: {  	_ =	shalt  }
0x43: {  	_ =	shalt  }
0x44: {  	_ =	shalt  }
0x45: {  	_ =	shalt  }
0x46: {  	_ =	shalt  }
0x47: {  	_ =	shalt  }
0x48: {  	_ =	shalt  }
0x49: {  	_ =	shalt  }
0x4a: {  	_ =	shalt  }
0x4b: {  	_ =	shalt  }
0x4c: {  	_ =	shalt  }
0x4d: {  	_ =	shalt  }
0x4e: {  	_ =	shalt  }
0x4f: {  	_ =	shalt  }
0x50: {  	_ =	shalt  }
0x51: {  	_ =	shalt  }
0x52: {  	_ =	shalt  }
0x53: {  	_ =	shalt  }
0x54: {  	_ =	shalt  }
0x55: {  	_ =	shalt  }
0x56: {  	_ =	shalt  }
0x57: {  	_ =	shalt  }
0x58: {  	_ =	shalt  }
0x59: {  	_ =	shalt  }
0x5a: {  	_ =	shalt  }
0x5b: {  	_ =	shalt  }
0x5c: {  	_ =	shalt  }
0x5d: {  	_ =	shalt  }
0x5e: {  	_ =	shalt  }
0x5f: {  	_ =	shalt  }
0x60: {  	_ =	shalt  }
0x61: {  	_ =	shalt  }
0x62: {  	_ =	shalt  }
0x63: {  	_ =	shalt  }
0x64: {  	_ =	shalt  }
0x65: {  	_ =	shalt  }
0x66: {  	_ =	shalt  }
0x67: {  	_ =	shalt  }
0x68: {  	_ =	shalt  }
0x69: {  	_ =	shalt  }
0x6a: {  	_ =	shalt  }
0x6b: {  	_ =	shalt  }
0x6c: {  	_ =	shalt  }
0x6d: {  	_ =	shalt  }
0x6e: {  	_ =	shalt  }
0x6f: {  	_ =	shalt  }
0x70: {  	_ =	shalt  }
0x71: {  	_ =	shalt  }
0x72: {  	_ =	shalt  }
0x73: {  	_ =	shalt  }
0x74: {  	_ =	shalt  }
0x75: {  	_ =	shalt  }
0x76: {  	_ =	shalt  }
0x77: {  	_ =	shalt  }
0x78: {  	_ =	shalt  }
0x79: {  	_ =	shalt  }
0x7a: {  	_ =	shalt  }
0x7b: {  	_ =	shalt  }
0x7c: {  	_ =	shalt  }
0x7d: {  	_ =	shalt  }
0x7e: {  	_ =	shalt  }
0x7f: {  	_ =	shalt  }
0x80: {  	_ =	shalt  }
0x81: {  	_ =	shalt  }
0x82: {  	_ =	shalt  }
0x83: {  	_ =	shalt  }
0x84: {  	_ =	shalt  }
0x85: {  	_ =	shalt  }
0x86: {  	_ =	shalt  }
0x87: {  	_ =	shalt  }
.Lfunc_end0:
.L_simem_size_0:
called_computation_lowered:
.L_overlay_start_0:
0x88: {  	s2 =	sld [smem:$0x3FD9]  }
0x89: {  	s3 =	sld [smem:$0x3FFE];
	_ =	sdelay $0x1  }
0x8a: {  	s1 =	srdreg.scid  }
0x8b: {  	s0 =	sand.u32 $0x1, s1  }
0x8c: {  	s16 =	sshll.u32 s0, $0xA;
	s2 =	sadd.s32 s3, s2  }
0x8d: {  	s2 =	sadd.s32 s2, s16  }
0x8e: {  	[smem:$0x3FBF] =	sst s2  }
0x8f: {  	_ = 	snop  }
0x90: {  	(tm) =	ssettm $0x1  }
0x91: {  	s17 =	sld [smem:$0x3FFB];
	_ =	sdelay $0x3  }
0x92: {  	_ =	strace s17  }
0x93: {  	s2 =	sld [smem:$0x3FFC];
	_ =	sdelay $0x3  }
0x94: {  	_ =	strace s2  }
0x95: {  	s2 =	sld [smem:$0x3FFD];
	_ =	sdelay $0x3  }
0x96: {  	_ =	strace s2  }
0x97: {  	_ =	strace $0x8FFFFFFF  }
0x98: {  	s18 =	sld [smem:$0x3FDB];
	_ =	sdelay $0x1  }
0x99: {  	s19 =	simm.s32 $_scs_section_size  }
0x9a: {  	s4 =	simm.s32 $_size__tile_overlayer_lowered;
	s5 =	simm.s32 $_tile_overlayer_lowered  }
0x9b: {  	s22 =	simm.s32 $0x1BFF;
	s21 =	sshll.u32 s5, $0x1;
	s2 =	sadd.s32 s19, s18  }
0x9c: {  	s6 =	simm.s32 $0x0;
	s20 =	sshll.u32 s4, $0x1;
	s4 =	sadd.s32 s21, s2  }
0x9d: {  	[timem:s6], [sflag:s22] =	dma.local [hbm:s4], s20  }
0x9e: {  	_ =	swait.ge [sflag:s22], s20  }
0x9f: {  	s3 =	ssub.s32 $0x0, s20;
	[sflag:s22] =	ssyncset.done $0x0  }
0xa0: {  	[sflag:s22] =	ssyncadd.s32 s3;
	_ =	sdelay $0x1  }
0xa1: {  	s23 =	simm.s32 $0x1B8B  }
0xa2: {  	_ =	swait.ge [sflag:s23], $0x1  }
0xa3: {  	[sflag:s23] =	ssyncset.done $0x0  }
0xa4: {  	s25 =	simm.s32 $0x1B8E;
	s24 =	sld [smem:$0x3FFE];
	[sflag:s23] =	ssyncadd.s32 $0xFFFFFFFF  }
0xa5: {  	s26 =	simm.s32 $execute0_lowered;
	[smem:$0x3FD2] =	sst s25  }
0xa6: {  	s4 =	sshll.u32 s26, $0x1;
	_ =	strace $0x80000046;
	[dreg:$0x1] =	wrdreg $0xFFFFFFFF  }
0xa7: {  	s28 =	simm.s32 $_size_execute0_lowered;
	s2 =	sadd.s32 s2, s4;
	[dreg:$0x0] =	wrdreg $0x0  }
0xa8: {  	s4 =	sshll.u32 s28, $0x1;
	[dreg:$0x2] =	wrdreg s2  }
0xa9: {  	[dreg:$0x3] =	wrdreg s4  }
0xaa: {  	[dreg:$0x4] =	wrdreg $0xC0  }
0xab: {  	_ =	task [dreg:s6], $0x5FFFF  }
0xac: {  	[dreg:$0x1] =	wrdreg $0xFFFFFFFF  }
0xad: {  	[dreg:$0x0] =	wrdreg $0x60  }
0xae: {  	[dreg:$0x2] =	wrdreg s24  }
0xaf: {  	[dreg:$0x3] =	wrdreg $0x53000  }
0xb0: {  	[dreg:$0x4] =	wrdreg $0x9  }
0xb1: {  	_ =	task.clear_ibuf [dreg:s6], $0x5FFFF;
	_ =	strace $0x90000046  }
0xb2: {  	s29 =	simm.s32 $0x9;
	_ =	strace $0x80000048  }
0xb3: {  	_ =	swait.ge [sflag:s29], $0x1  }
0xb4: {  	[sflag:s29] =	ssyncadd.s32 $0xFFFFFFFF  }
0xb5: {  	_ =	strace $0x90000048  }
0xb6: {  	_ =	sfence  }
0xb7: {  	s30 =	sld [smem:$0x0];
	_ =	sdelay $0x2  }
0xb8: {  	s31 =	sshll.u32 s1, $0xD;
	s1 =	sshrl.u32 s1, $0x2  }
0xb9: {  	s3 =	sand.u32 $0x4000, s31;
	s1 =	sadd.s32 s1, s30  }
0xba: {  	s0 =	sor.u32 s3, s0;
	s1 =	sshll.u32 s1, $0x11  }
0xbb: {  	s0 =	sor.u32 s1, s0  }
0xbc: {  	s0 =	sadd.s32 $0x8F2B, s0  }
0xbd: {  	[sflag:s0] =	ssyncadd.remote.s32 $0x1  }
0xbe: {  	_ =	sfence.sel $0xFFFF  }
0xbf: {  	[dreg:$0x0] =	wrdreg $0xFFFFFFFF;
	(pc) =	sbr.abs _section_cstart, $3  }
0xc0: {  	[dreg:$0x1] =	wrdreg $0xFFFFFFFF  }
0xc1: {  	_ =	task.clear_ibuf [dreg:s6], $0x2FFFF;
	_ =	strace $0x9FFFFFFF  }
0xc2: {  	(tm) =	ssettm $0x7FFFFFFF  }
0xc3: {  	_ =	shalt  }
tec
execute0_lowered:
.L_overlay_start_1:
0x0: {  	(tag) =	ssettag $0x1  }
0x1: {  	s6 =	rddreg [dreg:$0x0]  }
0x2: {  	s2 =	rddreg [dreg:$0x1]  }
0x3: {  	s3 =	srdreg.scid;
	s1 =	stileid.u32  }
0x4: {  	s0 =	rddreg [dreg:$0x2];
	s11 =	simm.s32 $0x2;
	s12 =	simm.s32 $0x40  }
0x5: {  	s13 =	simm.s32 $0x5000;
	s14 =	simm.s32 $0x1;
	s17 =	simm.s32 $0x20  }
0x6: {  	s18 =	simm.s32 $0x10;
	s19 =	simm.s32 $0x0;
	s4 =	sand.u32 $0x1, s3  }
0x7: {  	s5 =	smul.u32 $0x500, s1;
	s3 =	simm.s32 $0x0;
	s8 =	sshll.u32 s1, $0x1  }
0x8: {  	s30 =	smul.u32 $0xA00, s1;
	s15 =	sshll.u32 s1, $0x6;
	s7 =	sshll.u32 s4, $0x7  }
0x9: {  	[smem:$0x7FF] =	sst s3;
	s26 =	sor.u32 s4, s8;
	s4 =	ssub.s32 $0x2, s4  }
0xa: {  	s15 =	sor.u32 $0x1C02, s15;
	s5 =	sor.u32 s7, s5;
	s8 =	smul.u32 $0x5000, s26  }
0xb: {  	_ =	strace $0x80000047;
	s28 =	sshrl.u32 s4, $0x1;
	p0 =	seq.s32 s26, $0x1F  }
0xc: {  	s31 =	sshrl.u32 s30, $0x2;
	s5 =	sshrl.u32 s5, $0x3;
	s10 =	ssub.s32 s4, s28  }
0xd: {  	s4 =	simm.s32 $0x28;
	s7 =	sadd.s32 s31, s2;
	s9 =	sadd.s32 s5, s6  }
0xe: {  	s29 =	sshrl.u32 s8, $0x3;
	s4 =	simm.s32 @!p0 $0xA0;
	s16 =	sshrl.u32 s7, $0x3  }
0xf: {  	s5 =	sadd.s32 s6, s29;
	s6 =	sadd.s32 $0x29C80, s6;
	s8 =	sadd.s32 $0x2A000, s9  }
0x10: {  	v0 =	vimm.f32 $1.000000000e+00;
	v1 =	vimm.f32 $0.0e+00;
	s9 =	smax.u32 s10, $0x1;
	s10 =	simm.s32 $0x5080;
	s5 =	sadd.s32 $0x16680, s5  }
.LBB2_1:
0x11: {  	[tilespmem:$0x5000] =	vst v0  }
0x12: {  	[tilespmem:$0x5010] =	vst v0  }
0x13: {  	[tilespmem:$0x5020] =	vst v0  }
0x14: {  	[tilespmem:$0x5030] =	vst v0  }
0x15: {  	[tilespmem:$0x5080] =	vst v1  }
0x16: {  	[tilespmem:$0x5090] =	vst v1  }
0x17: {  	[tilespmem:$0x50A0] =	vst v1  }
0x18: {  	[tilespmem:$0x50B0] =	vst v1  }
0x19: {  	[tilespmem:$0x50C0] =	vst v1  }
0x1a: {  	[tilespmem:$0x50D0] =	vst v1  }
0x1b: {  	[tilespmem:$0x50E0] =	vst v1  }
0x1c: {  	[tilespmem:$0x50F0] =	vst v1  }
0x1d: {  	[tilespmem:$0x5100] =	vst v1  }
0x1e: {  	[tilespmem:$0x5110] =	vst v1  }
0x1f: {  	[tilespmem:$0x5120] =	vst v1  }
0x20: {  	[tilespmem:$0x5130] =	vst v1  }
0x21: {  	[tilespmem:$0x5140] =	vst v1  }
0x22: {  	[tilespmem:$0x5150] =	vst v1  }
0x23: {  	[tilespmem:$0x5160] =	vst v1  }
0x24: {  	[tilespmem:$0x5170] =	vst v1  }
0x25: {  	[tilespmem:$0x5180] =	vst v1  }
0x26: {  	[tilespmem:$0x5190] =	vst v1  }
0x27: {  	[tilespmem:$0x51A0] =	vst v1  }
0x28: {  	[tilespmem:$0x51B0] =	vst v1  }
0x29: {  	[tilespmem:$0x51C0] =	vst v1  }
0x2a: {  	[tilespmem:$0x51D0] =	vst v1  }
0x2b: {  	[tilespmem:$0x51E0] =	vst v1  }
0x2c: {  	[tilespmem:$0x51F0] =	vst v1  }
0x2d: {  	[tilespmem:$0x5200] =	vst v1  }
0x2e: {  	[tilespmem:$0x5210] =	vst v1  }
0x2f: {  	[tilespmem:$0x5220] =	vst v1  }
0x30: {  	[tilespmem:$0x5230] =	vst v1  }
0x31: {  	[tilespmem:$0x5240] =	vst v1  }
0x32: {  	[tilespmem:$0x5250] =	vst v1  }
0x33: {  	[tilespmem:$0x5260] =	vst v1  }
0x34: {  	[tilespmem:$0x5270] =	vst v1  }
0x35: {  	[tilespmem:$0x5280] =	vst v1  }
0x36: {  	[tilespmem:$0x5290] =	vst v1  }
0x37: {  	[tilespmem:$0x52A0] =	vst v1  }
0x38: {  	[tilespmem:$0x52B0] =	vst v1  }
0x39: {  	[tilespmem:$0x52C0] =	vst v1  }
0x3a: {  	[tilespmem:$0x52D0] =	vst v1  }
0x3b: {  	[tilespmem:$0x52E0] =	vst v1  }
0x3c: {  	[tilespmem:$0x52F0] =	vst v1;
	s20 =	simm.s32 @p0 $0x0  }
0x3d: {  	[tilespmem:s20], [sflag:$0x2] =	stream.linear.gather @p0 [hbm4b:s6+s20], $0x1400, $0x38;
	[tilespmem:$0x5580] =	vst v63  }
0x3e: {  	s20 =	simm.s32 @p0 $0x2  }
0x3f: {  	_ =	swait.ge @p0 [sflag:s20], $0x1400  }
0x40: {  	[sflag:s20] =	ssyncset.done @p0 $0x0  }
0x41: {  	[sflag:s20] =	ssyncadd.s32 @p0 $0xFFFFEC00;
	s20 =	simm.s32 @!p0 $0x0  }
0x42: {  	[tilespmem:s20], [sflag:$0x2] =	stream.linear.gather @!p0 [hbm4b:s5+s20], $0x5000, $0x38;
	[tilespmem:$0x5580] =	vst v63  }
0x43: {  	s20 =	simm.s32 @!p0 $0x2  }
0x44: {  	_ =	swait.ge @!p0 [sflag:s20], $0x5000  }
0x45: {  	[sflag:s20] =	ssyncset.done @!p0 $0x0  }
0x46: {  	p1 =	sne.s32 s4, $0x1;
	[sflag:s20] =	ssyncadd.s32 @!p0 $0xFFFFB000  }
0x47: {  	[spmem:s7] =	stream.linear.scatter [tilespmem:s10], [sflag:$0x2], $0x280, $0x38;
	[tilespmem:$0x5580] =	vst v63  }
.Ltmp0:
0x48: {  	_ =	swait.ge [sflag:s11], $0x280;
	(pc) =	sbr.rel @!p1 .LBB2_3-.Ltmp0, $4  }
0x49: {  	[sflag:s11] =	ssyncset.done $0x0  }
0x4a: {  	[sflag:s11] =	ssyncadd.s32 $0xFFFFFD80  }
0x4b: {  	s21 =	simm.s32 $0x0;
	s20 =	sadd.s32 $0xFFFFFFFF, s4;
	[bflag:$0x0] =	sbarrier.arrive $0xFFFF  }
0x4c: {  	[spmem:s2] =	stream.indirect.scatter.add.f32 [tilespmem:s13], [sflag:$0x1], $0x1, s3, s12, $0xb8;
	[tilespmem:$0x5580] =	vst v63  }
.LBB2_2:
0x4d: {  	p2 =	sne.s32 s20, $0x1  }
.Ltmp1:
0x4e: {  	_ = 	snop;
	(pc) =	sbr.rel @p2 .LBB2_2-.Ltmp1, $3  }
0x4f: {  	_ = 	snop  }
0x50: {  	s20 =	sadd.s32 $0xFFFFFFFF, s20;
	s21 =	sadd.s32 $0x80, s21;
	_ =	sdelay $0x1  }
0x51: {  	[spmem:s2] =	stream.indirect.scatter.add.f32 [tilespmem:s13], [sflag:$0x1], $0x1, s21, s12, $0xb8;
	[tilespmem:$0x5580] =	vst v63  }
.LBB2_3:
.Ltmp2:
0x52: {  	(pc) =	sbr.rel @!p1 .LBB2_5-.Ltmp2, $3  }
0x53: {  	_ =	sdelay $0x1  }
0x54: {  	_ =	swait.ge [sflag:s14], $0x40  }
0x55: {  	s20 =	sadd.s32 $0xFFFFFFFF, s4;
	[sflag:s14] =	ssyncset.done $0x0  }
.LBB2_4:
0x56: {  	p1 =	sne.s32 s20, $0x1;
	s20 =	sadd.s32 $0xFFFFFFFF, s20;
	[sflag:s14] =	ssyncadd.s32 $0xFFFFFFC0  }
.Ltmp3:
0x57: {  	(pc) =	sbr.rel @p1 .LBB2_4-.Ltmp3, $3  }
0x58: {  	_ =	sdelay $0x1  }
0x59: {  	_ =	swait.ge [sflag:s14], $0x40  }
0x5a: {  	[sflag:s14] =	ssyncset.done $0x0  }
.LBB2_5:
0x5b: {  	s19 =	sadd.s32 $0x1, s19  }
0x5c: {  	[sflag:s14] =	ssyncadd.s32 $0xFFFFFFC0;
	p1 =	sne.s32 s19, s9  }
.Ltmp4:
0x5d: {  	[bflag:$0x0] =	sbarrier.arrive $0xFFFF;
	(pc) =	sbr.rel @p1 .LBB2_1-.Ltmp4, $4  }
0x5e: {  	[hbm:s8@s17], [sflag:s15] =	dma.strided [spmem:s16@s18], $0x50, s14, $0x10   }
0x5f: {  	_ =	swait.ge [sflag:s11], $0x50  }
0x60: {  	[sflag:s11] =	ssyncset.done $0x0  }
0x61: {  	[sflag:s11] =	ssyncadd.s32 $0xFFFFFFB0  }
0x62: {  	_ =	sfence.sel $0x180000  }
0x63: {  	[bflag:$0x0] =	sbarrier.arrive $0xFFFF  }
0x64: {  	p0 =	sne.s32 s1, $0x0;
	_ =	strace $0x90000047  }
0x65: {  	s0 =	sadd.s32 @!p0 $0x100000, s0;
	[bflag:$0x2] =	sbarrier.arrive $0xFFFF  }
0x66: {  	[sflag:s0] =	ssyncadd.tile.s32 @!p0 $0x1;
	_ =	shalt  }
.Lfunc_end2:
_tile_overlayer_lowered:
.L_overlay_start_2:
0x67: {  	(tag) =	ssettag $0x2  }
0x68: {  	s0 =	rddreg [dreg:$0x0];
	s2 =	stileid.u32  }
0x69: {  	s1 =	rddreg [dreg:$0x1];
	p0 =	sne.s32 s2, $0x0  }
0x6a: {  	s3 =	rddreg [dreg:$0x2];
	[bflag:$0x3] =	sbarrier.arrive $0xFFFF;
	s2 =	simm.s32 @!p0 $0x1C02  }
0x6b: {  	[timem:s3], [sflag:s2] =	dma.local @!p0 [hbm:s0], s1  }
0x6c: {  	s0 =	simm.s32 @!p0 $0x2  }
0x6d: {  	_ =	swait.ge @!p0 [sflag:s0], s1  }
0x6e: {  	s1 =	ssub.s32 @!p0 $0x0, s1;
	[sflag:s0] =	ssyncset.done @!p0 $0x0  }
0x6f: {  	[sflag:s0] =	ssyncadd.s32 @!p0 s1  }
0x70: {  	[bflag:$0x3] =	sbarrier.arrive $0xFFFF  }
0x71: {  	_ =	shalt  }

</sc_bundles>
